<compile_context>
chip_gen: v7x
topology: tpu7x:2x2x1
jax: 0.10.2.dev20260603
libtpu: 0.0.44.dev20260713+nightly
codegen_flags: <defaults>
</compile_context>

<pallas_src>
import functools

import jax
import jax.numpy as jnp
from jax import lax
from jax.experimental import pallas as pl
from jax.experimental.pallas import tpu as pltpu
from jax.experimental.pallas import tpu_sc as plsc

_BATCH = 16384
_DIM = 64
_NC = 2
_NS = 16
_NW = _NC * _NS
_BPW = _BATCH // _NW
_L = 16
_G = _BPW // _L
_TROW = 8
_GT = 1000000 // _TROW
_SG = 128
_NSG = _BPW // _SG
_SUBG = _SG // _L

_mesh = plsc.VectorSubcoreMesh(core_axis_name="c", subcore_axis_name="s")


@functools.partial(
    pl.kernel,
    mesh=_mesh,
    out_type=jax.ShapeDtypeStruct((_NW, _L), jnp.float32),
    compiler_params=pltpu.CompilerParams(needs_layout_passes=False),
    scratch_types=[
        pltpu.VMEM((_BPW,), jnp.int32),
        pltpu.VMEM((_BPW,), jnp.int32),
        pltpu.VMEM((_BPW,), jnp.float32),
        pltpu.VMEM((_BPW,), jnp.float32),
        pltpu.VMEM((_L, 2 * _DIM), jnp.float32),
        pltpu.VMEM((_L, 2 * _DIM), jnp.float32),
        pltpu.VMEM((_L,), jnp.float32),
        pltpu.SemaphoreType.DMA,
        pltpu.SemaphoreType.DMA,
    ],
)
def _mf_loss_parts(users_hbm, items_hbm, scores_hbm, weights_hbm,
                   utab_hbm, itab_hbm, out_hbm,
                   uidx_v, iidx_v, sc_v, w_v, ubuf_v, ibuf_v, part_v,
                   usem, isem):
    wid = lax.axis_index("s") * _NC + lax.axis_index("c")
    base = wid * _BPW

    in_copies = [
        pltpu.async_copy(users_hbm.at[pl.ds(base, _BPW)], uidx_v, usem),
        pltpu.async_copy(items_hbm.at[pl.ds(base, _BPW)], iidx_v, isem),
        pltpu.async_copy(scores_hbm.at[pl.ds(base, _BPW)], sc_v, usem),
        pltpu.async_copy(weights_hbm.at[pl.ds(base, _BPW)], w_v, isem),
    ]
    for c in in_copies:
        c.wait()

    lanes = lax.iota(jnp.int32, _L)
    mask15 = lanes == (_L - 1)

    def group_body(g, part):
        gsl = pl.ds(g * _L, _L)
        uvec = uidx_v[gsl]
        ivec = iidx_v[gsl]
        ugrp = uvec >> 1
        igrp = ivec >> 1
        uoff = (uvec & 1) * _DIM
        ioff = (ivec & 1) * _DIM
        copies = []
        for j in range(_L):
            copies.append(pltpu.async_copy(
                utab_hbm.at[pl.ds(ugrp[j], 1)],
                ubuf_v.at[pl.ds(j, 1)], usem))
            copies.append(pltpu.async_copy(
                itab_hbm.at[pl.ds(igrp[j], 1)],
                ibuf_v.at[pl.ds(j, 1)], isem))
        for c in copies:
            c.wait()

        s_chunk = sc_v[gsl]
        w_chunk = w_v[gsl]
        for j in range(_L):
            prod = jnp.zeros((_L,), jnp.float32)
            for c in range(_DIM // _L):
                u = ubuf_v[j, pl.ds(uoff[j] + c * _L, _L)]
                v = ibuf_v[j, pl.ds(ioff[j] + c * _L, _L)]
                prod = prod + u * v
            cs = lax.cumsum(prod, axis=0)
            diff = cs - s_chunk[j]
            part = part + diff * diff * w_chunk[j]
        return part

    part = lax.fori_loop(0, _G, group_body, jnp.zeros((_L,), jnp.float32))
    part_v[...] = jnp.where(mask15, part, 0.0)
    pltpu.sync_copy(part_v, out_hbm.at[wid])


def kernel(users, items, scores, sample_weight, user_table, item_table):
    ut2 = user_table.reshape(500000, 2 * _DIM)
    it2 = item_table.reshape(500000, 2 * _DIM)
    parts = _mf_loss_parts(users, items, scores, sample_weight, ut2, it2)
    return jnp.sum(parts) / _BATCH

# --- scband reference (transcript-rebuilt; emitter-appended) ---
"""Pipeline reference for scband-mf-weights-31765578121798 (READ-ONLY COPY).

The authoritative reference and input builder live on the scoring server;
editing this copy changes nothing except your own understanding.
"""

import jax, jax.numpy as jnp
import numpy as np

BATCH = 16384
NUM_USERS = 1000000
NUM_ITEMS = 1000000
DIM = 64

def setup_inputs(seed: int = 0) -> dict:
    key = jax.random.key(seed)
    k1, k2, k3, k4, k5, k6 = jax.random.split(key, 6)
    users = jax.random.randint(k1, (BATCH,), 0, NUM_USERS, dtype=jnp.int64 if jax.config.jax_enable_x64 else jnp.int32).astype(jnp.int32)
    items = jax.random.randint(k2, (BATCH,), 0, NUM_ITEMS, dtype=jnp.int32)
    scores = jax.random.uniform(k3, (BATCH,), dtype=jnp.float32)
    sample_weight = jax.random.uniform(k4, (BATCH,), dtype=jnp.float32)
    user_table = jax.random.normal(k5, (NUM_USERS, DIM), dtype=jnp.float32) * 0.01
    item_table = jax.random.normal(k6, (NUM_ITEMS, DIM), dtype=jnp.float32) * 0.01
    return {
        "users": users,
        "items": items,
        "scores": scores,
        "sample_weight": sample_weight,
        "user_table": user_table,
        "item_table": item_table,
    }

def reference(users, items, scores, sample_weight, user_table, item_table):
    # Embedding lookups (gather) -> SparseCore-friendly
    users_emb = jnp.take(user_table, users, axis=0)   # [B, DIM]
    items_emb = jnp.take(item_table, items, axis=0)   # [B, DIM]
    preds = jnp.sum(users_emb * items_emb, axis=-1)   # [B]
    loss = jnp.mean((preds - scores) ** 2 * sample_weight)
    return loss

if __name__ == "__main__":
    import jax
    _d = setup_inputs()
    print(jax.jit(kernel)(*tuple(_d.values())))

</pallas_src>

<mosaic_0001>
#map = affine_map<(d0, d1) -> (0)>
#map1 = affine_map<(d0, d1) -> (0, 0)>
module attributes {stable_mosaic.version = 14 : i64} {
  func.func @_mf_loss_parts(%arg0: i32, %arg1: i32, %arg2: memref<16384xi32, #tpu.memory_space<hbm>>, %arg3: memref<16384xi32, #tpu.memory_space<hbm>>, %arg4: memref<16384xf32, #tpu.memory_space<hbm>>, %arg5: memref<16384xf32, #tpu.memory_space<hbm>>, %arg6: memref<500000x128xf32, #tpu.memory_space<hbm>>, %arg7: memref<500000x128xf32, #tpu.memory_space<hbm>>, %arg8: memref<32x16xf32, #tpu.memory_space<hbm>>, %arg9: memref<512xi32, #tpu.memory_space<vmem>>, %arg10: memref<512xi32, #tpu.memory_space<vmem>>, %arg11: memref<512xf32, #tpu.memory_space<vmem>>, %arg12: memref<512xf32, #tpu.memory_space<vmem>>, %arg13: memref<16x128xf32, #tpu.memory_space<vmem>>, %arg14: memref<16x128xf32, #tpu.memory_space<vmem>>, %arg15: memref<16xf32, #tpu.memory_space<vmem>>, %arg16: memref<!tpu.dma_semaphore, #tpu.memory_space<semaphore_mem>>, %arg17: memref<!tpu.dma_semaphore, #tpu.memory_space<semaphore_mem>>) attributes {dimension_semantics = [#tpu.dimension_semantics<core_parallel>, #tpu.dimension_semantics<subcore_parallel>], iteration_bounds = array<i64: 2, 16>, scalar_prefetch = 0 : i64, scratch_operands = 9 : i64, tpu.core_type = #tpu.core_type<sc_vector_subcore>, window_params = [{transform_indices = #map}, {transform_indices = #map}, {transform_indices = #map}, {transform_indices = #map}, {transform_indices = #map1}, {transform_indices = #map1}, {transform_indices = #map1}]} {
    %mul3A = arith.constant 2 : i32
    %mul3A_0 = arith.muli %arg1, %mul3A : i32
    %add3A = arith.addi %mul3A_0, %arg0 : i32
    %mul3A_1 = arith.constant 512 : i32
    %mul3A_2 = arith.muli %add3A, %mul3A_1 : i32
    %dma_start3A = tpu.memref_slice %arg2[%mul3A_2] : memref<16384xi32, #tpu.memory_space<hbm>> -> memref<512xi32, #tpu.memory_space<hbm>>
    %dma_start3A_3 = tpu.memref_slice %arg2[%mul3A_2] : memref<16384xi32, #tpu.memory_space<hbm>> -> memref<512xi32, #tpu.memory_space<hbm>>
    tpu.enqueue_dma source(%dma_start3A_3 : memref<512xi32, #tpu.memory_space<hbm>>) target(%arg9 : memref<512xi32, #tpu.memory_space<vmem>>) target_semaphore(%arg16 : memref<!tpu.dma_semaphore, #tpu.memory_space<semaphore_mem>>)
    %dma_start3A_4 = tpu.memref_slice %arg3[%mul3A_2] : memref<16384xi32, #tpu.memory_space<hbm>> -> memref<512xi32, #tpu.memory_space<hbm>>
    %dma_start3A_5 = tpu.memref_slice %arg3[%mul3A_2] : memref<16384xi32, #tpu.memory_space<hbm>> -> memref<512xi32, #tpu.memory_space<hbm>>
    tpu.enqueue_dma source(%dma_start3A_5 : memref<512xi32, #tpu.memory_space<hbm>>) target(%arg10 : memref<512xi32, #tpu.memory_space<vmem>>) target_semaphore(%arg17 : memref<!tpu.dma_semaphore, #tpu.memory_space<semaphore_mem>>)
    %dma_start3A_6 = tpu.memref_slice %arg4[%mul3A_2] : memref<16384xf32, #tpu.memory_space<hbm>> -> memref<512xf32, #tpu.memory_space<hbm>>
    %dma_start3A_7 = tpu.memref_slice %arg4[%mul3A_2] : memref<16384xf32, #tpu.memory_space<hbm>> -> memref<512xf32, #tpu.memory_space<hbm>>
    tpu.enqueue_dma source(%dma_start3A_7 : memref<512xf32, #tpu.memory_space<hbm>>) target(%arg11 : memref<512xf32, #tpu.memory_space<vmem>>) target_semaphore(%arg16 : memref<!tpu.dma_semaphore, #tpu.memory_space<semaphore_mem>>)
    %dma_start3A_8 = tpu.memref_slice %arg5[%mul3A_2] : memref<16384xf32, #tpu.memory_space<hbm>> -> memref<512xf32, #tpu.memory_space<hbm>>
    %dma_start3A_9 = tpu.memref_slice %arg5[%mul3A_2] : memref<16384xf32, #tpu.memory_space<hbm>> -> memref<512xf32, #tpu.memory_space<hbm>>
    tpu.enqueue_dma source(%dma_start3A_9 : memref<512xf32, #tpu.memory_space<hbm>>) target(%arg12 : memref<512xf32, #tpu.memory_space<vmem>>) target_semaphore(%arg17 : memref<!tpu.dma_semaphore, #tpu.memory_space<semaphore_mem>>)
    %dma_wait3A = tpu.memref_slice %arg2[%mul3A_2] : memref<16384xi32, #tpu.memory_space<hbm>> -> memref<512xi32, #tpu.memory_space<hbm>>
    %dma_wait3A_10 = tpu.memref_slice %arg2[%mul3A_2] : memref<16384xi32, #tpu.memory_space<hbm>> -> memref<512xi32, #tpu.memory_space<hbm>>
    tpu.wait_dma2 semaphore(%arg16 : memref<!tpu.dma_semaphore, #tpu.memory_space<semaphore_mem>>) src(%dma_wait3A_10 : memref<512xi32, #tpu.memory_space<hbm>>) dst(%arg9 : memref<512xi32, #tpu.memory_space<vmem>>)
    %dma_wait3A_11 = tpu.memref_slice %arg3[%mul3A_2] : memref<16384xi32, #tpu.memory_space<hbm>> -> memref<512xi32, #tpu.memory_space<hbm>>
    %dma_wait3A_12 = tpu.memref_slice %arg3[%mul3A_2] : memref<16384xi32, #tpu.memory_space<hbm>> -> memref<512xi32, #tpu.memory_space<hbm>>
    tpu.wait_dma2 semaphore(%arg17 : memref<!tpu.dma_semaphore, #tpu.memory_space<semaphore_mem>>) src(%dma_wait3A_12 : memref<512xi32, #tpu.memory_space<hbm>>) dst(%arg10 : memref<512xi32, #tpu.memory_space<vmem>>)
    %dma_wait3A_13 = tpu.memref_slice %arg4[%mul3A_2] : memref<16384xf32, #tpu.memory_space<hbm>> -> memref<512xf32, #tpu.memory_space<hbm>>
    %dma_wait3A_14 = tpu.memref_slice %arg4[%mul3A_2] : memref<16384xf32, #tpu.memory_space<hbm>> -> memref<512xf32, #tpu.memory_space<hbm>>
    tpu.wait_dma2 semaphore(%arg16 : memref<!tpu.dma_semaphore, #tpu.memory_space<semaphore_mem>>) src(%dma_wait3A_14 : memref<512xf32, #tpu.memory_space<hbm>>) dst(%arg11 : memref<512xf32, #tpu.memory_space<vmem>>)
    %dma_wait3A_15 = tpu.memref_slice %arg5[%mul3A_2] : memref<16384xf32, #tpu.memory_space<hbm>> -> memref<512xf32, #tpu.memory_space<hbm>>
    %dma_wait3A_16 = tpu.memref_slice %arg5[%mul3A_2] : memref<16384xf32, #tpu.memory_space<hbm>> -> memref<512xf32, #tpu.memory_space<hbm>>
    tpu.wait_dma2 semaphore(%arg17 : memref<!tpu.dma_semaphore, #tpu.memory_space<semaphore_mem>>) src(%dma_wait3A_16 : memref<512xf32, #tpu.memory_space<hbm>>) dst(%arg12 : memref<512xf32, #tpu.memory_space<vmem>>)
    %iota3A = tpu.iota {dimensions = array<i32: 0>} : vector<16xi32>
    %eq3A = arith.constant 15 : i32
    %eq3A_17 = vector.broadcast %eq3A : i32 to vector<16xi32>
    %eq3A_18 = arith.cmpi eq, %iota3A, %eq3A_17 : vector<16xi32>
    %broadcast_in_dim3A = arith.constant 0.000000e+00 : f32
    %broadcast_in_dim3A_19 = vector.broadcast %broadcast_in_dim3A : f32 to vector<16xf32>
    %scan3A = arith.constant 0 : i32
    %scan3A_20 = arith.constant 32 : i32
    %scan3A_21 = arith.addi %scan3A, %scan3A_20 : i32
    %scan3A_22 = arith.constant 1 : i32
    %scan3A_23 = scf.for %scan3A_27 = %scan3A to %scan3A_21 step %scan3A_22 iter_args(%scan3A_28 = %broadcast_in_dim3A_19) -> (vector<16xf32>)  : i32 {
      %mul3A_29 = arith.constant 16 : i32
      %mul3A_30 = arith.muli %scan3A_27, %mul3A_29 : i32
      %get3A = arith.index_cast %mul3A_30 : i32 to index
      %get3A_31 = tpu.vector_load %arg9[%get3A] {strides = array<i32>} : memref<512xi32, #tpu.memory_space<vmem>>, vector<16xi32>,
      %get3A_32 = arith.index_cast %mul3A_30 : i32 to index
      %get3A_33 = tpu.vector_load %arg10[%get3A_32] {strides = array<i32>} : memref<512xi32, #tpu.memory_space<vmem>>, vector<16xi32>,
      %shift_right_arithmetic3A = arith.constant 1 : i32
      %shift_right_arithmetic3A_34 = vector.broadcast %shift_right_arithmetic3A : i32 to vector<16xi32>
      %shift_right_arithmetic3A_35 = arith.shrsi %get3A_31, %shift_right_arithmetic3A_34 : vector<16xi32>
      %shift_right_arithmetic3A_36 = arith.constant 1 : i32
      %shift_right_arithmetic3A_37 = vector.broadcast %shift_right_arithmetic3A_36 : i32 to vector<16xi32>
      %shift_right_arithmetic3A_38 = arith.shrsi %get3A_33, %shift_right_arithmetic3A_37 : vector<16xi32>
      %and3A = arith.constant 1 : i32
      %and3A_39 = vector.broadcast %and3A : i32 to vector<16xi32>
      %and3A_40 = arith.andi %get3A_31, %and3A_39 : vector<16xi32>
      %mul3A_41 = arith.constant 64 : i32
      %mul3A_42 = vector.broadcast %mul3A_41 : i32 to vector<16xi32>
      %mul3A_43 = arith.muli %and3A_40, %mul3A_42 : vector<16xi32>
      %and3A_44 = arith.constant 1 : i32
      %and3A_45 = vector.broadcast %and3A_44 : i32 to vector<16xi32>
      %and3A_46 = arith.andi %get3A_33, %and3A_45 : vector<16xi32>
      %mul3A_47 = arith.constant 64 : i32
      %mul3A_48 = vector.broadcast %mul3A_47 : i32 to vector<16xi32>
      %mul3A_49 = arith.muli %and3A_46, %mul3A_48 : vector<16xi32>
      %slice3A = vector.extract_strided_slice %shift_right_arithmetic3A_35 {offsets = [0], sizes = [1], strides = [1]} : vector<16xi32> to vector<1xi32>
      %squeeze3A = vector.extract %slice3A[0] : i32 from vector<1xi32>
      %dma_start3A_50 = arith.constant 0 : i32
      %dma_start3A_51 = arith.constant 0 : i32
      %dma_start3A_52 = tpu.memref_slice %arg13[%dma_start3A_50, %dma_start3A_51] : memref<16x128xf32, #tpu.memory_space<vmem>> -> memref<1x128xf32, #tpu.memory_space<vmem>>
      %dma_start3A_53 = arith.constant 0 : i32
      %dma_start3A_54 = tpu.memref_slice %arg6[%squeeze3A, %dma_start3A_53] : memref<500000x128xf32, #tpu.memory_space<hbm>> -> memref<1x128xf32, #tpu.memory_space<hbm>>
      %dma_start3A_55 = arith.constant 0 : i32
      %dma_start3A_56 = arith.constant 0 : i32
      %dma_start3A_57 = tpu.memref_slice %arg13[%dma_start3A_55, %dma_start3A_56] : memref<16x128xf32, #tpu.memory_space<vmem>> -> memref<1x128xf32, #tpu.memory_space<vmem>>
      %dma_start3A_58 = arith.constant 0 : i32
      %dma_start3A_59 = tpu.memref_slice %arg6[%squeeze3A, %dma_start3A_58] : memref<500000x128xf32, #tpu.memory_space<hbm>> -> memref<1x128xf32, #tpu.memory_space<hbm>>
      tpu.enqueue_dma source(%dma_start3A_59 : memref<1x128xf32, #tpu.memory_space<hbm>>) target(%dma_start3A_57 : memref<1x128xf32, #tpu.memory_space<vmem>>) target_semaphore(%arg16 : memref<!tpu.dma_semaphore, #tpu.memory_space<semaphore_mem>>)
      %slice3A_60 = vector.extract_strided_slice %shift_right_arithmetic3A_38 {offsets = [0], sizes = [1], strides = [1]} : vector<16xi32> to vector<1xi32>
      %squeeze3A_61 = vector.extract %slice3A_60[0] : i32 from vector<1xi32>
      %dma_start3A_62 = arith.constant 0 : i32
      %dma_start3A_63 = arith.constant 0 : i32
      %dma_start3A_64 = tpu.memref_slice %arg14[%dma_start3A_62, %dma_start3A_63] : memref<16x128xf32, #tpu.memory_space<vmem>> -> memref<1x128xf32, #tpu.memory_space<vmem>>
      %dma_start3A_65 = arith.constant 0 : i32
      %dma_start3A_66 = tpu.memref_slice %arg7[%squeeze3A_61, %dma_start3A_65] : memref<500000x128xf32, #tpu.memory_space<hbm>> -> memref<1x128xf32, #tpu.memory_space<hbm>>
      %dma_start3A_67 = arith.constant 0 : i32
      %dma_start3A_68 = arith.constant 0 : i32
      %dma_start3A_69 = tpu.memref_slice %arg14[%dma_start3A_67, %dma_start3A_68] : memref<16x128xf32, #tpu.memory_space<vmem>> -> memref<1x128xf32, #tpu.memory_space<vmem>>
      %dma_start3A_70 = arith.constant 0 : i32
      %dma_start3A_71 = tpu.memref_slice %arg7[%squeeze3A_61, %dma_start3A_70] : memref<500000x128xf32, #tpu.memory_space<hbm>> -> memref<1x128xf32, #tpu.memory_space<hbm>>
      tpu.enqueue_dma source(%dma_start3A_71 : memref<1x128xf32, #tpu.memory_space<hbm>>) target(%dma_start3A_69 : memref<1x128xf32, #tpu.memory_space<vmem>>) target_semaphore(%arg17 : memref<!tpu.dma_semaphore, #tpu.memory_space<semaphore_mem>>)
      %slice3A_72 = vector.extract_strided_slice %shift_right_arithmetic3A_35 {offsets = [1], sizes = [1], strides = [1]} : vector<16xi32> to vector<1xi32>
      %squeeze3A_73 = vector.extract %slice3A_72[0] : i32 from vector<1xi32>
      %dma_start3A_74 = arith.constant 1 : i32
      %dma_start3A_75 = arith.constant 0 : i32
      %dma_start3A_76 = tpu.memref_slice %arg13[%dma_start3A_74, %dma_start3A_75] : memref<16x128xf32, #tpu.memory_space<vmem>> -> memref<1x128xf32, #tpu.memory_space<vmem>>
      %dma_start3A_77 = arith.constant 0 : i32
      %dma_start3A_78 = tpu.memref_slice %arg6[%squeeze3A_73, %dma_start3A_77] : memref<500000x128xf32, #tpu.memory_space<hbm>> -> memref<1x128xf32, #tpu.memory_space<hbm>>
      %dma_start3A_79 = arith.constant 1 : i32
      %dma_start3A_80 = arith.constant 0 : i32
      %dma_start3A_81 = tpu.memref_slice %arg13[%dma_start3A_79, %dma_start3A_80] : memref<16x128xf32, #tpu.memory_space<vmem>> -> memref<1x128xf32, #tpu.memory_space<vmem>>
      %dma_start3A_82 = arith.constant 0 : i32
      %dma_start3A_83 = tpu.memref_slice %arg6[%squeeze3A_73, %dma_start3A_82] : memref<500000x128xf32, #tpu.memory_space<hbm>> -> memref<1x128xf32, #tpu.memory_space<hbm>>
      tpu.enqueue_dma source(%dma_start3A_83 : memref<1x128xf32, #tpu.memory_space<hbm>>) target(%dma_start3A_81 : memref<1x128xf32, #tpu.memory_space<vmem>>) target_semaphore(%arg16 : memref<!tpu.dma_semaphore, #tpu.memory_space<semaphore_mem>>)
      %slice3A_84 = vector.extract_strided_slice %shift_right_arithmetic3A_38 {offsets = [1], sizes = [1], strides = [1]} : vector<16xi32> to vector<1xi32>
      %squeeze3A_85 = vector.extract %slice3A_84[0] : i32 from vector<1xi32>
      %dma_start3A_86 = arith.constant 1 : i32
      %dma_start3A_87 = arith.constant 0 : i32
      %dma_start3A_88 = tpu.memref_slice %arg14[%dma_start3A_86, %dma_start3A_87] : memref<16x128xf32, #tpu.memory_space<vmem>> -> memref<1x128xf32, #tpu.memory_space<vmem>>
      %dma_start3A_89 = arith.constant 0 : i32
      %dma_start3A_90 = tpu.memref_slice %arg7[%squeeze3A_85, %dma_start3A_89] : memref<500000x128xf32, #tpu.memory_space<hbm>> -> memref<1x128xf32, #tpu.memory_space<hbm>>
      %dma_start3A_91 = arith.constant 1 : i32
      %dma_start3A_92 = arith.constant 0 : i32
      %dma_start3A_93 = tpu.memref_slice %arg14[%dma_start3A_91, %dma_start3A_92] : memref<16x128xf32, #tpu.memory_space<vmem>> -> memref<1x128xf32, #tpu.memory_space<vmem>>
      %dma_start3A_94 = arith.constant 0 : i32
      %dma_start3A_95 = tpu.memref_slice %arg7[%squeeze3A_85, %dma_start3A_94] : memref<500000x128xf32, #tpu.memory_space<hbm>> -> memref<1x128xf32, #tpu.memory_space<hbm>>
      tpu.enqueue_dma source(%dma_start3A_95 : memref<1x128xf32, #tpu.memory_space<hbm>>) target(%dma_start3A_93 : memref<1x128xf32, #tpu.memory_space<vmem>>) target_semaphore(%arg17 : memref<!tpu.dma_semaphore, #tpu.memory_space<semaphore_mem>>)
      %slice3A_96 = vector.extract_strided_slice %shift_right_arithmetic3A_35 {offsets = [2], sizes = [1], strides = [1]} : vector<16xi32> to vector<1xi32>
      %squeeze3A_97 = vector.extract %slice3A_96[0] : i32 from vector<1xi32>
      %dma_start3A_98 = arith.constant 2 : i32
      %dma_start3A_99 = arith.constant 0 : i32
      %dma_start3A_100 = tpu.memref_slice %arg13[%dma_start3A_98, %dma_start3A_99] : memref<16x128xf32, #tpu.memory_space<vmem>> -> memref<1x128xf32, #tpu.memory_space<vmem>>
      %dma_start3A_101 = arith.constant 0 : i32
      %dma_start3A_102 = tpu.memref_slice %arg6[%squeeze3A_97, %dma_start3A_101] : memref<500000x128xf32, #tpu.memory_space<hbm>> -> memref<1x128xf32, #tpu.memory_space<hbm>>
      %dma_start3A_103 = arith.constant 2 : i32
      %dma_start3A_104 = arith.constant 0 : i32
      %dma_start3A_105 = tpu.memref_slice %arg13[%dma_start3A_103, %dma_start3A_104] : memref<16x128xf32, #tpu.memory_space<vmem>> -> memref<1x128xf32, #tpu.memory_space<vmem>>
      %dma_start3A_106 = arith.constant 0 : i32
      %dma_start3A_107 = tpu.memref_slice %arg6[%squeeze3A_97, %dma_start3A_106] : memref<500000x128xf32, #tpu.memory_space<hbm>> -> memref<1x128xf32, #tpu.memory_space<hbm>>
      tpu.enqueue_dma source(%dma_start3A_107 : memref<1x128xf32, #tpu.memory_space<hbm>>) target(%dma_start3A_105 : memref<1x128xf32, #tpu.memory_space<vmem>>) target_semaphore(%arg16 : memref<!tpu.dma_semaphore, #tpu.memory_space<semaphore_mem>>)
      %slice3A_108 = vector.extract_strided_slice %shift_right_arithmetic3A_38 {offsets = [2], sizes = [1], strides = [1]} : vector<16xi32> to vector<1xi32>
      %squeeze3A_109 = vector.extract %slice3A_108[0] : i32 from vector<1xi32>
      %dma_start3A_110 = arith.constant 2 : i32
      %dma_start3A_111 = arith.constant 0 : i32
      %dma_start3A_112 = tpu.memref_slice %arg14[%dma_start3A_110, %dma_start3A_111] : memref<16x128xf32, #tpu.memory_space<vmem>> -> memref<1x128xf32, #tpu.memory_space<vmem>>
      %dma_start3A_113 = arith.constant 0 : i32
      %dma_start3A_114 = tpu.memref_slice %arg7[%squeeze3A_109, %dma_start3A_113] : memref<500000x128xf32, #tpu.memory_space<hbm>> -> memref<1x128xf32, #tpu.memory_space<hbm>>
      %dma_start3A_115 = arith.constant 2 : i32
      %dma_start3A_116 = arith.constant 0 : i32
      %dma_start3A_117 = tpu.memref_slice %arg14[%dma_start3A_115, %dma_start3A_116] : memref<16x128xf32, #tpu.memory_space<vmem>> -> memref<1x128xf32, #tpu.memory_space<vmem>>
      %dma_start3A_118 = arith.constant 0 : i32
      %dma_start3A_119 = tpu.memref_slice %arg7[%squeeze3A_109, %dma_start3A_118] : memref<500000x128xf32, #tpu.memory_space<hbm>> -> memref<1x128xf32, #tpu.memory_space<hbm>>
      tpu.enqueue_dma source(%dma_start3A_119 : memref<1x128xf32, #tpu.memory_space<hbm>>) target(%dma_start3A_117 : memref<1x128xf32, #tpu.memory_space<vmem>>) target_semaphore(%arg17 : memref<!tpu.dma_semaphore, #tpu.memory_space<semaphore_mem>>)
      %slice3A_120 = vector.extract_strided_slice %shift_right_arithmetic3A_35 {offsets = [3], sizes = [1], strides = [1]} : vector<16xi32> to vector<1xi32>
      %squeeze3A_121 = vector.extract %slice3A_120[0] : i32 from vector<1xi32>
      %dma_start3A_122 = arith.constant 3 : i32
      %dma_start3A_123 = arith.constant 0 : i32
      %dma_start3A_124 = tpu.memref_slice %arg13[%dma_start3A_122, %dma_start3A_123] : memref<16x128xf32, #tpu.memory_space<vmem>> -> memref<1x128xf32, #tpu.memory_space<vmem>>
      %dma_start3A_125 = arith.constant 0 : i32
      %dma_start3A_126 = tpu.memref_slice %arg6[%squeeze3A_121, %dma_start3A_125] : memref<500000x128xf32, #tpu.memory_space<hbm>> -> memref<1x128xf32, #tpu.memory_space<hbm>>
      %dma_start3A_127 = arith.constant 3 : i32
      %dma_start3A_128 = arith.constant 0 : i32
      %dma_start3A_129 = tpu.memref_slice %arg13[%dma_start3A_127, %dma_start3A_128] : memref<16x128xf32, #tpu.memory_space<vmem>> -> memref<1x128xf32, #tpu.memory_space<vmem>>
      %dma_start3A_130 = arith.constant 0 : i32
      %dma_start3A_131 = tpu.memref_slice %arg6[%squeeze3A_121, %dma_start3A_130] : memref<500000x128xf32, #tpu.memory_space<hbm>> -> memref<1x128xf32, #tpu.memory_space<hbm>>
      tpu.enqueue_dma source(%dma_start3A_131 : memref<1x128xf32, #tpu.memory_space<hbm>>) target(%dma_start3A_129 : memref<1x128xf32, #tpu.memory_space<vmem>>) target_semaphore(%arg16 : memref<!tpu.dma_semaphore, #tpu.memory_space<semaphore_mem>>)
      %slice3A_132 = vector.extract_strided_slice %shift_right_arithmetic3A_38 {offsets = [3], sizes = [1], strides = [1]} : vector<16xi32> to vector<1xi32>
      %squeeze3A_133 = vector.extract %slice3A_132[0] : i32 from vector<1xi32>
      %dma_start3A_134 = arith.constant 3 : i32
      %dma_start3A_135 = arith.constant 0 : i32
      %dma_start3A_136 = tpu.memref_slice %arg14[%dma_start3A_134, %dma_start3A_135] : memref<16x128xf32, #tpu.memory_space<vmem>> -> memref<1x128xf32, #tpu.memory_space<vmem>>
      %dma_start3A_137 = arith.constant 0 : i32
      %dma_start3A_138 = tpu.memref_slice %arg7[%squeeze3A_133, %dma_start3A_137] : memref<500000x128xf32, #tpu.memory_space<hbm>> -> memref<1x128xf32, #tpu.memory_space<hbm>>
      %dma_start3A_139 = arith.constant 3 : i32
      %dma_start3A_140 = arith.constant 0 : i32
      %dma_start3A_141 = tpu.memref_slice %arg14[%dma_start3A_139, %dma_start3A_140] : memref<16x128xf32, #tpu.memory_space<vmem>> -> memref<1x128xf32, #tpu.memory_space<vmem>>
      %dma_start3A_142 = arith.constant 0 : i32
      %dma_start3A_143 = tpu.memref_slice %arg7[%squeeze3A_133, %dma_start3A_142] : memref<500000x128xf32, #tpu.memory_space<hbm>> -> memref<1x128xf32, #tpu.memory_space<hbm>>
      tpu.enqueue_dma source(%dma_start3A_143 : memref<1x128xf32, #tpu.memory_space<hbm>>) target(%dma_start3A_141 : memref<1x128xf32, #tpu.memory_space<vmem>>) target_semaphore(%arg17 : memref<!tpu.dma_semaphore, #tpu.memory_space<semaphore_mem>>)
      %slice3A_144 = vector.extract_strided_slice %shift_right_arithmetic3A_35 {offsets = [4], sizes = [1], strides = [1]} : vector<16xi32> to vector<1xi32>
      %squeeze3A_145 = vector.extract %slice3A_144[0] : i32 from vector<1xi32>
      %dma_start3A_146 = arith.constant 4 : i32
      %dma_start3A_147 = arith.constant 0 : i32
      %dma_start3A_148 = tpu.memref_slice %arg13[%dma_start3A_146, %dma_start3A_147] : memref<16x128xf32, #tpu.memory_space<vmem>> -> memref<1x128xf32, #tpu.memory_space<vmem>>
      %dma_start3A_149 = arith.constant 0 : i32
      %dma_start3A_150 = tpu.memref_slice %arg6[%squeeze3A_145, %dma_start3A_149] : memref<500000x128xf32, #tpu.memory_space<hbm>> -> memref<1x128xf32, #tpu.memory_space<hbm>>
      %dma_start3A_151 = arith.constant 4 : i32
      %dma_start3A_152 = arith.constant 0 : i32
      %dma_start3A_153 = tpu.memref_slice %arg13[%dma_start3A_151, %dma_start3A_152] : memref<16x128xf32, #tpu.memory_space<vmem>> -> memref<1x128xf32, #tpu.memory_space<vmem>>
      %dma_start3A_154 = arith.constant 0 : i32
      %dma_start3A_155 = tpu.memref_slice %arg6[%squeeze3A_145, %dma_start3A_154] : memref<500000x128xf32, #tpu.memory_space<hbm>> -> memref<1x128xf32, #tpu.memory_space<hbm>>
      tpu.enqueue_dma source(%dma_start3A_155 : memref<1x128xf32, #tpu.memory_space<hbm>>) target(%dma_start3A_153 : memref<1x128xf32, #tpu.memory_space<vmem>>) target_semaphore(%arg16 : memref<!tpu.dma_semaphore, #tpu.memory_space<semaphore_mem>>)
      %slice3A_156 = vector.extract_strided_slice %shift_right_arithmetic3A_38 {offsets = [4], sizes = [1], strides = [1]} : vector<16xi32> to vector<1xi32>
      %squeeze3A_157 = vector.extract %slice3A_156[0] : i32 from vector<1xi32>
      %dma_start3A_158 = arith.constant 4 : i32
      %dma_start3A_159 = arith.constant 0 : i32
      %dma_start3A_160 = tpu.memref_slice %arg14[%dma_start3A_158, %dma_start3A_159] : memref<16x128xf32, #tpu.memory_space<vmem>> -> memref<1x128xf32, #tpu.memory_space<vmem>>
      %dma_start3A_161 = arith.constant 0 : i32
      %dma_start3A_162 = tpu.memref_slice %arg7[%squeeze3A_157, %dma_start3A_161] : memref<500000x128xf32, #tpu.memory_space<hbm>> -> memref<1x128xf32, #tpu.memory_space<hbm>>
      %dma_start3A_163 = arith.constant 4 : i32
      %dma_start3A_164 = arith.constant 0 : i32
      %dma_start3A_165 = tpu.memref_slice %arg14[%dma_start3A_163, %dma_start3A_164] : memref<16x128xf32, #tpu.memory_space<vmem>> -> memref<1x128xf32, #tpu.memory_space<vmem>>
      %dma_start3A_166 = arith.constant 0 : i32
      %dma_start3A_167 = tpu.memref_slice %arg7[%squeeze3A_157, %dma_start3A_166] : memref<500000x128xf32, #tpu.memory_space<hbm>> -> memref<1x128xf32, #tpu.memory_space<hbm>>
      tpu.enqueue_dma source(%dma_start3A_167 : memref<1x128xf32, #tpu.memory_space<hbm>>) target(%dma_start3A_165 : memref<1x128xf32, #tpu.memory_space<vmem>>) target_semaphore(%arg17 : memref<!tpu.dma_semaphore, #tpu.memory_space<semaphore_mem>>)
      %slice3A_168 = vector.extract_strided_slice %shift_right_arithmetic3A_35 {offsets = [5], sizes = [1], strides = [1]} : vector<16xi32> to vector<1xi32>
      %squeeze3A_169 = vector.extract %slice3A_168[0] : i32 from vector<1xi32>
      %dma_start3A_170 = arith.constant 5 : i32
      %dma_start3A_171 = arith.constant 0 : i32
      %dma_start3A_172 = tpu.memref_slice %arg13[%dma_start3A_170, %dma_start3A_171] : memref<16x128xf32, #tpu.memory_space<vmem>> -> memref<1x128xf32, #tpu.memory_space<vmem>>
      %dma_start3A_173 = arith.constant 0 : i32
      %dma_start3A_174 = tpu.memref_slice %arg6[%squeeze3A_169, %dma_start3A_173] : memref<500000x128xf32, #tpu.memory_space<hbm>> -> memref<1x128xf32, #tpu.memory_space<hbm>>
      %dma_start3A_175 = arith.constant 5 : i32
      %dma_start3A_176 = arith.constant 0 : i32
      %dma_start3A_177 = tpu.memref_slice %arg13[%dma_start3A_175, %dma_start3A_176] : memref<16x128xf32, #tpu.memory_space<vmem>> -> memref<1x128xf32, #tpu.memory_space<vmem>>
      %dma_start3A_178 = arith.constant 0 : i32
      %dma_start3A_179 = tpu.memref_slice %arg6[%squeeze3A_169, %dma_start3A_178] : memref<500000x128xf32, #tpu.memory_space<hbm>> -> memref<1x128xf32, #tpu.memory_space<hbm>>
      tpu.enqueue_dma source(%dma_start3A_179 : memref<1x128xf32, #tpu.memory_space<hbm>>) target(%dma_start3A_177 : memref<1x128xf32, #tpu.memory_space<vmem>>) target_semaphore(%arg16 : memref<!tpu.dma_semaphore, #tpu.memory_space<semaphore_mem>>)
      %slice3A_180 = vector.extract_strided_slice %shift_right_arithmetic3A_38 {offsets = [5], sizes = [1], strides = [1]} : vector<16xi32> to vector<1xi32>
      %squeeze3A_181 = vector.extract %slice3A_180[0] : i32 from vector<1xi32>
      %dma_start3A_182 = arith.constant 5 : i32
      %dma_start3A_183 = arith.constant 0 : i32
      %dma_start3A_184 = tpu.memref_slice %arg14[%dma_start3A_182, %dma_start3A_183] : memref<16x128xf32, #tpu.memory_space<vmem>> -> memref<1x128xf32, #tpu.memory_space<vmem>>
      %dma_start3A_185 = arith.constant 0 : i32
      %dma_start3A_186 = tpu.memref_slice %arg7[%squeeze3A_181, %dma_start3A_185] : memref<500000x128xf32, #tpu.memory_space<hbm>> -> memref<1x128xf32, #tpu.memory_space<hbm>>
      %dma_start3A_187 = arith.constant 5 : i32
      %dma_start3A_188 = arith.constant 0 : i32
      %dma_start3A_189 = tpu.memref_slice %arg14[%dma_start3A_187, %dma_start3A_188] : memref<16x128xf32, #tpu.memory_space<vmem>> -> memref<1x128xf32, #tpu.memory_space<vmem>>
      %dma_start3A_190 = arith.constant 0 : i32
      %dma_start3A_191 = tpu.memref_slice %arg7[%squeeze3A_181, %dma_start3A_190] : memref<500000x128xf32, #tpu.memory_space<hbm>> -> memref<1x128xf32, #tpu.memory_space<hbm>>
      tpu.enqueue_dma source(%dma_start3A_191 : memref<1x128xf32, #tpu.memory_space<hbm>>) target(%dma_start3A_189 : memref<1x128xf32, #tpu.memory_space<vmem>>) target_semaphore(%arg17 : memref<!tpu.dma_semaphore, #tpu.memory_space<semaphore_mem>>)
      %slice3A_192 = vector.extract_strided_slice %shift_right_arithmetic3A_35 {offsets = [6], sizes = [1], strides = [1]} : vector<16xi32> to vector<1xi32>
      %squeeze3A_193 = vector.extract %slice3A_192[0] : i32 from vector<1xi32>
      %dma_start3A_194 = arith.constant 6 : i32
      %dma_start3A_195 = arith.constant 0 : i32
      %dma_start3A_196 = tpu.memref_slice %arg13[%dma_start3A_194, %dma_start3A_195] : memref<16x128xf32, #tpu.memory_space<vmem>> -> memref<1x128xf32, #tpu.memory_space<vmem>>
      %dma_start3A_197 = arith.constant 0 : i32
      %dma_start3A_198 = tpu.memref_slice %arg6[%squeeze3A_193, %dma_start3A_197] : memref<500000x128xf32, #tpu.memory_space<hbm>> -> memref<1x128xf32, #tpu.memory_space<hbm>>
      %dma_start3A_199 = arith.constant 6 : i32
      %dma_start3A_200 = arith.constant 0 : i32
      %dma_start3A_201 = tpu.memref_slice %arg13[%dma_start3A_199, %dma_start3A_200] : memref<16x128xf32, #tpu.memory_space<vmem>> -> memref<1x128xf32, #tpu.memory_space<vmem>>
      %dma_start3A_202 = arith.constant 0 : i32
      %dma_start3A_203 = tpu.memref_slice %arg6[%squeeze3A_193, %dma_start3A_202] : memref<500000x128xf32, #tpu.memory_space<hbm>> -> memref<1x128xf32, #tpu.memory_space<hbm>>
      tpu.enqueue_dma source(%dma_start3A_203 : memref<1x128xf32, #tpu.memory_space<hbm>>) target(%dma_start3A_201 : memref<1x128xf32, #tpu.memory_space<vmem>>) target_semaphore(%arg16 : memref<!tpu.dma_semaphore, #tpu.memory_space<semaphore_mem>>)
      %slice3A_204 = vector.extract_strided_slice %shift_right_arithmetic3A_38 {offsets = [6], sizes = [1], strides = [1]} : vector<16xi32> to vector<1xi32>
      %squeeze3A_205 = vector.extract %slice3A_204[0] : i32 from vector<1xi32>
      %dma_start3A_206 = arith.constant 6 : i32
      %dma_start3A_207 = arith.constant 0 : i32
      %dma_start3A_208 = tpu.memref_slice %arg14[%dma_start3A_206, %dma_start3A_207] : memref<16x128xf32, #tpu.memory_space<vmem>> -> memref<1x128xf32, #tpu.memory_space<vmem>>
      %dma_start3A_209 = arith.constant 0 : i32
      %dma_start3A_210 = tpu.memref_slice %arg7[%squeeze3A_205, %dma_start3A_209] : memref<500000x128xf32, #tpu.memory_space<hbm>> -> memref<1x128xf32, #tpu.memory_space<hbm>>
      %dma_start3A_211 = arith.constant 6 : i32
      %dma_start3A_212 = arith.constant 0 : i32
      %dma_start3A_213 = tpu.memref_slice %arg14[%dma_start3A_211, %dma_start3A_212] : memref<16x128xf32, #tpu.memory_space<vmem>> -> memref<1x128xf32, #tpu.memory_space<vmem>>
      %dma_start3A_214 = arith.constant 0 : i32
      %dma_start3A_215 = tpu.memref_slice %arg7[%squeeze3A_205, %dma_start3A_214] : memref<500000x128xf32, #tpu.memory_space<hbm>> -> memref<1x128xf32, #tpu.memory_space<hbm>>
      tpu.enqueue_dma source(%dma_start3A_215 : memref<1x128xf32, #tpu.memory_space<hbm>>) target(%dma_start3A_213 : memref<1x128xf32, #tpu.memory_space<vmem>>) target_semaphore(%arg17 : memref<!tpu.dma_semaphore, #tpu.memory_space<semaphore_mem>>)
      %slice3A_216 = vector.extract_strided_slice %shift_right_arithmetic3A_35 {offsets = [7], sizes = [1], strides = [1]} : vector<16xi32> to vector<1xi32>
      %squeeze3A_217 = vector.extract %slice3A_216[0] : i32 from vector<1xi32>
      %dma_start3A_218 = arith.constant 7 : i32
      %dma_start3A_219 = arith.constant 0 : i32
      %dma_start3A_220 = tpu.memref_slice %arg13[%dma_start3A_218, %dma_start3A_219] : memref<16x128xf32, #tpu.memory_space<vmem>> -> memref<1x128xf32, #tpu.memory_space<vmem>>
      %dma_start3A_221 = arith.constant 0 : i32
      %dma_start3A_222 = tpu.memref_slice %arg6[%squeeze3A_217, %dma_start3A_221] : memref<500000x128xf32, #tpu.memory_space<hbm>> -> memref<1x128xf32, #tpu.memory_space<hbm>>
      %dma_start3A_223 = arith.constant 7 : i32
      %dma_start3A_224 = arith.constant 0 : i32
      %dma_start3A_225 = tpu.memref_slice %arg13[%dma_start3A_223, %dma_start3A_224] : memref<16x128xf32, #tpu.memory_space<vmem>> -> memref<1x128xf32, #tpu.memory_space<vmem>>
      %dma_start3A_226 = arith.constant 0 : i32
      %dma_start3A_227 = tpu.memref_slice %arg6[%squeeze3A_217, %dma_start3A_226] : memref<500000x128xf32, #tpu.memory_space<hbm>> -> memref<1x128xf32, #tpu.memory_space<hbm>>
      tpu.enqueue_dma source(%dma_start3A_227 : memref<1x128xf32, #tpu.memory_space<hbm>>) target(%dma_start3A_225 : memref<1x128xf32, #tpu.memory_space<vmem>>) target_semaphore(%arg16 : memref<!tpu.dma_semaphore, #tpu.memory_space<semaphore_mem>>)
      %slice3A_228 = vector.extract_strided_slice %shift_right_arithmetic3A_38 {offsets = [7], sizes = [1], strides = [1]} : vector<16xi32> to vector<1xi32>
      %squeeze3A_229 = vector.extract %slice3A_228[0] : i32 from vector<1xi32>
      %dma_start3A_230 = arith.constant 7 : i32
      %dma_start3A_231 = arith.constant 0 : i32
      %dma_start3A_232 = tpu.memref_slice %arg14[%dma_start3A_230, %dma_start3A_231] : memref<16x128xf32, #tpu.memory_space<vmem>> -> memref<1x128xf32, #tpu.memory_space<vmem>>
      %dma_start3A_233 = arith.constant 0 : i32
      %dma_start3A_234 = tpu.memref_slice %arg7[%squeeze3A_229, %dma_start3A_233] : memref<500000x128xf32, #tpu.memory_space<hbm>> -> memref<1x128xf32, #tpu.memory_space<hbm>>
      %dma_start3A_235 = arith.constant 7 : i32
      %dma_start3A_236 = arith.constant 0 : i32
      %dma_start3A_237 = tpu.memref_slice %arg14[%dma_start3A_235, %dma_start3A_236] : memref<16x128xf32, #tpu.memory_space<vmem>> -> memref<1x128xf32, #tpu.memory_space<vmem>>
      %dma_start3A_238 = arith.constant 0 : i32
      %dma_start3A_239 = tpu.memref_slice %arg7[%squeeze3A_229, %dma_start3A_238] : memref<500000x128xf32, #tpu.memory_space<hbm>> -> memref<1x128xf32, #tpu.memory_space<hbm>>
      tpu.enqueue_dma source(%dma_start3A_239 : memref<1x128xf32, #tpu.memory_space<hbm>>) target(%dma_start3A_237 : memref<1x128xf32, #tpu.memory_space<vmem>>) target_semaphore(%arg17 : memref<!tpu.dma_semaphore, #tpu.memory_space<semaphore_mem>>)
      %slice3A_240 = vector.extract_strided_slice %shift_right_arithmetic3A_35 {offsets = [8], sizes = [1], strides = [1]} : vector<16xi32> to vector<1xi32>
      %squeeze3A_241 = vector.extract %slice3A_240[0] : i32 from vector<1xi32>
      %dma_start3A_242 = arith.constant 8 : i32
      %dma_start3A_243 = arith.constant 0 : i32
      %dma_start3A_244 = tpu.memref_slice %arg13[%dma_start3A_242, %dma_start3A_243] : memref<16x128xf32, #tpu.memory_space<vmem>> -> memref<1x128xf32, #tpu.memory_space<vmem>>
      %dma_start3A_245 = arith.constant 0 : i32
      %dma_start3A_246 = tpu.memref_slice %arg6[%squeeze3A_241, %dma_start3A_245] : memref<500000x128xf32, #tpu.memory_space<hbm>> -> memref<1x128xf32, #tpu.memory_space<hbm>>
      %dma_start3A_247 = arith.constant 8 : i32
      %dma_start3A_248 = arith.constant 0 : i32
      %dma_start3A_249 = tpu.memref_slice %arg13[%dma_start3A_247, %dma_start3A_248] : memref<16x128xf32, #tpu.memory_space<vmem>> -> memref<1x128xf32, #tpu.memory_space<vmem>>
      %dma_start3A_250 = arith.constant 0 : i32
      %dma_start3A_251 = tpu.memref_slice %arg6[%squeeze3A_241, %dma_start3A_250] : memref<500000x128xf32, #tpu.memory_space<hbm>> -> memref<1x128xf32, #tpu.memory_space<hbm>>
      tpu.enqueue_dma source(%dma_start3A_251 : memref<1x128xf32, #tpu.memory_space<hbm>>) target(%dma_start3A_249 : memref<1x128xf32, #tpu.memory_space<vmem>>) target_semaphore(%arg16 : memref<!tpu.dma_semaphore, #tpu.memory_space<semaphore_mem>>)
      %slice3A_252 = vector.extract_strided_slice %shift_right_arithmetic3A_38 {offsets = [8], sizes = [1], strides = [1]} : vector<16xi32> to vector<1xi32>
      %squeeze3A_253 = vector.extract %slice3A_252[0] : i32 from vector<1xi32>
      %dma_start3A_254 = arith.constant 8 : i32
      %dma_start3A_255 = arith.constant 0 : i32
      %dma_start3A_256 = tpu.memref_slice %arg14[%dma_start3A_254, %dma_start3A_255] : memref<16x128xf32, #tpu.memory_space<vmem>> -> memref<1x128xf32, #tpu.memory_space<vmem>>
      %dma_start3A_257 = arith.constant 0 : i32
      %dma_start3A_258 = tpu.memref_slice %arg7[%squeeze3A_253, %dma_start3A_257] : memref<500000x128xf32, #tpu.memory_space<hbm>> -> memref<1x128xf32, #tpu.memory_space<hbm>>
      %dma_start3A_259 = arith.constant 8 : i32
      %dma_start3A_260 = arith.constant 0 : i32
      %dma_start3A_261 = tpu.memref_slice %arg14[%dma_start3A_259, %dma_start3A_260] : memref<16x128xf32, #tpu.memory_space<vmem>> -> memref<1x128xf32, #tpu.memory_space<vmem>>
      %dma_start3A_262 = arith.constant 0 : i32
      %dma_start3A_263 = tpu.memref_slice %arg7[%squeeze3A_253, %dma_start3A_262] : memref<500000x128xf32, #tpu.memory_space<hbm>> -> memref<1x128xf32, #tpu.memory_space<hbm>>
      tpu.enqueue_dma source(%dma_start3A_263 : memref<1x128xf32, #tpu.memory_space<hbm>>) target(%dma_start3A_261 : memref<1x128xf32, #tpu.memory_space<vmem>>) target_semaphore(%arg17 : memref<!tpu.dma_semaphore, #tpu.memory_space<semaphore_mem>>)
      %slice3A_264 = vector.extract_strided_slice %shift_right_arithmetic3A_35 {offsets = [9], sizes = [1], strides = [1]} : vector<16xi32> to vector<1xi32>
      %squeeze3A_265 = vector.extract %slice3A_264[0] : i32 from vector<1xi32>
      %dma_start3A_266 = arith.constant 9 : i32
      %dma_start3A_267 = arith.constant 0 : i32
      %dma_start3A_268 = tpu.memref_slice %arg13[%dma_start3A_266, %dma_start3A_267] : memref<16x128xf32, #tpu.memory_space<vmem>> -> memref<1x128xf32, #tpu.memory_space<vmem>>
      %dma_start3A_269 = arith.constant 0 : i32
      %dma_start3A_270 = tpu.memref_slice %arg6[%squeeze3A_265, %dma_start3A_269] : memref<500000x128xf32, #tpu.memory_space<hbm>> -> memref<1x128xf32, #tpu.memory_space<hbm>>
      %dma_start3A_271 = arith.constant 9 : i32
      %dma_start3A_272 = arith.constant 0 : i32
      %dma_start3A_273 = tpu.memref_slice %arg13[%dma_start3A_271, %dma_start3A_272] : memref<16x128xf32, #tpu.memory_space<vmem>> -> memref<1x128xf32, #tpu.memory_space<vmem>>
      %dma_start3A_274 = arith.constant 0 : i32
      %dma_start3A_275 = tpu.memref_slice %arg6[%squeeze3A_265, %dma_start3A_274] : memref<500000x128xf32, #tpu.memory_space<hbm>> -> memref<1x128xf32, #tpu.memory_space<hbm>>
      tpu.enqueue_dma source(%dma_start3A_275 : memref<1x128xf32, #tpu.memory_space<hbm>>) target(%dma_start3A_273 : memref<1x128xf32, #tpu.memory_space<vmem>>) target_semaphore(%arg16 : memref<!tpu.dma_semaphore, #tpu.memory_space<semaphore_mem>>)
      %slice3A_276 = vector.extract_strided_slice %shift_right_arithmetic3A_38 {offsets = [9], sizes = [1], strides = [1]} : vector<16xi32> to vector<1xi32>
      %squeeze3A_277 = vector.extract %slice3A_276[0] : i32 from vector<1xi32>
      %dma_start3A_278 = arith.constant 9 : i32
      %dma_start3A_279 = arith.constant 0 : i32
      %dma_start3A_280 = tpu.memref_slice %arg14[%dma_start3A_278, %dma_start3A_279] : memref<16x128xf32, #tpu.memory_space<vmem>> -> memref<1x128xf32, #tpu.memory_space<vmem>>
      %dma_start3A_281 = arith.constant 0 : i32
      %dma_start3A_282 = tpu.memref_slice %arg7[%squeeze3A_277, %dma_start3A_281] : memref<500000x128xf32, #tpu.memory_space<hbm>> -> memref<1x128xf32, #tpu.memory_space<hbm>>
      %dma_start3A_283 = arith.constant 9 : i32
      %dma_start3A_284 = arith.constant 0 : i32
      %dma_start3A_285 = tpu.memref_slice %arg14[%dma_start3A_283, %dma_start3A_284] : memref<16x128xf32, #tpu.memory_space<vmem>> -> memref<1x128xf32, #tpu.memory_space<vmem>>
      %dma_start3A_286 = arith.constant 0 : i32
      %dma_start3A_287 = tpu.memref_slice %arg7[%squeeze3A_277, %dma_start3A_286] : memref<500000x128xf32, #tpu.memory_space<hbm>> -> memref<1x128xf32, #tpu.memory_space<hbm>>
      tpu.enqueue_dma source(%dma_start3A_287 : memref<1x128xf32, #tpu.memory_space<hbm>>) target(%dma_start3A_285 : memref<1x128xf32, #tpu.memory_space<vmem>>) target_semaphore(%arg17 : memref<!tpu.dma_semaphore, #tpu.memory_space<semaphore_mem>>)
      %slice3A_288 = vector.extract_strided_slice %shift_right_arithmetic3A_35 {offsets = [10], sizes = [1], strides = [1]} : vector<16xi32> to vector<1xi32>
      %squeeze3A_289 = vector.extract %slice3A_288[0] : i32 from vector<1xi32>
      %dma_start3A_290 = arith.constant 10 : i32
      %dma_start3A_291 = arith.constant 0 : i32
      %dma_start3A_292 = tpu.memref_slice %arg13[%dma_start3A_290, %dma_start3A_291] : memref<16x128xf32, #tpu.memory_space<vmem>> -> memref<1x128xf32, #tpu.memory_space<vmem>>
      %dma_start3A_293 = arith.constant 0 : i32
      %dma_start3A_294 = tpu.memref_slice %arg6[%squeeze3A_289, %dma_start3A_293] : memref<500000x128xf32, #tpu.memory_space<hbm>> -> memref<1x128xf32, #tpu.memory_space<hbm>>
      %dma_start3A_295 = arith.constant 10 : i32
      %dma_start3A_296 = arith.constant 0 : i32
      %dma_start3A_297 = tpu.memref_slice %arg13[%dma_start3A_295, %dma_start3A_296] : memref<16x128xf32, #tpu.memory_space<vmem>> -> memref<1x128xf32, #tpu.memory_space<vmem>>
      %dma_start3A_298 = arith.constant 0 : i32
      %dma_start3A_299 = tpu.memref_slice %arg6[%squeeze3A_289, %dma_start3A_298] : memref<500000x128xf32, #tpu.memory_space<hbm>> -> memref<1x128xf32, #tpu.memory_space<hbm>>
      tpu.enqueue_dma source(%dma_start3A_299 : memref<1x128xf32, #tpu.memory_space<hbm>>) target(%dma_start3A_297 : memref<1x128xf32, #tpu.memory_space<vmem>>) target_semaphore(%arg16 : memref<!tpu.dma_semaphore, #tpu.memory_space<semaphore_mem>>)
      %slice3A_300 = vector.extract_strided_slice %shift_right_arithmetic3A_38 {offsets = [10], sizes = [1], strides = [1]} : vector<16xi32> to vector<1xi32>
      %squeeze3A_301 = vector.extract %slice3A_300[0] : i32 from vector<1xi32>
      %dma_start3A_302 = arith.constant 10 : i32
      %dma_start3A_303 = arith.constant 0 : i32
      %dma_start3A_304 = tpu.memref_slice %arg14[%dma_start3A_302, %dma_start3A_303] : memref<16x128xf32, #tpu.memory_space<vmem>> -> memref<1x128xf32, #tpu.memory_space<vmem>>
      %dma_start3A_305 = arith.constant 0 : i32
      %dma_start3A_306 = tpu.memref_slice %arg7[%squeeze3A_301, %dma_start3A_305] : memref<500000x128xf32, #tpu.memory_space<hbm>> -> memref<1x128xf32, #tpu.memory_space<hbm>>
      %dma_start3A_307 = arith.constant 10 : i32
      %dma_start3A_308 = arith.constant 0 : i32
      %dma_start3A_309 = tpu.memref_slice %arg14[%dma_start3A_307, %dma_start3A_308] : memref<16x128xf32, #tpu.memory_space<vmem>> -> memref<1x128xf32, #tpu.memory_space<vmem>>
      %dma_start3A_310 = arith.constant 0 : i32
      %dma_start3A_311 = tpu.memref_slice %arg7[%squeeze3A_301, %dma_start3A_310] : memref<500000x128xf32, #tpu.memory_space<hbm>> -> memref<1x128xf32, #tpu.memory_space<hbm>>
      tpu.enqueue_dma source(%dma_start3A_311 : memref<1x128xf32, #tpu.memory_space<hbm>>) target(%dma_start3A_309 : memref<1x128xf32, #tpu.memory_space<vmem>>) target_semaphore(%arg17 : memref<!tpu.dma_semaphore, #tpu.memory_space<semaphore_mem>>)
      %slice3A_312 = vector.extract_strided_slice %shift_right_arithmetic3A_35 {offsets = [11], sizes = [1], strides = [1]} : vector<16xi32> to vector<1xi32>
      %squeeze3A_313 = vector.extract %slice3A_312[0] : i32 from vector<1xi32>
      %dma_start3A_314 = arith.constant 11 : i32
      %dma_start3A_315 = arith.constant 0 : i32
      %dma_start3A_316 = tpu.memref_slice %arg13[%dma_start3A_314, %dma_start3A_315] : memref<16x128xf32, #tpu.memory_space<vmem>> -> memref<1x128xf32, #tpu.memory_space<vmem>>
      %dma_start3A_317 = arith.constant 0 : i32
      %dma_start3A_318 = tpu.memref_slice %arg6[%squeeze3A_313, %dma_start3A_317] : memref<500000x128xf32, #tpu.memory_space<hbm>> -> memref<1x128xf32, #tpu.memory_space<hbm>>
      %dma_start3A_319 = arith.constant 11 : i32
      %dma_start3A_320 = arith.constant 0 : i32
      %dma_start3A_321 = tpu.memref_slice %arg13[%dma_start3A_319, %dma_start3A_320] : memref<16x128xf32, #tpu.memory_space<vmem>> -> memref<1x128xf32, #tpu.memory_space<vmem>>
      %dma_start3A_322 = arith.constant 0 : i32
      %dma_start3A_323 = tpu.memref_slice %arg6[%squeeze3A_313, %dma_start3A_322] : memref<500000x128xf32, #tpu.memory_space<hbm>> -> memref<1x128xf32, #tpu.memory_space<hbm>>
      tpu.enqueue_dma source(%dma_start3A_323 : memref<1x128xf32, #tpu.memory_space<hbm>>) target(%dma_start3A_321 : memref<1x128xf32, #tpu.memory_space<vmem>>) target_semaphore(%arg16 : memref<!tpu.dma_semaphore, #tpu.memory_space<semaphore_mem>>)
      %slice3A_324 = vector.extract_strided_slice %shift_right_arithmetic3A_38 {offsets = [11], sizes = [1], strides = [1]} : vector<16xi32> to vector<1xi32>
      %squeeze3A_325 = vector.extract %slice3A_324[0] : i32 from vector<1xi32>
      %dma_start3A_326 = arith.constant 11 : i32
      %dma_start3A_327 = arith.constant 0 : i32
      %dma_start3A_328 = tpu.memref_slice %arg14[%dma_start3A_326, %dma_start3A_327] : memref<16x128xf32, #tpu.memory_space<vmem>> -> memref<1x128xf32, #tpu.memory_space<vmem>>
      %dma_start3A_329 = arith.constant 0 : i32
      %dma_start3A_330 = tpu.memref_slice %arg7[%squeeze3A_325, %dma_start3A_329] : memref<500000x128xf32, #tpu.memory_space<hbm>> -> memref<1x128xf32, #tpu.memory_space<hbm>>
      %dma_start3A_331 = arith.constant 11 : i32
      %dma_start3A_332 = arith.constant 0 : i32
      %dma_start3A_333 = tpu.memref_slice %arg14[%dma_start3A_331, %dma_start3A_332] : memref<16x128xf32, #tpu.memory_space<vmem>> -> memref<1x128xf32, #tpu.memory_space<vmem>>
      %dma_start3A_334 = arith.constant 0 : i32
      %dma_start3A_335 = tpu.memref_slice %arg7[%squeeze3A_325, %dma_start3A_334] : memref<500000x128xf32, #tpu.memory_space<hbm>> -> memref<1x128xf32, #tpu.memory_space<hbm>>
      tpu.enqueue_dma source(%dma_start3A_335 : memref<1x128xf32, #tpu.memory_space<hbm>>) target(%dma_start3A_333 : memref<1x128xf32, #tpu.memory_space<vmem>>) target_semaphore(%arg17 : memref<!tpu.dma_semaphore, #tpu.memory_space<semaphore_mem>>)
      %slice3A_336 = vector.extract_strided_slice %shift_right_arithmetic3A_35 {offsets = [12], sizes = [1], strides = [1]} : vector<16xi32> to vector<1xi32>
      %squeeze3A_337 = vector.extract %slice3A_336[0] : i32 from vector<1xi32>
      %dma_start3A_338 = arith.constant 12 : i32
      %dma_start3A_339 = arith.constant 0 : i32
      %dma_start3A_340 = tpu.memref_slice %arg13[%dma_start3A_338, %dma_start3A_339] : memref<16x128xf32, #tpu.memory_space<vmem>> -> memref<1x128xf32, #tpu.memory_space<vmem>>
      %dma_start3A_341 = arith.constant 0 : i32
      %dma_start3A_342 = tpu.memref_slice %arg6[%squeeze3A_337, %dma_start3A_341] : memref<500000x128xf32, #tpu.memory_space<hbm>> -> memref<1x128xf32, #tpu.memory_space<hbm>>
      %dma_start3A_343 = arith.constant 12 : i32
      %dma_start3A_344 = arith.constant 0 : i32
      %dma_start3A_345 = tpu.memref_slice %arg13[%dma_start3A_343, %dma_start3A_344] : memref<16x128xf32, #tpu.memory_space<vmem>> -> memref<1x128xf32, #tpu.memory_space<vmem>>
      %dma_start3A_346 = arith.constant 0 : i32
      %dma_start3A_347 = tpu.memref_slice %arg6[%squeeze3A_337, %dma_start3A_346] : memref<500000x128xf32, #tpu.memory_space<hbm>> -> memref<1x128xf32, #tpu.memory_space<hbm>>
      tpu.enqueue_dma source(%dma_start3A_347 : memref<1x128xf32, #tpu.memory_space<hbm>>) target(%dma_start3A_345 : memref<1x128xf32, #tpu.memory_space<vmem>>) target_semaphore(%arg16 : memref<!tpu.dma_semaphore, #tpu.memory_space<semaphore_mem>>)
      %slice3A_348 = vector.extract_strided_slice %shift_right_arithmetic3A_38 {offsets = [12], sizes = [1], strides = [1]} : vector<16xi32> to vector<1xi32>
      %squeeze3A_349 = vector.extract %slice3A_348[0] : i32 from vector<1xi32>
      %dma_start3A_350 = arith.constant 12 : i32
      %dma_start3A_351 = arith.constant 0 : i32
      %dma_start3A_352 = tpu.memref_slice %arg14[%dma_start3A_350, %dma_start3A_351] : memref<16x128xf32, #tpu.memory_space<vmem>> -> memref<1x128xf32, #tpu.memory_space<vmem>>
      %dma_start3A_353 = arith.constant 0 : i32
      %dma_start3A_354 = tpu.memref_slice %arg7[%squeeze3A_349, %dma_start3A_353] : memref<500000x128xf32, #tpu.memory_space<hbm>> -> memref<1x128xf32, #tpu.memory_space<hbm>>
      %dma_start3A_355 = arith.constant 12 : i32
      %dma_start3A_356 = arith.constant 0 : i32
      %dma_start3A_357 = tpu.memref_slice %arg14[%dma_start3A_355, %dma_start3A_356] : memref<16x128xf32, #tpu.memory_space<vmem>> -> memref<1x128xf32, #tpu.memory_space<vmem>>
      %dma_start3A_358 = arith.constant 0 : i32
      %dma_start3A_359 = tpu.memref_slice %arg7[%squeeze3A_349, %dma_start3A_358] : memref<500000x128xf32, #tpu.memory_space<hbm>> -> memref<1x128xf32, #tpu.memory_space<hbm>>
      tpu.enqueue_dma source(%dma_start3A_359 : memref<1x128xf32, #tpu.memory_space<hbm>>) target(%dma_start3A_357 : memref<1x128xf32, #tpu.memory_space<vmem>>) target_semaphore(%arg17 : memref<!tpu.dma_semaphore, #tpu.memory_space<semaphore_mem>>)
      %slice3A_360 = vector.extract_strided_slice %shift_right_arithmetic3A_35 {offsets = [13], sizes = [1], strides = [1]} : vector<16xi32> to vector<1xi32>
      %squeeze3A_361 = vector.extract %slice3A_360[0] : i32 from vector<1xi32>
      %dma_start3A_362 = arith.constant 13 : i32
      %dma_start3A_363 = arith.constant 0 : i32
      %dma_start3A_364 = tpu.memref_slice %arg13[%dma_start3A_362, %dma_start3A_363] : memref<16x128xf32, #tpu.memory_space<vmem>> -> memref<1x128xf32, #tpu.memory_space<vmem>>
      %dma_start3A_365 = arith.constant 0 : i32
      %dma_start3A_366 = tpu.memref_slice %arg6[%squeeze3A_361, %dma_start3A_365] : memref<500000x128xf32, #tpu.memory_space<hbm>> -> memref<1x128xf32, #tpu.memory_space<hbm>>
      %dma_start3A_367 = arith.constant 13 : i32
      %dma_start3A_368 = arith.constant 0 : i32
      %dma_start3A_369 = tpu.memref_slice %arg13[%dma_start3A_367, %dma_start3A_368] : memref<16x128xf32, #tpu.memory_space<vmem>> -> memref<1x128xf32, #tpu.memory_space<vmem>>
      %dma_start3A_370 = arith.constant 0 : i32
      %dma_start3A_371 = tpu.memref_slice %arg6[%squeeze3A_361, %dma_start3A_370] : memref<500000x128xf32, #tpu.memory_space<hbm>> -> memref<1x128xf32, #tpu.memory_space<hbm>>
      tpu.enqueue_dma source(%dma_start3A_371 : memref<1x128xf32, #tpu.memory_space<hbm>>) target(%dma_start3A_369 : memref<1x128xf32, #tpu.memory_space<vmem>>) target_semaphore(%arg16 : memref<!tpu.dma_semaphore, #tpu.memory_space<semaphore_mem>>)
      %slice3A_372 = vector.extract_strided_slice %shift_right_arithmetic3A_38 {offsets = [13], sizes = [1], strides = [1]} : vector<16xi32> to vector<1xi32>
      %squeeze3A_373 = vector.extract %slice3A_372[0] : i32 from vector<1xi32>
      %dma_start3A_374 = arith.constant 13 : i32
      %dma_start3A_375 = arith.constant 0 : i32
      %dma_start3A_376 = tpu.memref_slice %arg14[%dma_start3A_374, %dma_start3A_375] : memref<16x128xf32, #tpu.memory_space<vmem>> -> memref<1x128xf32, #tpu.memory_space<vmem>>
      %dma_start3A_377 = arith.constant 0 : i32
      %dma_start3A_378 = tpu.memref_slice %arg7[%squeeze3A_373, %dma_start3A_377] : memref<500000x128xf32, #tpu.memory_space<hbm>> -> memref<1x128xf32, #tpu.memory_space<hbm>>
      %dma_start3A_379 = arith.constant 13 : i32
      %dma_start3A_380 = arith.constant 0 : i32
      %dma_start3A_381 = tpu.memref_slice %arg14[%dma_start3A_379, %dma_start3A_380] : memref<16x128xf32, #tpu.memory_space<vmem>> -> memref<1x128xf32, #tpu.memory_space<vmem>>
      %dma_start3A_382 = arith.constant 0 : i32
      %dma_start3A_383 = tpu.memref_slice %arg7[%squeeze3A_373, %dma_start3A_382] : memref<500000x128xf32, #tpu.memory_space<hbm>> -> memref<1x128xf32, #tpu.memory_space<hbm>>
      tpu.enqueue_dma source(%dma_start3A_383 : memref<1x128xf32, #tpu.memory_space<hbm>>) target(%dma_start3A_381 : memref<1x128xf32, #tpu.memory_space<vmem>>) target_semaphore(%arg17 : memref<!tpu.dma_semaphore, #tpu.memory_space<semaphore_mem>>)
      %slice3A_384 = vector.extract_strided_slice %shift_right_arithmetic3A_35 {offsets = [14], sizes = [1], strides = [1]} : vector<16xi32> to vector<1xi32>
      %squeeze3A_385 = vector.extract %slice3A_384[0] : i32 from vector<1xi32>
      %dma_start3A_386 = arith.constant 14 : i32
      %dma_start3A_387 = arith.constant 0 : i32
      %dma_start3A_388 = tpu.memref_slice %arg13[%dma_start3A_386, %dma_start3A_387] : memref<16x128xf32, #tpu.memory_space<vmem>> -> memref<1x128xf32, #tpu.memory_space<vmem>>
      %dma_start3A_389 = arith.constant 0 : i32
      %dma_start3A_390 = tpu.memref_slice %arg6[%squeeze3A_385, %dma_start3A_389] : memref<500000x128xf32, #tpu.memory_space<hbm>> -> memref<1x128xf32, #tpu.memory_space<hbm>>
      %dma_start3A_391 = arith.constant 14 : i32
      %dma_start3A_392 = arith.constant 0 : i32
      %dma_start3A_393 = tpu.memref_slice %arg13[%dma_start3A_391, %dma_start3A_392] : memref<16x128xf32, #tpu.memory_space<vmem>> -> memref<1x128xf32, #tpu.memory_space<vmem>>
      %dma_start3A_394 = arith.constant 0 : i32
      %dma_start3A_395 = tpu.memref_slice %arg6[%squeeze3A_385, %dma_start3A_394] : memref<500000x128xf32, #tpu.memory_space<hbm>> -> memref<1x128xf32, #tpu.memory_space<hbm>>
      tpu.enqueue_dma source(%dma_start3A_395 : memref<1x128xf32, #tpu.memory_space<hbm>>) target(%dma_start3A_393 : memref<1x128xf32, #tpu.memory_space<vmem>>) target_semaphore(%arg16 : memref<!tpu.dma_semaphore, #tpu.memory_space<semaphore_mem>>)
      %slice3A_396 = vector.extract_strided_slice %shift_right_arithmetic3A_38 {offsets = [14], sizes = [1], strides = [1]} : vector<16xi32> to vector<1xi32>
      %squeeze3A_397 = vector.extract %slice3A_396[0] : i32 from vector<1xi32>
      %dma_start3A_398 = arith.constant 14 : i32
      %dma_start3A_399 = arith.constant 0 : i32
      %dma_start3A_400 = tpu.memref_slice %arg14[%dma_start3A_398, %dma_start3A_399] : memref<16x128xf32, #tpu.memory_space<vmem>> -> memref<1x128xf32, #tpu.memory_space<vmem>>
      %dma_start3A_401 = arith.constant 0 : i32
      %dma_start3A_402 = tpu.memref_slice %arg7[%squeeze3A_397, %dma_start3A_401] : memref<500000x128xf32, #tpu.memory_space<hbm>> -> memref<1x128xf32, #tpu.memory_space<hbm>>
      %dma_start3A_403 = arith.constant 14 : i32
      %dma_start3A_404 = arith.constant 0 : i32
      %dma_start3A_405 = tpu.memref_slice %arg14[%dma_start3A_403, %dma_start3A_404] : memref<16x128xf32, #tpu.memory_space<vmem>> -> memref<1x128xf32, #tpu.memory_space<vmem>>
      %dma_start3A_406 = arith.constant 0 : i32
      %dma_start3A_407 = tpu.memref_slice %arg7[%squeeze3A_397, %dma_start3A_406] : memref<500000x128xf32, #tpu.memory_space<hbm>> -> memref<1x128xf32, #tpu.memory_space<hbm>>
      tpu.enqueue_dma source(%dma_start3A_407 : memref<1x128xf32, #tpu.memory_space<hbm>>) target(%dma_start3A_405 : memref<1x128xf32, #tpu.memory_space<vmem>>) target_semaphore(%arg17 : memref<!tpu.dma_semaphore, #tpu.memory_space<semaphore_mem>>)
      %slice3A_408 = vector.extract_strided_slice %shift_right_arithmetic3A_35 {offsets = [15], sizes = [1], strides = [1]} : vector<16xi32> to vector<1xi32>
      %squeeze3A_409 = vector.extract %slice3A_408[0] : i32 from vector<1xi32>
      %dma_start3A_410 = arith.constant 15 : i32
      %dma_start3A_411 = arith.constant 0 : i32
      %dma_start3A_412 = tpu.memref_slice %arg13[%dma_start3A_410, %dma_start3A_411] : memref<16x128xf32, #tpu.memory_space<vmem>> -> memref<1x128xf32, #tpu.memory_space<vmem>>
      %dma_start3A_413 = arith.constant 0 : i32
      %dma_start3A_414 = tpu.memref_slice %arg6[%squeeze3A_409, %dma_start3A_413] : memref<500000x128xf32, #tpu.memory_space<hbm>> -> memref<1x128xf32, #tpu.memory_space<hbm>>
      %dma_start3A_415 = arith.constant 15 : i32
      %dma_start3A_416 = arith.constant 0 : i32
      %dma_start3A_417 = tpu.memref_slice %arg13[%dma_start3A_415, %dma_start3A_416] : memref<16x128xf32, #tpu.memory_space<vmem>> -> memref<1x128xf32, #tpu.memory_space<vmem>>
      %dma_start3A_418 = arith.constant 0 : i32
      %dma_start3A_419 = tpu.memref_slice %arg6[%squeeze3A_409, %dma_start3A_418] : memref<500000x128xf32, #tpu.memory_space<hbm>> -> memref<1x128xf32, #tpu.memory_space<hbm>>
      tpu.enqueue_dma source(%dma_start3A_419 : memref<1x128xf32, #tpu.memory_space<hbm>>) target(%dma_start3A_417 : memref<1x128xf32, #tpu.memory_space<vmem>>) target_semaphore(%arg16 : memref<!tpu.dma_semaphore, #tpu.memory_space<semaphore_mem>>)
      %slice3A_420 = vector.extract_strided_slice %shift_right_arithmetic3A_38 {offsets = [15], sizes = [1], strides = [1]} : vector<16xi32> to vector<1xi32>
      %squeeze3A_421 = vector.extract %slice3A_420[0] : i32 from vector<1xi32>
      %dma_start3A_422 = arith.constant 15 : i32
      %dma_start3A_423 = arith.constant 0 : i32
      %dma_start3A_424 = tpu.memref_slice %arg14[%dma_start3A_422, %dma_start3A_423] : memref<16x128xf32, #tpu.memory_space<vmem>> -> memref<1x128xf32, #tpu.memory_space<vmem>>
      %dma_start3A_425 = arith.constant 0 : i32
      %dma_start3A_426 = tpu.memref_slice %arg7[%squeeze3A_421, %dma_start3A_425] : memref<500000x128xf32, #tpu.memory_space<hbm>> -> memref<1x128xf32, #tpu.memory_space<hbm>>
      %dma_start3A_427 = arith.constant 15 : i32
      %dma_start3A_428 = arith.constant 0 : i32
      %dma_start3A_429 = tpu.memref_slice %arg14[%dma_start3A_427, %dma_start3A_428] : memref<16x128xf32, #tpu.memory_space<vmem>> -> memref<1x128xf32, #tpu.memory_space<vmem>>
      %dma_start3A_430 = arith.constant 0 : i32
      %dma_start3A_431 = tpu.memref_slice %arg7[%squeeze3A_421, %dma_start3A_430] : memref<500000x128xf32, #tpu.memory_space<hbm>> -> memref<1x128xf32, #tpu.memory_space<hbm>>
      tpu.enqueue_dma source(%dma_start3A_431 : memref<1x128xf32, #tpu.memory_space<hbm>>) target(%dma_start3A_429 : memref<1x128xf32, #tpu.memory_space<vmem>>) target_semaphore(%arg17 : memref<!tpu.dma_semaphore, #tpu.memory_space<semaphore_mem>>)
      %dma_wait3A_432 = arith.constant 0 : i32
      %dma_wait3A_433 = arith.constant 0 : i32
      %dma_wait3A_434 = tpu.memref_slice %arg13[%dma_wait3A_432, %dma_wait3A_433] : memref<16x128xf32, #tpu.memory_space<vmem>> -> memref<1x128xf32, #tpu.memory_space<vmem>>
      %dma_wait3A_435 = arith.constant 0 : i32
      %dma_wait3A_436 = tpu.memref_slice %arg6[%squeeze3A, %dma_wait3A_435] : memref<500000x128xf32, #tpu.memory_space<hbm>> -> memref<1x128xf32, #tpu.memory_space<hbm>>
      %dma_wait3A_437 = arith.constant 0 : i32
      %dma_wait3A_438 = arith.constant 0 : i32
      %dma_wait3A_439 = tpu.memref_slice %arg13[%dma_wait3A_437, %dma_wait3A_438] : memref<16x128xf32, #tpu.memory_space<vmem>> -> memref<1x128xf32, #tpu.memory_space<vmem>>
      %dma_wait3A_440 = arith.constant 0 : i32
      %dma_wait3A_441 = tpu.memref_slice %arg6[%squeeze3A, %dma_wait3A_440] : memref<500000x128xf32, #tpu.memory_space<hbm>> -> memref<1x128xf32, #tpu.memory_space<hbm>>
      tpu.wait_dma2 semaphore(%arg16 : memref<!tpu.dma_semaphore, #tpu.memory_space<semaphore_mem>>) src(%dma_wait3A_441 : memref<1x128xf32, #tpu.memory_space<hbm>>) dst(%dma_wait3A_439 : memref<1x128xf32, #tpu.memory_space<vmem>>)
      %dma_wait3A_442 = arith.constant 0 : i32
      %dma_wait3A_443 = arith.constant 0 : i32
      %dma_wait3A_444 = tpu.memref_slice %arg14[%dma_wait3A_442, %dma_wait3A_443] : memref<16x128xf32, #tpu.memory_space<vmem>> -> memref<1x128xf32, #tpu.memory_space<vmem>>
      %dma_wait3A_445 = arith.constant 0 : i32
      %dma_wait3A_446 = tpu.memref_slice %arg7[%squeeze3A_61, %dma_wait3A_445] : memref<500000x128xf32, #tpu.memory_space<hbm>> -> memref<1x128xf32, #tpu.memory_space<hbm>>
      %dma_wait3A_447 = arith.constant 0 : i32
      %dma_wait3A_448 = arith.constant 0 : i32
      %dma_wait3A_449 = tpu.memref_slice %arg14[%dma_wait3A_447, %dma_wait3A_448] : memref<16x128xf32, #tpu.memory_space<vmem>> -> memref<1x128xf32, #tpu.memory_space<vmem>>
      %dma_wait3A_450 = arith.constant 0 : i32
      %dma_wait3A_451 = tpu.memref_slice %arg7[%squeeze3A_61, %dma_wait3A_450] : memref<500000x128xf32, #tpu.memory_space<hbm>> -> memref<1x128xf32, #tpu.memory_space<hbm>>
      tpu.wait_dma2 semaphore(%arg17 : memref<!tpu.dma_semaphore, #tpu.memory_space<semaphore_mem>>) src(%dma_wait3A_451 : memref<1x128xf32, #tpu.memory_space<hbm>>) dst(%dma_wait3A_449 : memref<1x128xf32, #tpu.memory_space<vmem>>)
      %dma_wait3A_452 = arith.constant 1 : i32
      %dma_wait3A_453 = arith.constant 0 : i32
      %dma_wait3A_454 = tpu.memref_slice %arg13[%dma_wait3A_452, %dma_wait3A_453] : memref<16x128xf32, #tpu.memory_space<vmem>> -> memref<1x128xf32, #tpu.memory_space<vmem>>
      %dma_wait3A_455 = arith.constant 0 : i32
      %dma_wait3A_456 = tpu.memref_slice %arg6[%squeeze3A_73, %dma_wait3A_455] : memref<500000x128xf32, #tpu.memory_space<hbm>> -> memref<1x128xf32, #tpu.memory_space<hbm>>
      %dma_wait3A_457 = arith.constant 1 : i32
      %dma_wait3A_458 = arith.constant 0 : i32
      %dma_wait3A_459 = tpu.memref_slice %arg13[%dma_wait3A_457, %dma_wait3A_458] : memref<16x128xf32, #tpu.memory_space<vmem>> -> memref<1x128xf32, #tpu.memory_space<vmem>>
      %dma_wait3A_460 = arith.constant 0 : i32
      %dma_wait3A_461 = tpu.memref_slice %arg6[%squeeze3A_73, %dma_wait3A_460] : memref<500000x128xf32, #tpu.memory_space<hbm>> -> memref<1x128xf32, #tpu.memory_space<hbm>>
      tpu.wait_dma2 semaphore(%arg16 : memref<!tpu.dma_semaphore, #tpu.memory_space<semaphore_mem>>) src(%dma_wait3A_461 : memref<1x128xf32, #tpu.memory_space<hbm>>) dst(%dma_wait3A_459 : memref<1x128xf32, #tpu.memory_space<vmem>>)
      %dma_wait3A_462 = arith.constant 1 : i32
      %dma_wait3A_463 = arith.constant 0 : i32
      %dma_wait3A_464 = tpu.memref_slice %arg14[%dma_wait3A_462, %dma_wait3A_463] : memref<16x128xf32, #tpu.memory_space<vmem>> -> memref<1x128xf32, #tpu.memory_space<vmem>>
      %dma_wait3A_465 = arith.constant 0 : i32
      %dma_wait3A_466 = tpu.memref_slice %arg7[%squeeze3A_85, %dma_wait3A_465] : memref<500000x128xf32, #tpu.memory_space<hbm>> -> memref<1x128xf32, #tpu.memory_space<hbm>>
      %dma_wait3A_467 = arith.constant 1 : i32
      %dma_wait3A_468 = arith.constant 0 : i32
      %dma_wait3A_469 = tpu.memref_slice %arg14[%dma_wait3A_467, %dma_wait3A_468] : memref<16x128xf32, #tpu.memory_space<vmem>> -> memref<1x128xf32, #tpu.memory_space<vmem>>
      %dma_wait3A_470 = arith.constant 0 : i32
      %dma_wait3A_471 = tpu.memref_slice %arg7[%squeeze3A_85, %dma_wait3A_470] : memref<500000x128xf32, #tpu.memory_space<hbm>> -> memref<1x128xf32, #tpu.memory_space<hbm>>
      tpu.wait_dma2 semaphore(%arg17 : memref<!tpu.dma_semaphore, #tpu.memory_space<semaphore_mem>>) src(%dma_wait3A_471 : memref<1x128xf32, #tpu.memory_space<hbm>>) dst(%dma_wait3A_469 : memref<1x128xf32, #tpu.memory_space<vmem>>)
      %dma_wait3A_472 = arith.constant 2 : i32
      %dma_wait3A_473 = arith.constant 0 : i32
      %dma_wait3A_474 = tpu.memref_slice %arg13[%dma_wait3A_472, %dma_wait3A_473] : memref<16x128xf32, #tpu.memory_space<vmem>> -> memref<1x128xf32, #tpu.memory_space<vmem>>
      %dma_wait3A_475 = arith.constant 0 : i32
      %dma_wait3A_476 = tpu.memref_slice %arg6[%squeeze3A_97, %dma_wait3A_475] : memref<500000x128xf32, #tpu.memory_space<hbm>> -> memref<1x128xf32, #tpu.memory_space<hbm>>
      %dma_wait3A_477 = arith.constant 2 : i32
      %dma_wait3A_478 = arith.constant 0 : i32
      %dma_wait3A_479 = tpu.memref_slice %arg13[%dma_wait3A_477, %dma_wait3A_478] : memref<16x128xf32, #tpu.memory_space<vmem>> -> memref<1x128xf32, #tpu.memory_space<vmem>>
      %dma_wait3A_480 = arith.constant 0 : i32
      %dma_wait3A_481 = tpu.memref_slice %arg6[%squeeze3A_97, %dma_wait3A_480] : memref<500000x128xf32, #tpu.memory_space<hbm>> -> memref<1x128xf32, #tpu.memory_space<hbm>>
      tpu.wait_dma2 semaphore(%arg16 : memref<!tpu.dma_semaphore, #tpu.memory_space<semaphore_mem>>) src(%dma_wait3A_481 : memref<1x128xf32, #tpu.memory_space<hbm>>) dst(%dma_wait3A_479 : memref<1x128xf32, #tpu.memory_space<vmem>>)
      %dma_wait3A_482 = arith.constant 2 : i32
      %dma_wait3A_483 = arith.constant 0 : i32
      %dma_wait3A_484 = tpu.memref_slice %arg14[%dma_wait3A_482, %dma_wait3A_483] : memref<16x128xf32, #tpu.memory_space<vmem>> -> memref<1x128xf32, #tpu.memory_space<vmem>>
      %dma_wait3A_485 = arith.constant 0 : i32
      %dma_wait3A_486 = tpu.memref_slice %arg7[%squeeze3A_109, %dma_wait3A_485] : memref<500000x128xf32, #tpu.memory_space<hbm>> -> memref<1x128xf32, #tpu.memory_space<hbm>>
      %dma_wait3A_487 = arith.constant 2 : i32
      %dma_wait3A_488 = arith.constant 0 : i32
      %dma_wait3A_489 = tpu.memref_slice %arg14[%dma_wait3A_487, %dma_wait3A_488] : memref<16x128xf32, #tpu.memory_space<vmem>> -> memref<1x128xf32, #tpu.memory_space<vmem>>
      %dma_wait3A_490 = arith.constant 0 : i32
      %dma_wait3A_491 = tpu.memref_slice %arg7[%squeeze3A_109, %dma_wait3A_490] : memref<500000x128xf32, #tpu.memory_space<hbm>> -> memref<1x128xf32, #tpu.memory_space<hbm>>
      tpu.wait_dma2 semaphore(%arg17 : memref<!tpu.dma_semaphore, #tpu.memory_space<semaphore_mem>>) src(%dma_wait3A_491 : memref<1x128xf32, #tpu.memory_space<hbm>>) dst(%dma_wait3A_489 : memref<1x128xf32, #tpu.memory_space<vmem>>)
      %dma_wait3A_492 = arith.constant 3 : i32
      %dma_wait3A_493 = arith.constant 0 : i32
      %dma_wait3A_494 = tpu.memref_slice %arg13[%dma_wait3A_492, %dma_wait3A_493] : memref<16x128xf32, #tpu.memory_space<vmem>> -> memref<1x128xf32, #tpu.memory_space<vmem>>
      %dma_wait3A_495 = arith.constant 0 : i32
      %dma_wait3A_496 = tpu.memref_slice %arg6[%squeeze3A_121, %dma_wait3A_495] : memref<500000x128xf32, #tpu.memory_space<hbm>> -> memref<1x128xf32, #tpu.memory_space<hbm>>
      %dma_wait3A_497 = arith.constant 3 : i32
      %dma_wait3A_498 = arith.constant 0 : i32
      %dma_wait3A_499 = tpu.memref_slice %arg13[%dma_wait3A_497, %dma_wait3A_498] : memref<16x128xf32, #tpu.memory_space<vmem>> -> memref<1x128xf32, #tpu.memory_space<vmem>>
      %dma_wait3A_500 = arith.constant 0 : i32
      %dma_wait3A_501 = tpu.memref_slice %arg6[%squeeze3A_121, %dma_wait3A_500] : memref<500000x128xf32, #tpu.memory_space<hbm>> -> memref<1x128xf32, #tpu.memory_space<hbm>>
      tpu.wait_dma2 semaphore(%arg16 : memref<!tpu.dma_semaphore, #tpu.memory_space<semaphore_mem>>) src(%dma_wait3A_501 : memref<1x128xf32, #tpu.memory_space<hbm>>) dst(%dma_wait3A_499 : memref<1x128xf32, #tpu.memory_space<vmem>>)
      %dma_wait3A_502 = arith.constant 3 : i32
      %dma_wait3A_503 = arith.constant 0 : i32
      %dma_wait3A_504 = tpu.memref_slice %arg14[%dma_wait3A_502, %dma_wait3A_503] : memref<16x128xf32, #tpu.memory_space<vmem>> -> memref<1x128xf32, #tpu.memory_space<vmem>>
      %dma_wait3A_505 = arith.constant 0 : i32
      %dma_wait3A_506 = tpu.memref_slice %arg7[%squeeze3A_133, %dma_wait3A_505] : memref<500000x128xf32, #tpu.memory_space<hbm>> -> memref<1x128xf32, #tpu.memory_space<hbm>>
      %dma_wait3A_507 = arith.constant 3 : i32
      %dma_wait3A_508 = arith.constant 0 : i32
      %dma_wait3A_509 = tpu.memref_slice %arg14[%dma_wait3A_507, %dma_wait3A_508] : memref<16x128xf32, #tpu.memory_space<vmem>> -> memref<1x128xf32, #tpu.memory_space<vmem>>
      %dma_wait3A_510 = arith.constant 0 : i32
      %dma_wait3A_511 = tpu.memref_slice %arg7[%squeeze3A_133, %dma_wait3A_510] : memref<500000x128xf32, #tpu.memory_space<hbm>> -> memref<1x128xf32, #tpu.memory_space<hbm>>
      tpu.wait_dma2 semaphore(%arg17 : memref<!tpu.dma_semaphore, #tpu.memory_space<semaphore_mem>>) src(%dma_wait3A_511 : memref<1x128xf32, #tpu.memory_space<hbm>>) dst(%dma_wait3A_509 : memref<1x128xf32, #tpu.memory_space<vmem>>)
      %dma_wait3A_512 = arith.constant 4 : i32
      %dma_wait3A_513 = arith.constant 0 : i32
      %dma_wait3A_514 = tpu.memref_slice %arg13[%dma_wait3A_512, %dma_wait3A_513] : memref<16x128xf32, #tpu.memory_space<vmem>> -> memref<1x128xf32, #tpu.memory_space<vmem>>
      %dma_wait3A_515 = arith.constant 0 : i32
      %dma_wait3A_516 = tpu.memref_slice %arg6[%squeeze3A_145, %dma_wait3A_515] : memref<500000x128xf32, #tpu.memory_space<hbm>> -> memref<1x128xf32, #tpu.memory_space<hbm>>
      %dma_wait3A_517 = arith.constant 4 : i32
      %dma_wait3A_518 = arith.constant 0 : i32
      %dma_wait3A_519 = tpu.memref_slice %arg13[%dma_wait3A_517, %dma_wait3A_518] : memref<16x128xf32, #tpu.memory_space<vmem>> -> memref<1x128xf32, #tpu.memory_space<vmem>>
      %dma_wait3A_520 = arith.constant 0 : i32
      %dma_wait3A_521 = tpu.memref_slice %arg6[%squeeze3A_145, %dma_wait3A_520] : memref<500000x128xf32, #tpu.memory_space<hbm>> -> memref<1x128xf32, #tpu.memory_space<hbm>>
      tpu.wait_dma2 semaphore(%arg16 : memref<!tpu.dma_semaphore, #tpu.memory_space<semaphore_mem>>) src(%dma_wait3A_521 : memref<1x128xf32, #tpu.memory_space<hbm>>) dst(%dma_wait3A_519 : memref<1x128xf32, #tpu.memory_space<vmem>>)
      %dma_wait3A_522 = arith.constant 4 : i32
      %dma_wait3A_523 = arith.constant 0 : i32
      %dma_wait3A_524 = tpu.memref_slice %arg14[%dma_wait3A_522, %dma_wait3A_523] : memref<16x128xf32, #tpu.memory_space<vmem>> -> memref<1x128xf32, #tpu.memory_space<vmem>>
      %dma_wait3A_525 = arith.constant 0 : i32
      %dma_wait3A_526 = tpu.memref_slice %arg7[%squeeze3A_157, %dma_wait3A_525] : memref<500000x128xf32, #tpu.memory_space<hbm>> -> memref<1x128xf32, #tpu.memory_space<hbm>>
      %dma_wait3A_527 = arith.constant 4 : i32
      %dma_wait3A_528 = arith.constant 0 : i32
      %dma_wait3A_529 = tpu.memref_slice %arg14[%dma_wait3A_527, %dma_wait3A_528] : memref<16x128xf32, #tpu.memory_space<vmem>> -> memref<1x128xf32, #tpu.memory_space<vmem>>
      %dma_wait3A_530 = arith.constant 0 : i32
      %dma_wait3A_531 = tpu.memref_slice %arg7[%squeeze3A_157, %dma_wait3A_530] : memref<500000x128xf32, #tpu.memory_space<hbm>> -> memref<1x128xf32, #tpu.memory_space<hbm>>
      tpu.wait_dma2 semaphore(%arg17 : memref<!tpu.dma_semaphore, #tpu.memory_space<semaphore_mem>>) src(%dma_wait3A_531 : memref<1x128xf32, #tpu.memory_space<hbm>>) dst(%dma_wait3A_529 : memref<1x128xf32, #tpu.memory_space<vmem>>)
      %dma_wait3A_532 = arith.constant 5 : i32
      %dma_wait3A_533 = arith.constant 0 : i32
      %dma_wait3A_534 = tpu.memref_slice %arg13[%dma_wait3A_532, %dma_wait3A_533] : memref<16x128xf32, #tpu.memory_space<vmem>> -> memref<1x128xf32, #tpu.memory_space<vmem>>
      %dma_wait3A_535 = arith.constant 0 : i32
      %dma_wait3A_536 = tpu.memref_slice %arg6[%squeeze3A_169, %dma_wait3A_535] : memref<500000x128xf32, #tpu.memory_space<hbm>> -> memref<1x128xf32, #tpu.memory_space<hbm>>
      %dma_wait3A_537 = arith.constant 5 : i32
      %dma_wait3A_538 = arith.constant 0 : i32
      %dma_wait3A_539 = tpu.memref_slice %arg13[%dma_wait3A_537, %dma_wait3A_538] : memref<16x128xf32, #tpu.memory_space<vmem>> -> memref<1x128xf32, #tpu.memory_space<vmem>>
      %dma_wait3A_540 = arith.constant 0 : i32
      %dma_wait3A_541 = tpu.memref_slice %arg6[%squeeze3A_169, %dma_wait3A_540] : memref<500000x128xf32, #tpu.memory_space<hbm>> -> memref<1x128xf32, #tpu.memory_space<hbm>>
      tpu.wait_dma2 semaphore(%arg16 : memref<!tpu.dma_semaphore, #tpu.memory_space<semaphore_mem>>) src(%dma_wait3A_541 : memref<1x128xf32, #tpu.memory_space<hbm>>) dst(%dma_wait3A_539 : memref<1x128xf32, #tpu.memory_space<vmem>>)
      %dma_wait3A_542 = arith.constant 5 : i32
      %dma_wait3A_543 = arith.constant 0 : i32
      %dma_wait3A_544 = tpu.memref_slice %arg14[%dma_wait3A_542, %dma_wait3A_543] : memref<16x128xf32, #tpu.memory_space<vmem>> -> memref<1x128xf32, #tpu.memory_space<vmem>>
      %dma_wait3A_545 = arith.constant 0 : i32
      %dma_wait3A_546 = tpu.memref_slice %arg7[%squeeze3A_181, %dma_wait3A_545] : memref<500000x128xf32, #tpu.memory_space<hbm>> -> memref<1x128xf32, #tpu.memory_space<hbm>>
      %dma_wait3A_547 = arith.constant 5 : i32
      %dma_wait3A_548 = arith.constant 0 : i32
      %dma_wait3A_549 = tpu.memref_slice %arg14[%dma_wait3A_547, %dma_wait3A_548] : memref<16x128xf32, #tpu.memory_space<vmem>> -> memref<1x128xf32, #tpu.memory_space<vmem>>
      %dma_wait3A_550 = arith.constant 0 : i32
      %dma_wait3A_551 = tpu.memref_slice %arg7[%squeeze3A_181, %dma_wait3A_550] : memref<500000x128xf32, #tpu.memory_space<hbm>> -> memref<1x128xf32, #tpu.memory_space<hbm>>
      tpu.wait_dma2 semaphore(%arg17 : memref<!tpu.dma_semaphore, #tpu.memory_space<semaphore_mem>>) src(%dma_wait3A_551 : memref<1x128xf32, #tpu.memory_space<hbm>>) dst(%dma_wait3A_549 : memref<1x128xf32, #tpu.memory_space<vmem>>)
      %dma_wait3A_552 = arith.constant 6 : i32
      %dma_wait3A_553 = arith.constant 0 : i32
      %dma_wait3A_554 = tpu.memref_slice %arg13[%dma_wait3A_552, %dma_wait3A_553] : memref<16x128xf32, #tpu.memory_space<vmem>> -> memref<1x128xf32, #tpu.memory_space<vmem>>
      %dma_wait3A_555 = arith.constant 0 : i32
      %dma_wait3A_556 = tpu.memref_slice %arg6[%squeeze3A_193, %dma_wait3A_555] : memref<500000x128xf32, #tpu.memory_space<hbm>> -> memref<1x128xf32, #tpu.memory_space<hbm>>
      %dma_wait3A_557 = arith.constant 6 : i32
      %dma_wait3A_558 = arith.constant 0 : i32
      %dma_wait3A_559 = tpu.memref_slice %arg13[%dma_wait3A_557, %dma_wait3A_558] : memref<16x128xf32, #tpu.memory_space<vmem>> -> memref<1x128xf32, #tpu.memory_space<vmem>>
      %dma_wait3A_560 = arith.constant 0 : i32
      %dma_wait3A_561 = tpu.memref_slice %arg6[%squeeze3A_193, %dma_wait3A_560] : memref<500000x128xf32, #tpu.memory_space<hbm>> -> memref<1x128xf32, #tpu.memory_space<hbm>>
      tpu.wait_dma2 semaphore(%arg16 : memref<!tpu.dma_semaphore, #tpu.memory_space<semaphore_mem>>) src(%dma_wait3A_561 : memref<1x128xf32, #tpu.memory_space<hbm>>) dst(%dma_wait3A_559 : memref<1x128xf32, #tpu.memory_space<vmem>>)
      %dma_wait3A_562 = arith.constant 6 : i32
      %dma_wait3A_563 = arith.constant 0 : i32
      %dma_wait3A_564 = tpu.memref_slice %arg14[%dma_wait3A_562, %dma_wait3A_563] : memref<16x128xf32, #tpu.memory_space<vmem>> -> memref<1x128xf32, #tpu.memory_space<vmem>>
      %dma_wait3A_565 = arith.constant 0 : i32
      %dma_wait3A_566 = tpu.memref_slice %arg7[%squeeze3A_205, %dma_wait3A_565] : memref<500000x128xf32, #tpu.memory_space<hbm>> -> memref<1x128xf32, #tpu.memory_space<hbm>>
      %dma_wait3A_567 = arith.constant 6 : i32
      %dma_wait3A_568 = arith.constant 0 : i32
      %dma_wait3A_569 = tpu.memref_slice %arg14[%dma_wait3A_567, %dma_wait3A_568] : memref<16x128xf32, #tpu.memory_space<vmem>> -> memref<1x128xf32, #tpu.memory_space<vmem>>
      %dma_wait3A_570 = arith.constant 0 : i32
      %dma_wait3A_571 = tpu.memref_slice %arg7[%squeeze3A_205, %dma_wait3A_570] : memref<500000x128xf32, #tpu.memory_space<hbm>> -> memref<1x128xf32, #tpu.memory_space<hbm>>
      tpu.wait_dma2 semaphore(%arg17 : memref<!tpu.dma_semaphore, #tpu.memory_space<semaphore_mem>>) src(%dma_wait3A_571 : memref<1x128xf32, #tpu.memory_space<hbm>>) dst(%dma_wait3A_569 : memref<1x128xf32, #tpu.memory_space<vmem>>)
      %dma_wait3A_572 = arith.constant 7 : i32
      %dma_wait3A_573 = arith.constant 0 : i32
      %dma_wait3A_574 = tpu.memref_slice %arg13[%dma_wait3A_572, %dma_wait3A_573] : memref<16x128xf32, #tpu.memory_space<vmem>> -> memref<1x128xf32, #tpu.memory_space<vmem>>
      %dma_wait3A_575 = arith.constant 0 : i32
      %dma_wait3A_576 = tpu.memref_slice %arg6[%squeeze3A_217, %dma_wait3A_575] : memref<500000x128xf32, #tpu.memory_space<hbm>> -> memref<1x128xf32, #tpu.memory_space<hbm>>
      %dma_wait3A_577 = arith.constant 7 : i32
      %dma_wait3A_578 = arith.constant 0 : i32
      %dma_wait3A_579 = tpu.memref_slice %arg13[%dma_wait3A_577, %dma_wait3A_578] : memref<16x128xf32, #tpu.memory_space<vmem>> -> memref<1x128xf32, #tpu.memory_space<vmem>>
      %dma_wait3A_580 = arith.constant 0 : i32
      %dma_wait3A_581 = tpu.memref_slice %arg6[%squeeze3A_217, %dma_wait3A_580] : memref<500000x128xf32, #tpu.memory_space<hbm>> -> memref<1x128xf32, #tpu.memory_space<hbm>>
      tpu.wait_dma2 semaphore(%arg16 : memref<!tpu.dma_semaphore, #tpu.memory_space<semaphore_mem>>) src(%dma_wait3A_581 : memref<1x128xf32, #tpu.memory_space<hbm>>) dst(%dma_wait3A_579 : memref<1x128xf32, #tpu.memory_space<vmem>>)
      %dma_wait3A_582 = arith.constant 7 : i32
      %dma_wait3A_583 = arith.constant 0 : i32
      %dma_wait3A_584 = tpu.memref_slice %arg14[%dma_wait3A_582, %dma_wait3A_583] : memref<16x128xf32, #tpu.memory_space<vmem>> -> memref<1x128xf32, #tpu.memory_space<vmem>>
      %dma_wait3A_585 = arith.constant 0 : i32
      %dma_wait3A_586 = tpu.memref_slice %arg7[%squeeze3A_229, %dma_wait3A_585] : memref<500000x128xf32, #tpu.memory_space<hbm>> -> memref<1x128xf32, #tpu.memory_space<hbm>>
      %dma_wait3A_587 = arith.constant 7 : i32
      %dma_wait3A_588 = arith.constant 0 : i32
      %dma_wait3A_589 = tpu.memref_slice %arg14[%dma_wait3A_587, %dma_wait3A_588] : memref<16x128xf32, #tpu.memory_space<vmem>> -> memref<1x128xf32, #tpu.memory_space<vmem>>
      %dma_wait3A_590 = arith.constant 0 : i32
      %dma_wait3A_591 = tpu.memref_slice %arg7[%squeeze3A_229, %dma_wait3A_590] : memref<500000x128xf32, #tpu.memory_space<hbm>> -> memref<1x128xf32, #tpu.memory_space<hbm>>
      tpu.wait_dma2 semaphore(%arg17 : memref<!tpu.dma_semaphore, #tpu.memory_space<semaphore_mem>>) src(%dma_wait3A_591 : memref<1x128xf32, #tpu.memory_space<hbm>>) dst(%dma_wait3A_589 : memref<1x128xf32, #tpu.memory_space<vmem>>)
      %dma_wait3A_592 = arith.constant 8 : i32
      %dma_wait3A_593 = arith.constant 0 : i32
      %dma_wait3A_594 = tpu.memref_slice %arg13[%dma_wait3A_592, %dma_wait3A_593] : memref<16x128xf32, #tpu.memory_space<vmem>> -> memref<1x128xf32, #tpu.memory_space<vmem>>
      %dma_wait3A_595 = arith.constant 0 : i32
      %dma_wait3A_596 = tpu.memref_slice %arg6[%squeeze3A_241, %dma_wait3A_595] : memref<500000x128xf32, #tpu.memory_space<hbm>> -> memref<1x128xf32, #tpu.memory_space<hbm>>
      %dma_wait3A_597 = arith.constant 8 : i32
      %dma_wait3A_598 = arith.constant 0 : i32
      %dma_wait3A_599 = tpu.memref_slice %arg13[%dma_wait3A_597, %dma_wait3A_598] : memref<16x128xf32, #tpu.memory_space<vmem>> -> memref<1x128xf32, #tpu.memory_space<vmem>>
      %dma_wait3A_600 = arith.constant 0 : i32
      %dma_wait3A_601 = tpu.memref_slice %arg6[%squeeze3A_241, %dma_wait3A_600] : memref<500000x128xf32, #tpu.memory_space<hbm>> -> memref<1x128xf32, #tpu.memory_space<hbm>>
      tpu.wait_dma2 semaphore(%arg16 : memref<!tpu.dma_semaphore, #tpu.memory_space<semaphore_mem>>) src(%dma_wait3A_601 : memref<1x128xf32, #tpu.memory_space<hbm>>) dst(%dma_wait3A_599 : memref<1x128xf32, #tpu.memory_space<vmem>>)
      %dma_wait3A_602 = arith.constant 8 : i32
      %dma_wait3A_603 = arith.constant 0 : i32
      %dma_wait3A_604 = tpu.memref_slice %arg14[%dma_wait3A_602, %dma_wait3A_603] : memref<16x128xf32, #tpu.memory_space<vmem>> -> memref<1x128xf32, #tpu.memory_space<vmem>>
      %dma_wait3A_605 = arith.constant 0 : i32
      %dma_wait3A_606 = tpu.memref_slice %arg7[%squeeze3A_253, %dma_wait3A_605] : memref<500000x128xf32, #tpu.memory_space<hbm>> -> memref<1x128xf32, #tpu.memory_space<hbm>>
      %dma_wait3A_607 = arith.constant 8 : i32
      %dma_wait3A_608 = arith.constant 0 : i32
      %dma_wait3A_609 = tpu.memref_slice %arg14[%dma_wait3A_607, %dma_wait3A_608] : memref<16x128xf32, #tpu.memory_space<vmem>> -> memref<1x128xf32, #tpu.memory_space<vmem>>
      %dma_wait3A_610 = arith.constant 0 : i32
      %dma_wait3A_611 = tpu.memref_slice %arg7[%squeeze3A_253, %dma_wait3A_610] : memref<500000x128xf32, #tpu.memory_space<hbm>> -> memref<1x128xf32, #tpu.memory_space<hbm>>
      tpu.wait_dma2 semaphore(%arg17 : memref<!tpu.dma_semaphore, #tpu.memory_space<semaphore_mem>>) src(%dma_wait3A_611 : memref<1x128xf32, #tpu.memory_space<hbm>>) dst(%dma_wait3A_609 : memref<1x128xf32, #tpu.memory_space<vmem>>)
      %dma_wait3A_612 = arith.constant 9 : i32
      %dma_wait3A_613 = arith.constant 0 : i32
      %dma_wait3A_614 = tpu.memref_slice %arg13[%dma_wait3A_612, %dma_wait3A_613] : memref<16x128xf32, #tpu.memory_space<vmem>> -> memref<1x128xf32, #tpu.memory_space<vmem>>
      %dma_wait3A_615 = arith.constant 0 : i32
      %dma_wait3A_616 = tpu.memref_slice %arg6[%squeeze3A_265, %dma_wait3A_615] : memref<500000x128xf32, #tpu.memory_space<hbm>> -> memref<1x128xf32, #tpu.memory_space<hbm>>
      %dma_wait3A_617 = arith.constant 9 : i32
      %dma_wait3A_618 = arith.constant 0 : i32
      %dma_wait3A_619 = tpu.memref_slice %arg13[%dma_wait3A_617, %dma_wait3A_618] : memref<16x128xf32, #tpu.memory_space<vmem>> -> memref<1x128xf32, #tpu.memory_space<vmem>>
      %dma_wait3A_620 = arith.constant 0 : i32
      %dma_wait3A_621 = tpu.memref_slice %arg6[%squeeze3A_265, %dma_wait3A_620] : memref<500000x128xf32, #tpu.memory_space<hbm>> -> memref<1x128xf32, #tpu.memory_space<hbm>>
      tpu.wait_dma2 semaphore(%arg16 : memref<!tpu.dma_semaphore, #tpu.memory_space<semaphore_mem>>) src(%dma_wait3A_621 : memref<1x128xf32, #tpu.memory_space<hbm>>) dst(%dma_wait3A_619 : memref<1x128xf32, #tpu.memory_space<vmem>>)
      %dma_wait3A_622 = arith.constant 9 : i32
      %dma_wait3A_623 = arith.constant 0 : i32
      %dma_wait3A_624 = tpu.memref_slice %arg14[%dma_wait3A_622, %dma_wait3A_623] : memref<16x128xf32, #tpu.memory_space<vmem>> -> memref<1x128xf32, #tpu.memory_space<vmem>>
      %dma_wait3A_625 = arith.constant 0 : i32
      %dma_wait3A_626 = tpu.memref_slice %arg7[%squeeze3A_277, %dma_wait3A_625] : memref<500000x128xf32, #tpu.memory_space<hbm>> -> memref<1x128xf32, #tpu.memory_space<hbm>>
      %dma_wait3A_627 = arith.constant 9 : i32
      %dma_wait3A_628 = arith.constant 0 : i32
      %dma_wait3A_629 = tpu.memref_slice %arg14[%dma_wait3A_627, %dma_wait3A_628] : memref<16x128xf32, #tpu.memory_space<vmem>> -> memref<1x128xf32, #tpu.memory_space<vmem>>
      %dma_wait3A_630 = arith.constant 0 : i32
      %dma_wait3A_631 = tpu.memref_slice %arg7[%squeeze3A_277, %dma_wait3A_630] : memref<500000x128xf32, #tpu.memory_space<hbm>> -> memref<1x128xf32, #tpu.memory_space<hbm>>
      tpu.wait_dma2 semaphore(%arg17 : memref<!tpu.dma_semaphore, #tpu.memory_space<semaphore_mem>>) src(%dma_wait3A_631 : memref<1x128xf32, #tpu.memory_space<hbm>>) dst(%dma_wait3A_629 : memref<1x128xf32, #tpu.memory_space<vmem>>)
      %dma_wait3A_632 = arith.constant 10 : i32
      %dma_wait3A_633 = arith.constant 0 : i32
      %dma_wait3A_634 = tpu.memref_slice %arg13[%dma_wait3A_632, %dma_wait3A_633] : memref<16x128xf32, #tpu.memory_space<vmem>> -> memref<1x128xf32, #tpu.memory_space<vmem>>
      %dma_wait3A_635 = arith.constant 0 : i32
      %dma_wait3A_636 = tpu.memref_slice %arg6[%squeeze3A_289, %dma_wait3A_635] : memref<500000x128xf32, #tpu.memory_space<hbm>> -> memref<1x128xf32, #tpu.memory_space<hbm>>
      %dma_wait3A_637 = arith.constant 10 : i32
      %dma_wait3A_638 = arith.constant 0 : i32
      %dma_wait3A_639 = tpu.memref_slice %arg13[%dma_wait3A_637, %dma_wait3A_638] : memref<16x128xf32, #tpu.memory_space<vmem>> -> memref<1x128xf32, #tpu.memory_space<vmem>>
      %dma_wait3A_640 = arith.constant 0 : i32
      %dma_wait3A_641 = tpu.memref_slice %arg6[%squeeze3A_289, %dma_wait3A_640] : memref<500000x128xf32, #tpu.memory_space<hbm>> -> memref<1x128xf32, #tpu.memory_space<hbm>>
      tpu.wait_dma2 semaphore(%arg16 : memref<!tpu.dma_semaphore, #tpu.memory_space<semaphore_mem>>) src(%dma_wait3A_641 : memref<1x128xf32, #tpu.memory_space<hbm>>) dst(%dma_wait3A_639 : memref<1x128xf32, #tpu.memory_space<vmem>>)
      %dma_wait3A_642 = arith.constant 10 : i32
      %dma_wait3A_643 = arith.constant 0 : i32
      %dma_wait3A_644 = tpu.memref_slice %arg14[%dma_wait3A_642, %dma_wait3A_643] : memref<16x128xf32, #tpu.memory_space<vmem>> -> memref<1x128xf32, #tpu.memory_space<vmem>>
      %dma_wait3A_645 = arith.constant 0 : i32
      %dma_wait3A_646 = tpu.memref_slice %arg7[%squeeze3A_301, %dma_wait3A_645] : memref<500000x128xf32, #tpu.memory_space<hbm>> -> memref<1x128xf32, #tpu.memory_space<hbm>>
      %dma_wait3A_647 = arith.constant 10 : i32
      %dma_wait3A_648 = arith.constant 0 : i32
      %dma_wait3A_649 = tpu.memref_slice %arg14[%dma_wait3A_647, %dma_wait3A_648] : memref<16x128xf32, #tpu.memory_space<vmem>> -> memref<1x128xf32, #tpu.memory_space<vmem>>
      %dma_wait3A_650 = arith.constant 0 : i32
      %dma_wait3A_651 = tpu.memref_slice %arg7[%squeeze3A_301, %dma_wait3A_650] : memref<500000x128xf32, #tpu.memory_space<hbm>> -> memref<1x128xf32, #tpu.memory_space<hbm>>
      tpu.wait_dma2 semaphore(%arg17 : memref<!tpu.dma_semaphore, #tpu.memory_space<semaphore_mem>>) src(%dma_wait3A_651 : memref<1x128xf32, #tpu.memory_space<hbm>>) dst(%dma_wait3A_649 : memref<1x128xf32, #tpu.memory_space<vmem>>)
      %dma_wait3A_652 = arith.constant 11 : i32
      %dma_wait3A_653 = arith.constant 0 : i32
      %dma_wait3A_654 = tpu.memref_slice %arg13[%dma_wait3A_652, %dma_wait3A_653] : memref<16x128xf32, #tpu.memory_space<vmem>> -> memref<1x128xf32, #tpu.memory_space<vmem>>
      %dma_wait3A_655 = arith.constant 0 : i32
      %dma_wait3A_656 = tpu.memref_slice %arg6[%squeeze3A_313, %dma_wait3A_655] : memref<500000x128xf32, #tpu.memory_space<hbm>> -> memref<1x128xf32, #tpu.memory_space<hbm>>
      %dma_wait3A_657 = arith.constant 11 : i32
      %dma_wait3A_658 = arith.constant 0 : i32
      %dma_wait3A_659 = tpu.memref_slice %arg13[%dma_wait3A_657, %dma_wait3A_658] : memref<16x128xf32, #tpu.memory_space<vmem>> -> memref<1x128xf32, #tpu.memory_space<vmem>>
      %dma_wait3A_660 = arith.constant 0 : i32
      %dma_wait3A_661 = tpu.memref_slice %arg6[%squeeze3A_313, %dma_wait3A_660] : memref<500000x128xf32, #tpu.memory_space<hbm>> -> memref<1x128xf32, #tpu.memory_space<hbm>>
      tpu.wait_dma2 semaphore(%arg16 : memref<!tpu.dma_semaphore, #tpu.memory_space<semaphore_mem>>) src(%dma_wait3A_661 : memref<1x128xf32, #tpu.memory_space<hbm>>) dst(%dma_wait3A_659 : memref<1x128xf32, #tpu.memory_space<vmem>>)
      %dma_wait3A_662 = arith.constant 11 : i32
      %dma_wait3A_663 = arith.constant 0 : i32
      %dma_wait3A_664 = tpu.memref_slice %arg14[%dma_wait3A_662, %dma_wait3A_663] : memref<16x128xf32, #tpu.memory_space<vmem>> -> memref<1x128xf32, #tpu.memory_space<vmem>>
      %dma_wait3A_665 = arith.constant 0 : i32
      %dma_wait3A_666 = tpu.memref_slice %arg7[%squeeze3A_325, %dma_wait3A_665] : memref<500000x128xf32, #tpu.memory_space<hbm>> -> memref<1x128xf32, #tpu.memory_space<hbm>>
      %dma_wait3A_667 = arith.constant 11 : i32
      %dma_wait3A_668 = arith.constant 0 : i32
      %dma_wait3A_669 = tpu.memref_slice %arg14[%dma_wait3A_667, %dma_wait3A_668] : memref<16x128xf32, #tpu.memory_space<vmem>> -> memref<1x128xf32, #tpu.memory_space<vmem>>
      %dma_wait3A_670 = arith.constant 0 : i32
      %dma_wait3A_671 = tpu.memref_slice %arg7[%squeeze3A_325, %dma_wait3A_670] : memref<500000x128xf32, #tpu.memory_space<hbm>> -> memref<1x128xf32, #tpu.memory_space<hbm>>
      tpu.wait_dma2 semaphore(%arg17 : memref<!tpu.dma_semaphore, #tpu.memory_space<semaphore_mem>>) src(%dma_wait3A_671 : memref<1x128xf32, #tpu.memory_space<hbm>>) dst(%dma_wait3A_669 : memref<1x128xf32, #tpu.memory_space<vmem>>)
      %dma_wait3A_672 = arith.constant 12 : i32
      %dma_wait3A_673 = arith.constant 0 : i32
      %dma_wait3A_674 = tpu.memref_slice %arg13[%dma_wait3A_672, %dma_wait3A_673] : memref<16x128xf32, #tpu.memory_space<vmem>> -> memref<1x128xf32, #tpu.memory_space<vmem>>
      %dma_wait3A_675 = arith.constant 0 : i32
      %dma_wait3A_676 = tpu.memref_slice %arg6[%squeeze3A_337, %dma_wait3A_675] : memref<500000x128xf32, #tpu.memory_space<hbm>> -> memref<1x128xf32, #tpu.memory_space<hbm>>
      %dma_wait3A_677 = arith.constant 12 : i32
      %dma_wait3A_678 = arith.constant 0 : i32
      %dma_wait3A_679 = tpu.memref_slice %arg13[%dma_wait3A_677, %dma_wait3A_678] : memref<16x128xf32, #tpu.memory_space<vmem>> -> memref<1x128xf32, #tpu.memory_space<vmem>>
      %dma_wait3A_680 = arith.constant 0 : i32
      %dma_wait3A_681 = tpu.memref_slice %arg6[%squeeze3A_337, %dma_wait3A_680] : memref<500000x128xf32, #tpu.memory_space<hbm>> -> memref<1x128xf32, #tpu.memory_space<hbm>>
      tpu.wait_dma2 semaphore(%arg16 : memref<!tpu.dma_semaphore, #tpu.memory_space<semaphore_mem>>) src(%dma_wait3A_681 : memref<1x128xf32, #tpu.memory_space<hbm>>) dst(%dma_wait3A_679 : memref<1x128xf32, #tpu.memory_space<vmem>>)
      %dma_wait3A_682 = arith.constant 12 : i32
      %dma_wait3A_683 = arith.constant 0 : i32
      %dma_wait3A_684 = tpu.memref_slice %arg14[%dma_wait3A_682, %dma_wait3A_683] : memref<16x128xf32, #tpu.memory_space<vmem>> -> memref<1x128xf32, #tpu.memory_space<vmem>>
      %dma_wait3A_685 = arith.constant 0 : i32
      %dma_wait3A_686 = tpu.memref_slice %arg7[%squeeze3A_349, %dma_wait3A_685] : memref<500000x128xf32, #tpu.memory_space<hbm>> -> memref<1x128xf32, #tpu.memory_space<hbm>>
      %dma_wait3A_687 = arith.constant 12 : i32
      %dma_wait3A_688 = arith.constant 0 : i32
      %dma_wait3A_689 = tpu.memref_slice %arg14[%dma_wait3A_687, %dma_wait3A_688] : memref<16x128xf32, #tpu.memory_space<vmem>> -> memref<1x128xf32, #tpu.memory_space<vmem>>
      %dma_wait3A_690 = arith.constant 0 : i32
      %dma_wait3A_691 = tpu.memref_slice %arg7[%squeeze3A_349, %dma_wait3A_690] : memref<500000x128xf32, #tpu.memory_space<hbm>> -> memref<1x128xf32, #tpu.memory_space<hbm>>
      tpu.wait_dma2 semaphore(%arg17 : memref<!tpu.dma_semaphore, #tpu.memory_space<semaphore_mem>>) src(%dma_wait3A_691 : memref<1x128xf32, #tpu.memory_space<hbm>>) dst(%dma_wait3A_689 : memref<1x128xf32, #tpu.memory_space<vmem>>)
      %dma_wait3A_692 = arith.constant 13 : i32
      %dma_wait3A_693 = arith.constant 0 : i32
      %dma_wait3A_694 = tpu.memref_slice %arg13[%dma_wait3A_692, %dma_wait3A_693] : memref<16x128xf32, #tpu.memory_space<vmem>> -> memref<1x128xf32, #tpu.memory_space<vmem>>
      %dma_wait3A_695 = arith.constant 0 : i32
      %dma_wait3A_696 = tpu.memref_slice %arg6[%squeeze3A_361, %dma_wait3A_695] : memref<500000x128xf32, #tpu.memory_space<hbm>> -> memref<1x128xf32, #tpu.memory_space<hbm>>
      %dma_wait3A_697 = arith.constant 13 : i32
      %dma_wait3A_698 = arith.constant 0 : i32
      %dma_wait3A_699 = tpu.memref_slice %arg13[%dma_wait3A_697, %dma_wait3A_698] : memref<16x128xf32, #tpu.memory_space<vmem>> -> memref<1x128xf32, #tpu.memory_space<vmem>>
      %dma_wait3A_700 = arith.constant 0 : i32
      %dma_wait3A_701 = tpu.memref_slice %arg6[%squeeze3A_361, %dma_wait3A_700] : memref<500000x128xf32, #tpu.memory_space<hbm>> -> memref<1x128xf32, #tpu.memory_space<hbm>>
      tpu.wait_dma2 semaphore(%arg16 : memref<!tpu.dma_semaphore, #tpu.memory_space<semaphore_mem>>) src(%dma_wait3A_701 : memref<1x128xf32, #tpu.memory_space<hbm>>) dst(%dma_wait3A_699 : memref<1x128xf32, #tpu.memory_space<vmem>>)
      %dma_wait3A_702 = arith.constant 13 : i32
      %dma_wait3A_703 = arith.constant 0 : i32
      %dma_wait3A_704 = tpu.memref_slice %arg14[%dma_wait3A_702, %dma_wait3A_703] : memref<16x128xf32, #tpu.memory_space<vmem>> -> memref<1x128xf32, #tpu.memory_space<vmem>>
      %dma_wait3A_705 = arith.constant 0 : i32
      %dma_wait3A_706 = tpu.memref_slice %arg7[%squeeze3A_373, %dma_wait3A_705] : memref<500000x128xf32, #tpu.memory_space<hbm>> -> memref<1x128xf32, #tpu.memory_space<hbm>>
      %dma_wait3A_707 = arith.constant 13 : i32
      %dma_wait3A_708 = arith.constant 0 : i32
      %dma_wait3A_709 = tpu.memref_slice %arg14[%dma_wait3A_707, %dma_wait3A_708] : memref<16x128xf32, #tpu.memory_space<vmem>> -> memref<1x128xf32, #tpu.memory_space<vmem>>
      %dma_wait3A_710 = arith.constant 0 : i32
      %dma_wait3A_711 = tpu.memref_slice %arg7[%squeeze3A_373, %dma_wait3A_710] : memref<500000x128xf32, #tpu.memory_space<hbm>> -> memref<1x128xf32, #tpu.memory_space<hbm>>
      tpu.wait_dma2 semaphore(%arg17 : memref<!tpu.dma_semaphore, #tpu.memory_space<semaphore_mem>>) src(%dma_wait3A_711 : memref<1x128xf32, #tpu.memory_space<hbm>>) dst(%dma_wait3A_709 : memref<1x128xf32, #tpu.memory_space<vmem>>)
      %dma_wait3A_712 = arith.constant 14 : i32
      %dma_wait3A_713 = arith.constant 0 : i32
      %dma_wait3A_714 = tpu.memref_slice %arg13[%dma_wait3A_712, %dma_wait3A_713] : memref<16x128xf32, #tpu.memory_space<vmem>> -> memref<1x128xf32, #tpu.memory_space<vmem>>
      %dma_wait3A_715 = arith.constant 0 : i32
      %dma_wait3A_716 = tpu.memref_slice %arg6[%squeeze3A_385, %dma_wait3A_715] : memref<500000x128xf32, #tpu.memory_space<hbm>> -> memref<1x128xf32, #tpu.memory_space<hbm>>
      %dma_wait3A_717 = arith.constant 14 : i32
      %dma_wait3A_718 = arith.constant 0 : i32
      %dma_wait3A_719 = tpu.memref_slice %arg13[%dma_wait3A_717, %dma_wait3A_718] : memref<16x128xf32, #tpu.memory_space<vmem>> -> memref<1x128xf32, #tpu.memory_space<vmem>>
      %dma_wait3A_720 = arith.constant 0 : i32
      %dma_wait3A_721 = tpu.memref_slice %arg6[%squeeze3A_385, %dma_wait3A_720] : memref<500000x128xf32, #tpu.memory_space<hbm>> -> memref<1x128xf32, #tpu.memory_space<hbm>>
      tpu.wait_dma2 semaphore(%arg16 : memref<!tpu.dma_semaphore, #tpu.memory_space<semaphore_mem>>) src(%dma_wait3A_721 : memref<1x128xf32, #tpu.memory_space<hbm>>) dst(%dma_wait3A_719 : memref<1x128xf32, #tpu.memory_space<vmem>>)
      %dma_wait3A_722 = arith.constant 14 : i32
      %dma_wait3A_723 = arith.constant 0 : i32
      %dma_wait3A_724 = tpu.memref_slice %arg14[%dma_wait3A_722, %dma_wait3A_723] : memref<16x128xf32, #tpu.memory_space<vmem>> -> memref<1x128xf32, #tpu.memory_space<vmem>>
      %dma_wait3A_725 = arith.constant 0 : i32
      %dma_wait3A_726 = tpu.memref_slice %arg7[%squeeze3A_397, %dma_wait3A_725] : memref<500000x128xf32, #tpu.memory_space<hbm>> -> memref<1x128xf32, #tpu.memory_space<hbm>>
      %dma_wait3A_727 = arith.constant 14 : i32
      %dma_wait3A_728 = arith.constant 0 : i32
      %dma_wait3A_729 = tpu.memref_slice %arg14[%dma_wait3A_727, %dma_wait3A_728] : memref<16x128xf32, #tpu.memory_space<vmem>> -> memref<1x128xf32, #tpu.memory_space<vmem>>
      %dma_wait3A_730 = arith.constant 0 : i32
      %dma_wait3A_731 = tpu.memref_slice %arg7[%squeeze3A_397, %dma_wait3A_730] : memref<500000x128xf32, #tpu.memory_space<hbm>> -> memref<1x128xf32, #tpu.memory_space<hbm>>
      tpu.wait_dma2 semaphore(%arg17 : memref<!tpu.dma_semaphore, #tpu.memory_space<semaphore_mem>>) src(%dma_wait3A_731 : memref<1x128xf32, #tpu.memory_space<hbm>>) dst(%dma_wait3A_729 : memref<1x128xf32, #tpu.memory_space<vmem>>)
      %dma_wait3A_732 = arith.constant 15 : i32
      %dma_wait3A_733 = arith.constant 0 : i32
      %dma_wait3A_734 = tpu.memref_slice %arg13[%dma_wait3A_732, %dma_wait3A_733] : memref<16x128xf32, #tpu.memory_space<vmem>> -> memref<1x128xf32, #tpu.memory_space<vmem>>
      %dma_wait3A_735 = arith.constant 0 : i32
      %dma_wait3A_736 = tpu.memref_slice %arg6[%squeeze3A_409, %dma_wait3A_735] : memref<500000x128xf32, #tpu.memory_space<hbm>> -> memref<1x128xf32, #tpu.memory_space<hbm>>
      %dma_wait3A_737 = arith.constant 15 : i32
      %dma_wait3A_738 = arith.constant 0 : i32
      %dma_wait3A_739 = tpu.memref_slice %arg13[%dma_wait3A_737, %dma_wait3A_738] : memref<16x128xf32, #tpu.memory_space<vmem>> -> memref<1x128xf32, #tpu.memory_space<vmem>>
      %dma_wait3A_740 = arith.constant 0 : i32
      %dma_wait3A_741 = tpu.memref_slice %arg6[%squeeze3A_409, %dma_wait3A_740] : memref<500000x128xf32, #tpu.memory_space<hbm>> -> memref<1x128xf32, #tpu.memory_space<hbm>>
      tpu.wait_dma2 semaphore(%arg16 : memref<!tpu.dma_semaphore, #tpu.memory_space<semaphore_mem>>) src(%dma_wait3A_741 : memref<1x128xf32, #tpu.memory_space<hbm>>) dst(%dma_wait3A_739 : memref<1x128xf32, #tpu.memory_space<vmem>>)
      %dma_wait3A_742 = arith.constant 15 : i32
      %dma_wait3A_743 = arith.constant 0 : i32
      %dma_wait3A_744 = tpu.memref_slice %arg14[%dma_wait3A_742, %dma_wait3A_743] : memref<16x128xf32, #tpu.memory_space<vmem>> -> memref<1x128xf32, #tpu.memory_space<vmem>>
      %dma_wait3A_745 = arith.constant 0 : i32
      %dma_wait3A_746 = tpu.memref_slice %arg7[%squeeze3A_421, %dma_wait3A_745] : memref<500000x128xf32, #tpu.memory_space<hbm>> -> memref<1x128xf32, #tpu.memory_space<hbm>>
      %dma_wait3A_747 = arith.constant 15 : i32
      %dma_wait3A_748 = arith.constant 0 : i32
      %dma_wait3A_749 = tpu.memref_slice %arg14[%dma_wait3A_747, %dma_wait3A_748] : memref<16x128xf32, #tpu.memory_space<vmem>> -> memref<1x128xf32, #tpu.memory_space<vmem>>
      %dma_wait3A_750 = arith.constant 0 : i32
      %dma_wait3A_751 = tpu.memref_slice %arg7[%squeeze3A_421, %dma_wait3A_750] : memref<500000x128xf32, #tpu.memory_space<hbm>> -> memref<1x128xf32, #tpu.memory_space<hbm>>
      tpu.wait_dma2 semaphore(%arg17 : memref<!tpu.dma_semaphore, #tpu.memory_space<semaphore_mem>>) src(%dma_wait3A_751 : memref<1x128xf32, #tpu.memory_space<hbm>>) dst(%dma_wait3A_749 : memref<1x128xf32, #tpu.memory_space<vmem>>)
      %get3A_752 = arith.index_cast %mul3A_30 : i32 to index
      %get3A_753 = tpu.vector_load %arg11[%get3A_752] {strides = array<i32>} : memref<512xf32, #tpu.memory_space<vmem>>, vector<16xf32>,
      %get3A_754 = arith.index_cast %mul3A_30 : i32 to index
      %get3A_755 = tpu.vector_load %arg12[%get3A_754] {strides = array<i32>} : memref<512xf32, #tpu.memory_space<vmem>>, vector<16xf32>,
      %broadcast_in_dim3A_756 = arith.constant 0.000000e+00 : f32
      %broadcast_in_dim3A_757 = vector.broadcast %broadcast_in_dim3A_756 : f32 to vector<16xf32>
      %slice3A_758 = vector.extract_strided_slice %mul3A_43 {offsets = [0], sizes = [1], strides = [1]} : vector<16xi32> to vector<1xi32>
      %squeeze3A_759 = vector.extract %slice3A_758[0] : i32 from vector<1xi32>
      %add3A_760 = arith.constant 0 : i32
      %add3A_761 = arith.addi %squeeze3A_759, %add3A_760 : i32
      %get3A_762 = arith.constant 0 : i32
      %get3A_763 = arith.index_cast %get3A_762 : i32 to index
      %get3A_764 = arith.index_cast %add3A_761 : i32 to index
      %get3A_765 = tpu.vector_load %arg13[%get3A_763, %get3A_764] {strides = array<i32>} : memref<16x128xf32, #tpu.memory_space<vmem>>, vector<16xf32>,
      %slice3A_766 = vector.extract_strided_slice %mul3A_49 {offsets = [0], sizes = [1], strides = [1]} : vector<16xi32> to vector<1xi32>
      %squeeze3A_767 = vector.extract %slice3A_766[0] : i32 from vector<1xi32>
      %add3A_768 = arith.constant 0 : i32
      %add3A_769 = arith.addi %squeeze3A_767, %add3A_768 : i32
      %get3A_770 = arith.constant 0 : i32
      %get3A_771 = arith.index_cast %get3A_770 : i32 to index
      %get3A_772 = arith.index_cast %add3A_769 : i32 to index
      %get3A_773 = tpu.vector_load %arg14[%get3A_771, %get3A_772] {strides = array<i32>} : memref<16x128xf32, #tpu.memory_space<vmem>>, vector<16xf32>,
      %mul3A_774 = arith.mulf %get3A_765, %get3A_773 : vector<16xf32>
      %add3A_775 = arith.addf %broadcast_in_dim3A_757, %mul3A_774 : vector<16xf32>
      %slice3A_776 = vector.extract_strided_slice %mul3A_43 {offsets = [0], sizes = [1], strides = [1]} : vector<16xi32> to vector<1xi32>
      %squeeze3A_777 = vector.extract %slice3A_776[0] : i32 from vector<1xi32>
      %add3A_778 = arith.constant 16 : i32
      %add3A_779 = arith.addi %squeeze3A_777, %add3A_778 : i32
      %get3A_780 = arith.constant 0 : i32
      %get3A_781 = arith.index_cast %get3A_780 : i32 to index
      %get3A_782 = arith.index_cast %add3A_779 : i32 to index
      %get3A_783 = tpu.vector_load %arg13[%get3A_781, %get3A_782] {strides = array<i32>} : memref<16x128xf32, #tpu.memory_space<vmem>>, vector<16xf32>,
      %slice3A_784 = vector.extract_strided_slice %mul3A_49 {offsets = [0], sizes = [1], strides = [1]} : vector<16xi32> to vector<1xi32>
      %squeeze3A_785 = vector.extract %slice3A_784[0] : i32 from vector<1xi32>
      %add3A_786 = arith.constant 16 : i32
      %add3A_787 = arith.addi %squeeze3A_785, %add3A_786 : i32
      %get3A_788 = arith.constant 0 : i32
      %get3A_789 = arith.index_cast %get3A_788 : i32 to index
      %get3A_790 = arith.index_cast %add3A_787 : i32 to index
      %get3A_791 = tpu.vector_load %arg14[%get3A_789, %get3A_790] {strides = array<i32>} : memref<16x128xf32, #tpu.memory_space<vmem>>, vector<16xf32>,
      %mul3A_792 = arith.mulf %get3A_783, %get3A_791 : vector<16xf32>
      %add3A_793 = arith.addf %add3A_775, %mul3A_792 : vector<16xf32>
      %slice3A_794 = vector.extract_strided_slice %mul3A_43 {offsets = [0], sizes = [1], strides = [1]} : vector<16xi32> to vector<1xi32>
      %squeeze3A_795 = vector.extract %slice3A_794[0] : i32 from vector<1xi32>
      %add3A_796 = arith.constant 32 : i32
      %add3A_797 = arith.addi %squeeze3A_795, %add3A_796 : i32
      %get3A_798 = arith.constant 0 : i32
      %get3A_799 = arith.index_cast %get3A_798 : i32 to index
      %get3A_800 = arith.index_cast %add3A_797 : i32 to index
      %get3A_801 = tpu.vector_load %arg13[%get3A_799, %get3A_800] {strides = array<i32>} : memref<16x128xf32, #tpu.memory_space<vmem>>, vector<16xf32>,
      %slice3A_802 = vector.extract_strided_slice %mul3A_49 {offsets = [0], sizes = [1], strides = [1]} : vector<16xi32> to vector<1xi32>
      %squeeze3A_803 = vector.extract %slice3A_802[0] : i32 from vector<1xi32>
      %add3A_804 = arith.constant 32 : i32
      %add3A_805 = arith.addi %squeeze3A_803, %add3A_804 : i32
      %get3A_806 = arith.constant 0 : i32
      %get3A_807 = arith.index_cast %get3A_806 : i32 to index
      %get3A_808 = arith.index_cast %add3A_805 : i32 to index
      %get3A_809 = tpu.vector_load %arg14[%get3A_807, %get3A_808] {strides = array<i32>} : memref<16x128xf32, #tpu.memory_space<vmem>>, vector<16xf32>,
      %mul3A_810 = arith.mulf %get3A_801, %get3A_809 : vector<16xf32>
      %add3A_811 = arith.addf %add3A_793, %mul3A_810 : vector<16xf32>
      %slice3A_812 = vector.extract_strided_slice %mul3A_43 {offsets = [0], sizes = [1], strides = [1]} : vector<16xi32> to vector<1xi32>
      %squeeze3A_813 = vector.extract %slice3A_812[0] : i32 from vector<1xi32>
      %add3A_814 = arith.constant 48 : i32
      %add3A_815 = arith.addi %squeeze3A_813, %add3A_814 : i32
      %get3A_816 = arith.constant 0 : i32
      %get3A_817 = arith.index_cast %get3A_816 : i32 to index
      %get3A_818 = arith.index_cast %add3A_815 : i32 to index
      %get3A_819 = tpu.vector_load %arg13[%get3A_817, %get3A_818] {strides = array<i32>} : memref<16x128xf32, #tpu.memory_space<vmem>>, vector<16xf32>,
      %slice3A_820 = vector.extract_strided_slice %mul3A_49 {offsets = [0], sizes = [1], strides = [1]} : vector<16xi32> to vector<1xi32>
      %squeeze3A_821 = vector.extract %slice3A_820[0] : i32 from vector<1xi32>
      %add3A_822 = arith.constant 48 : i32
      %add3A_823 = arith.addi %squeeze3A_821, %add3A_822 : i32
      %get3A_824 = arith.constant 0 : i32
      %get3A_825 = arith.index_cast %get3A_824 : i32 to index
      %get3A_826 = arith.index_cast %add3A_823 : i32 to index
      %get3A_827 = tpu.vector_load %arg14[%get3A_825, %get3A_826] {strides = array<i32>} : memref<16x128xf32, #tpu.memory_space<vmem>>, vector<16xf32>,
      %mul3A_828 = arith.mulf %get3A_819, %get3A_827 : vector<16xf32>
      %add3A_829 = arith.addf %add3A_811, %mul3A_828 : vector<16xf32>
      %cumsum3A = arith.constant true
      %cumsum3A_830 = vector.broadcast %cumsum3A : i1 to vector<16xi1>
      %cumsum3A_831 = tpu.scan <sum>, %add3A_829 masked %cumsum3A_830 : vector<16xf32>, vector<16xi1> -> vector<16xf32>
      %slice3A_832 = vector.extract_strided_slice %get3A_753 {offsets = [0], sizes = [1], strides = [1]} : vector<16xf32> to vector<1xf32>
      %squeeze3A_833 = vector.extract %slice3A_832[0] : f32 from vector<1xf32>
      %sub3A = vector.broadcast %squeeze3A_833 : f32 to vector<16xf32>
      %sub3A_834 = arith.subf %cumsum3A_831, %sub3A : vector<16xf32>
      %mul3A_835 = arith.mulf %sub3A_834, %sub3A_834 : vector<16xf32>
      %slice3A_836 = vector.extract_strided_slice %get3A_755 {offsets = [0], sizes = [1], strides = [1]} : vector<16xf32> to vector<1xf32>
      %squeeze3A_837 = vector.extract %slice3A_836[0] : f32 from vector<1xf32>
      %mul3A_838 = vector.broadcast %squeeze3A_837 : f32 to vector<16xf32>
      %mul3A_839 = arith.mulf %mul3A_835, %mul3A_838 : vector<16xf32>
      %add3A_840 = arith.addf %scan3A_28, %mul3A_839 : vector<16xf32>
      %broadcast_in_dim3A_841 = arith.constant 0.000000e+00 : f32
      %broadcast_in_dim3A_842 = vector.broadcast %broadcast_in_dim3A_841 : f32 to vector<16xf32>
      %slice3A_843 = vector.extract_strided_slice %mul3A_43 {offsets = [1], sizes = [1], strides = [1]} : vector<16xi32> to vector<1xi32>
      %squeeze3A_844 = vector.extract %slice3A_843[0] : i32 from vector<1xi32>
      %add3A_845 = arith.constant 0 : i32
      %add3A_846 = arith.addi %squeeze3A_844, %add3A_845 : i32
      %get3A_847 = arith.constant 1 : i32
      %get3A_848 = arith.index_cast %get3A_847 : i32 to index
      %get3A_849 = arith.index_cast %add3A_846 : i32 to index
      %get3A_850 = tpu.vector_load %arg13[%get3A_848, %get3A_849] {strides = array<i32>} : memref<16x128xf32, #tpu.memory_space<vmem>>, vector<16xf32>,
      %slice3A_851 = vector.extract_strided_slice %mul3A_49 {offsets = [1], sizes = [1], strides = [1]} : vector<16xi32> to vector<1xi32>
      %squeeze3A_852 = vector.extract %slice3A_851[0] : i32 from vector<1xi32>
      %add3A_853 = arith.constant 0 : i32
      %add3A_854 = arith.addi %squeeze3A_852, %add3A_853 : i32
      %get3A_855 = arith.constant 1 : i32
      %get3A_856 = arith.index_cast %get3A_855 : i32 to index
      %get3A_857 = arith.index_cast %add3A_854 : i32 to index
      %get3A_858 = tpu.vector_load %arg14[%get3A_856, %get3A_857] {strides = array<i32>} : memref<16x128xf32, #tpu.memory_space<vmem>>, vector<16xf32>,
      %mul3A_859 = arith.mulf %get3A_850, %get3A_858 : vector<16xf32>
      %add3A_860 = arith.addf %broadcast_in_dim3A_842, %mul3A_859 : vector<16xf32>
      %slice3A_861 = vector.extract_strided_slice %mul3A_43 {offsets = [1], sizes = [1], strides = [1]} : vector<16xi32> to vector<1xi32>
      %squeeze3A_862 = vector.extract %slice3A_861[0] : i32 from vector<1xi32>
      %add3A_863 = arith.constant 16 : i32
      %add3A_864 = arith.addi %squeeze3A_862, %add3A_863 : i32
      %get3A_865 = arith.constant 1 : i32
      %get3A_866 = arith.index_cast %get3A_865 : i32 to index
      %get3A_867 = arith.index_cast %add3A_864 : i32 to index
      %get3A_868 = tpu.vector_load %arg13[%get3A_866, %get3A_867] {strides = array<i32>} : memref<16x128xf32, #tpu.memory_space<vmem>>, vector<16xf32>,
      %slice3A_869 = vector.extract_strided_slice %mul3A_49 {offsets = [1], sizes = [1], strides = [1]} : vector<16xi32> to vector<1xi32>
      %squeeze3A_870 = vector.extract %slice3A_869[0] : i32 from vector<1xi32>
      %add3A_871 = arith.constant 16 : i32
      %add3A_872 = arith.addi %squeeze3A_870, %add3A_871 : i32
      %get3A_873 = arith.constant 1 : i32
      %get3A_874 = arith.index_cast %get3A_873 : i32 to index
      %get3A_875 = arith.index_cast %add3A_872 : i32 to index
      %get3A_876 = tpu.vector_load %arg14[%get3A_874, %get3A_875] {strides = array<i32>} : memref<16x128xf32, #tpu.memory_space<vmem>>, vector<16xf32>,
      %mul3A_877 = arith.mulf %get3A_868, %get3A_876 : vector<16xf32>
      %add3A_878 = arith.addf %add3A_860, %mul3A_877 : vector<16xf32>
      %slice3A_879 = vector.extract_strided_slice %mul3A_43 {offsets = [1], sizes = [1], strides = [1]} : vector<16xi32> to vector<1xi32>
      %squeeze3A_880 = vector.extract %slice3A_879[0] : i32 from vector<1xi32>
      %add3A_881 = arith.constant 32 : i32
      %add3A_882 = arith.addi %squeeze3A_880, %add3A_881 : i32
      %get3A_883 = arith.constant 1 : i32
      %get3A_884 = arith.index_cast %get3A_883 : i32 to index
      %get3A_885 = arith.index_cast %add3A_882 : i32 to index
      %get3A_886 = tpu.vector_load %arg13[%get3A_884, %get3A_885] {strides = array<i32>} : memref<16x128xf32, #tpu.memory_space<vmem>>, vector<16xf32>,
      %slice3A_887 = vector.extract_strided_slice %mul3A_49 {offsets = [1], sizes = [1], strides = [1]} : vector<16xi32> to vector<1xi32>
      %squeeze3A_888 = vector.extract %slice3A_887[0] : i32 from vector<1xi32>
      %add3A_889 = arith.constant 32 : i32
      %add3A_890 = arith.addi %squeeze3A_888, %add3A_889 : i32
      %get3A_891 = arith.constant 1 : i32
      %get3A_892 = arith.index_cast %get3A_891 : i32 to index
      %get3A_893 = arith.index_cast %add3A_890 : i32 to index
      %get3A_894 = tpu.vector_load %arg14[%get3A_892, %get3A_893] {strides = array<i32>} : memref<16x128xf32, #tpu.memory_space<vmem>>, vector<16xf32>,
      %mul3A_895 = arith.mulf %get3A_886, %get3A_894 : vector<16xf32>
      %add3A_896 = arith.addf %add3A_878, %mul3A_895 : vector<16xf32>
      %slice3A_897 = vector.extract_strided_slice %mul3A_43 {offsets = [1], sizes = [1], strides = [1]} : vector<16xi32> to vector<1xi32>
      %squeeze3A_898 = vector.extract %slice3A_897[0] : i32 from vector<1xi32>
      %add3A_899 = arith.constant 48 : i32
      %add3A_900 = arith.addi %squeeze3A_898, %add3A_899 : i32
      %get3A_901 = arith.constant 1 : i32
      %get3A_902 = arith.index_cast %get3A_901 : i32 to index
      %get3A_903 = arith.index_cast %add3A_900 : i32 to index
      %get3A_904 = tpu.vector_load %arg13[%get3A_902, %get3A_903] {strides = array<i32>} : memref<16x128xf32, #tpu.memory_space<vmem>>, vector<16xf32>,
      %slice3A_905 = vector.extract_strided_slice %mul3A_49 {offsets = [1], sizes = [1], strides = [1]} : vector<16xi32> to vector<1xi32>
      %squeeze3A_906 = vector.extract %slice3A_905[0] : i32 from vector<1xi32>
      %add3A_907 = arith.constant 48 : i32
      %add3A_908 = arith.addi %squeeze3A_906, %add3A_907 : i32
      %get3A_909 = arith.constant 1 : i32
      %get3A_910 = arith.index_cast %get3A_909 : i32 to index
      %get3A_911 = arith.index_cast %add3A_908 : i32 to index
      %get3A_912 = tpu.vector_load %arg14[%get3A_910, %get3A_911] {strides = array<i32>} : memref<16x128xf32, #tpu.memory_space<vmem>>, vector<16xf32>,
      %mul3A_913 = arith.mulf %get3A_904, %get3A_912 : vector<16xf32>
      %add3A_914 = arith.addf %add3A_896, %mul3A_913 : vector<16xf32>
      %cumsum3A_915 = arith.constant true
      %cumsum3A_916 = vector.broadcast %cumsum3A_915 : i1 to vector<16xi1>
      %cumsum3A_917 = tpu.scan <sum>, %add3A_914 masked %cumsum3A_916 : vector<16xf32>, vector<16xi1> -> vector<16xf32>
      %slice3A_918 = vector.extract_strided_slice %get3A_753 {offsets = [1], sizes = [1], strides = [1]} : vector<16xf32> to vector<1xf32>
      %squeeze3A_919 = vector.extract %slice3A_918[0] : f32 from vector<1xf32>
      %sub3A_920 = vector.broadcast %squeeze3A_919 : f32 to vector<16xf32>
      %sub3A_921 = arith.subf %cumsum3A_917, %sub3A_920 : vector<16xf32>
      %mul3A_922 = arith.mulf %sub3A_921, %sub3A_921 : vector<16xf32>
      %slice3A_923 = vector.extract_strided_slice %get3A_755 {offsets = [1], sizes = [1], strides = [1]} : vector<16xf32> to vector<1xf32>
      %squeeze3A_924 = vector.extract %slice3A_923[0] : f32 from vector<1xf32>
      %mul3A_925 = vector.broadcast %squeeze3A_924 : f32 to vector<16xf32>
      %mul3A_926 = arith.mulf %mul3A_922, %mul3A_925 : vector<16xf32>
      %add3A_927 = arith.addf %add3A_840, %mul3A_926 : vector<16xf32>
      %broadcast_in_dim3A_928 = arith.constant 0.000000e+00 : f32
      %broadcast_in_dim3A_929 = vector.broadcast %broadcast_in_dim3A_928 : f32 to vector<16xf32>
      %slice3A_930 = vector.extract_strided_slice %mul3A_43 {offsets = [2], sizes = [1], strides = [1]} : vector<16xi32> to vector<1xi32>
      %squeeze3A_931 = vector.extract %slice3A_930[0] : i32 from vector<1xi32>
      %add3A_932 = arith.constant 0 : i32
      %add3A_933 = arith.addi %squeeze3A_931, %add3A_932 : i32
      %get3A_934 = arith.constant 2 : i32
      %get3A_935 = arith.index_cast %get3A_934 : i32 to index
      %get3A_936 = arith.index_cast %add3A_933 : i32 to index
      %get3A_937 = tpu.vector_load %arg13[%get3A_935, %get3A_936] {strides = array<i32>} : memref<16x128xf32, #tpu.memory_space<vmem>>, vector<16xf32>,
      %slice3A_938 = vector.extract_strided_slice %mul3A_49 {offsets = [2], sizes = [1], strides = [1]} : vector<16xi32> to vector<1xi32>
      %squeeze3A_939 = vector.extract %slice3A_938[0] : i32 from vector<1xi32>
      %add3A_940 = arith.constant 0 : i32
      %add3A_941 = arith.addi %squeeze3A_939, %add3A_940 : i32
      %get3A_942 = arith.constant 2 : i32
      %get3A_943 = arith.index_cast %get3A_942 : i32 to index
      %get3A_944 = arith.index_cast %add3A_941 : i32 to index
      %get3A_945 = tpu.vector_load %arg14[%get3A_943, %get3A_944] {strides = array<i32>} : memref<16x128xf32, #tpu.memory_space<vmem>>, vector<16xf32>,
      %mul3A_946 = arith.mulf %get3A_937, %get3A_945 : vector<16xf32>
      %add3A_947 = arith.addf %broadcast_in_dim3A_929, %mul3A_946 : vector<16xf32>
      %slice3A_948 = vector.extract_strided_slice %mul3A_43 {offsets = [2], sizes = [1], strides = [1]} : vector<16xi32> to vector<1xi32>
      %squeeze3A_949 = vector.extract %slice3A_948[0] : i32 from vector<1xi32>
      %add3A_950 = arith.constant 16 : i32
      %add3A_951 = arith.addi %squeeze3A_949, %add3A_950 : i32
      %get3A_952 = arith.constant 2 : i32
      %get3A_953 = arith.index_cast %get3A_952 : i32 to index
      %get3A_954 = arith.index_cast %add3A_951 : i32 to index
      %get3A_955 = tpu.vector_load %arg13[%get3A_953, %get3A_954] {strides = array<i32>} : memref<16x128xf32, #tpu.memory_space<vmem>>, vector<16xf32>,
      %slice3A_956 = vector.extract_strided_slice %mul3A_49 {offsets = [2], sizes = [1], strides = [1]} : vector<16xi32> to vector<1xi32>
      %squeeze3A_957 = vector.extract %slice3A_956[0] : i32 from vector<1xi32>
      %add3A_958 = arith.constant 16 : i32
      %add3A_959 = arith.addi %squeeze3A_957, %add3A_958 : i32
      %get3A_960 = arith.constant 2 : i32
      %get3A_961 = arith.index_cast %get3A_960 : i32 to index
      %get3A_962 = arith.index_cast %add3A_959 : i32 to index
      %get3A_963 = tpu.vector_load %arg14[%get3A_961, %get3A_962] {strides = array<i32>} : memref<16x128xf32, #tpu.memory_space<vmem>>, vector<16xf32>,
      %mul3A_964 = arith.mulf %get3A_955, %get3A_963 : vector<16xf32>
      %add3A_965 = arith.addf %add3A_947, %mul3A_964 : vector<16xf32>
      %slice3A_966 = vector.extract_strided_slice %mul3A_43 {offsets = [2], sizes = [1], strides = [1]} : vector<16xi32> to vector<1xi32>
      %squeeze3A_967 = vector.extract %slice3A_966[0] : i32 from vector<1xi32>
      %add3A_968 = arith.constant 32 : i32
      %add3A_969 = arith.addi %squeeze3A_967, %add3A_968 : i32
      %get3A_970 = arith.constant 2 : i32
      %get3A_971 = arith.index_cast %get3A_970 : i32 to index
      %get3A_972 = arith.index_cast %add3A_969 : i32 to index
      %get3A_973 = tpu.vector_load %arg13[%get3A_971, %get3A_972] {strides = array<i32>} : memref<16x128xf32, #tpu.memory_space<vmem>>, vector<16xf32>,
      %slice3A_974 = vector.extract_strided_slice %mul3A_49 {offsets = [2], sizes = [1], strides = [1]} : vector<16xi32> to vector<1xi32>
      %squeeze3A_975 = vector.extract %slice3A_974[0] : i32 from vector<1xi32>
      %add3A_976 = arith.constant 32 : i32
      %add3A_977 = arith.addi %squeeze3A_975, %add3A_976 : i32
      %get3A_978 = arith.constant 2 : i32
      %get3A_979 = arith.index_cast %get3A_978 : i32 to index
      %get3A_980 = arith.index_cast %add3A_977 : i32 to index
      %get3A_981 = tpu.vector_load %arg14[%get3A_979, %get3A_980] {strides = array<i32>} : memref<16x128xf32, #tpu.memory_space<vmem>>, vector<16xf32>,
      %mul3A_982 = arith.mulf %get3A_973, %get3A_981 : vector<16xf32>
      %add3A_983 = arith.addf %add3A_965, %mul3A_982 : vector<16xf32>
      %slice3A_984 = vector.extract_strided_slice %mul3A_43 {offsets = [2], sizes = [1], strides = [1]} : vector<16xi32> to vector<1xi32>
      %squeeze3A_985 = vector.extract %slice3A_984[0] : i32 from vector<1xi32>
      %add3A_986 = arith.constant 48 : i32
      %add3A_987 = arith.addi %squeeze3A_985, %add3A_986 : i32
      %get3A_988 = arith.constant 2 : i32
      %get3A_989 = arith.index_cast %get3A_988 : i32 to index
      %get3A_990 = arith.index_cast %add3A_987 : i32 to index
      %get3A_991 = tpu.vector_load %arg13[%get3A_989, %get3A_990] {strides = array<i32>} : memref<16x128xf32, #tpu.memory_space<vmem>>, vector<16xf32>,
      %slice3A_992 = vector.extract_strided_slice %mul3A_49 {offsets = [2], sizes = [1], strides = [1]} : vector<16xi32> to vector<1xi32>
      %squeeze3A_993 = vector.extract %slice3A_992[0] : i32 from vector<1xi32>
      %add3A_994 = arith.constant 48 : i32
      %add3A_995 = arith.addi %squeeze3A_993, %add3A_994 : i32
      %get3A_996 = arith.constant 2 : i32
      %get3A_997 = arith.index_cast %get3A_996 : i32 to index
      %get3A_998 = arith.index_cast %add3A_995 : i32 to index
      %get3A_999 = tpu.vector_load %arg14[%get3A_997, %get3A_998] {strides = array<i32>} : memref<16x128xf32, #tpu.memory_space<vmem>>, vector<16xf32>,
      %mul3A_1000 = arith.mulf %get3A_991, %get3A_999 : vector<16xf32>
      %add3A_1001 = arith.addf %add3A_983, %mul3A_1000 : vector<16xf32>
      %cumsum3A_1002 = arith.constant true
      %cumsum3A_1003 = vector.broadcast %cumsum3A_1002 : i1 to vector<16xi1>
      %cumsum3A_1004 = tpu.scan <sum>, %add3A_1001 masked %cumsum3A_1003 : vector<16xf32>, vector<16xi1> -> vector<16xf32>
      %slice3A_1005 = vector.extract_strided_slice %get3A_753 {offsets = [2], sizes = [1], strides = [1]} : vector<16xf32> to vector<1xf32>
      %squeeze3A_1006 = vector.extract %slice3A_1005[0] : f32 from vector<1xf32>
      %sub3A_1007 = vector.broadcast %squeeze3A_1006 : f32 to vector<16xf32>
      %sub3A_1008 = arith.subf %cumsum3A_1004, %sub3A_1007 : vector<16xf32>
      %mul3A_1009 = arith.mulf %sub3A_1008, %sub3A_1008 : vector<16xf32>
      %slice3A_1010 = vector.extract_strided_slice %get3A_755 {offsets = [2], sizes = [1], strides = [1]} : vector<16xf32> to vector<1xf32>
      %squeeze3A_1011 = vector.extract %slice3A_1010[0] : f32 from vector<1xf32>
      %mul3A_1012 = vector.broadcast %squeeze3A_1011 : f32 to vector<16xf32>
      %mul3A_1013 = arith.mulf %mul3A_1009, %mul3A_1012 : vector<16xf32>
      %add3A_1014 = arith.addf %add3A_927, %mul3A_1013 : vector<16xf32>
      %broadcast_in_dim3A_1015 = arith.constant 0.000000e+00 : f32
      %broadcast_in_dim3A_1016 = vector.broadcast %broadcast_in_dim3A_1015 : f32 to vector<16xf32>
      %slice3A_1017 = vector.extract_strided_slice %mul3A_43 {offsets = [3], sizes = [1], strides = [1]} : vector<16xi32> to vector<1xi32>
      %squeeze3A_1018 = vector.extract %slice3A_1017[0] : i32 from vector<1xi32>
      %add3A_1019 = arith.constant 0 : i32
      %add3A_1020 = arith.addi %squeeze3A_1018, %add3A_1019 : i32
      %get3A_1021 = arith.constant 3 : i32
      %get3A_1022 = arith.index_cast %get3A_1021 : i32 to index
      %get3A_1023 = arith.index_cast %add3A_1020 : i32 to index
      %get3A_1024 = tpu.vector_load %arg13[%get3A_1022, %get3A_1023] {strides = array<i32>} : memref<16x128xf32, #tpu.memory_space<vmem>>, vector<16xf32>,
      %slice3A_1025 = vector.extract_strided_slice %mul3A_49 {offsets = [3], sizes = [1], strides = [1]} : vector<16xi32> to vector<1xi32>
      %squeeze3A_1026 = vector.extract %slice3A_1025[0] : i32 from vector<1xi32>
      %add3A_1027 = arith.constant 0 : i32
      %add3A_1028 = arith.addi %squeeze3A_1026, %add3A_1027 : i32
      %get3A_1029 = arith.constant 3 : i32
      %get3A_1030 = arith.index_cast %get3A_1029 : i32 to index
      %get3A_1031 = arith.index_cast %add3A_1028 : i32 to index
      %get3A_1032 = tpu.vector_load %arg14[%get3A_1030, %get3A_1031] {strides = array<i32>} : memref<16x128xf32, #tpu.memory_space<vmem>>, vector<16xf32>,
      %mul3A_1033 = arith.mulf %get3A_1024, %get3A_1032 : vector<16xf32>
      %add3A_1034 = arith.addf %broadcast_in_dim3A_1016, %mul3A_1033 : vector<16xf32>
      %slice3A_1035 = vector.extract_strided_slice %mul3A_43 {offsets = [3], sizes = [1], strides = [1]} : vector<16xi32> to vector<1xi32>
      %squeeze3A_1036 = vector.extract %slice3A_1035[0] : i32 from vector<1xi32>
      %add3A_1037 = arith.constant 16 : i32
      %add3A_1038 = arith.addi %squeeze3A_1036, %add3A_1037 : i32
      %get3A_1039 = arith.constant 3 : i32
      %get3A_1040 = arith.index_cast %get3A_1039 : i32 to index
      %get3A_1041 = arith.index_cast %add3A_1038 : i32 to index
      %get3A_1042 = tpu.vector_load %arg13[%get3A_1040, %get3A_1041] {strides = array<i32>} : memref<16x128xf32, #tpu.memory_space<vmem>>, vector<16xf32>,
      %slice3A_1043 = vector.extract_strided_slice %mul3A_49 {offsets = [3], sizes = [1], strides = [1]} : vector<16xi32> to vector<1xi32>
      %squeeze3A_1044 = vector.extract %slice3A_1043[0] : i32 from vector<1xi32>
      %add3A_1045 = arith.constant 16 : i32
      %add3A_1046 = arith.addi %squeeze3A_1044, %add3A_1045 : i32
      %get3A_1047 = arith.constant 3 : i32
      %get3A_1048 = arith.index_cast %get3A_1047 : i32 to index
      %get3A_1049 = arith.index_cast %add3A_1046 : i32 to index
      %get3A_1050 = tpu.vector_load %arg14[%get3A_1048, %get3A_1049] {strides = array<i32>} : memref<16x128xf32, #tpu.memory_space<vmem>>, vector<16xf32>,
      %mul3A_1051 = arith.mulf %get3A_1042, %get3A_1050 : vector<16xf32>
      %add3A_1052 = arith.addf %add3A_1034, %mul3A_1051 : vector<16xf32>
      %slice3A_1053 = vector.extract_strided_slice %mul3A_43 {offsets = [3], sizes = [1], strides = [1]} : vector<16xi32> to vector<1xi32>
      %squeeze3A_1054 = vector.extract %slice3A_1053[0] : i32 from vector<1xi32>
      %add3A_1055 = arith.constant 32 : i32
      %add3A_1056 = arith.addi %squeeze3A_1054, %add3A_1055 : i32
      %get3A_1057 = arith.constant 3 : i32
      %get3A_1058 = arith.index_cast %get3A_1057 : i32 to index
      %get3A_1059 = arith.index_cast %add3A_1056 : i32 to index
      %get3A_1060 = tpu.vector_load %arg13[%get3A_1058, %get3A_1059] {strides = array<i32>} : memref<16x128xf32, #tpu.memory_space<vmem>>, vector<16xf32>,
      %slice3A_1061 = vector.extract_strided_slice %mul3A_49 {offsets = [3], sizes = [1], strides = [1]} : vector<16xi32> to vector<1xi32>
      %squeeze3A_1062 = vector.extract %slice3A_1061[0] : i32 from vector<1xi32>
      %add3A_1063 = arith.constant 32 : i32
      %add3A_1064 = arith.addi %squeeze3A_1062, %add3A_1063 : i32
      %get3A_1065 = arith.constant 3 : i32
      %get3A_1066 = arith.index_cast %get3A_1065 : i32 to index
      %get3A_1067 = arith.index_cast %add3A_1064 : i32 to index
      %get3A_1068 = tpu.vector_load %arg14[%get3A_1066, %get3A_1067] {strides = array<i32>} : memref<16x128xf32, #tpu.memory_space<vmem>>, vector<16xf32>,
      %mul3A_1069 = arith.mulf %get3A_1060, %get3A_1068 : vector<16xf32>
      %add3A_1070 = arith.addf %add3A_1052, %mul3A_1069 : vector<16xf32>
      %slice3A_1071 = vector.extract_strided_slice %mul3A_43 {offsets = [3], sizes = [1], strides = [1]} : vector<16xi32> to vector<1xi32>
      %squeeze3A_1072 = vector.extract %slice3A_1071[0] : i32 from vector<1xi32>
      %add3A_1073 = arith.constant 48 : i32
      %add3A_1074 = arith.addi %squeeze3A_1072, %add3A_1073 : i32
      %get3A_1075 = arith.constant 3 : i32
      %get3A_1076 = arith.index_cast %get3A_1075 : i32 to index
      %get3A_1077 = arith.index_cast %add3A_1074 : i32 to index
      %get3A_1078 = tpu.vector_load %arg13[%get3A_1076, %get3A_1077] {strides = array<i32>} : memref<16x128xf32, #tpu.memory_space<vmem>>, vector<16xf32>,
      %slice3A_1079 = vector.extract_strided_slice %mul3A_49 {offsets = [3], sizes = [1], strides = [1]} : vector<16xi32> to vector<1xi32>
      %squeeze3A_1080 = vector.extract %slice3A_1079[0] : i32 from vector<1xi32>
      %add3A_1081 = arith.constant 48 : i32
      %add3A_1082 = arith.addi %squeeze3A_1080, %add3A_1081 : i32
      %get3A_1083 = arith.constant 3 : i32
      %get3A_1084 = arith.index_cast %get3A_1083 : i32 to index
      %get3A_1085 = arith.index_cast %add3A_1082 : i32 to index
      %get3A_1086 = tpu.vector_load %arg14[%get3A_1084, %get3A_1085] {strides = array<i32>} : memref<16x128xf32, #tpu.memory_space<vmem>>, vector<16xf32>,
      %mul3A_1087 = arith.mulf %get3A_1078, %get3A_1086 : vector<16xf32>
      %add3A_1088 = arith.addf %add3A_1070, %mul3A_1087 : vector<16xf32>
      %cumsum3A_1089 = arith.constant true
      %cumsum3A_1090 = vector.broadcast %cumsum3A_1089 : i1 to vector<16xi1>
      %cumsum3A_1091 = tpu.scan <sum>, %add3A_1088 masked %cumsum3A_1090 : vector<16xf32>, vector<16xi1> -> vector<16xf32>
      %slice3A_1092 = vector.extract_strided_slice %get3A_753 {offsets = [3], sizes = [1], strides = [1]} : vector<16xf32> to vector<1xf32>
      %squeeze3A_1093 = vector.extract %slice3A_1092[0] : f32 from vector<1xf32>
      %sub3A_1094 = vector.broadcast %squeeze3A_1093 : f32 to vector<16xf32>
      %sub3A_1095 = arith.subf %cumsum3A_1091, %sub3A_1094 : vector<16xf32>
      %mul3A_1096 = arith.mulf %sub3A_1095, %sub3A_1095 : vector<16xf32>
      %slice3A_1097 = vector.extract_strided_slice %get3A_755 {offsets = [3], sizes = [1], strides = [1]} : vector<16xf32> to vector<1xf32>
      %squeeze3A_1098 = vector.extract %slice3A_1097[0] : f32 from vector<1xf32>
      %mul3A_1099 = vector.broadcast %squeeze3A_1098 : f32 to vector<16xf32>
      %mul3A_1100 = arith.mulf %mul3A_1096, %mul3A_1099 : vector<16xf32>
      %add3A_1101 = arith.addf %add3A_1014, %mul3A_1100 : vector<16xf32>
      %broadcast_in_dim3A_1102 = arith.constant 0.000000e+00 : f32
      %broadcast_in_dim3A_1103 = vector.broadcast %broadcast_in_dim3A_1102 : f32 to vector<16xf32>
      %slice3A_1104 = vector.extract_strided_slice %mul3A_43 {offsets = [4], sizes = [1], strides = [1]} : vector<16xi32> to vector<1xi32>
      %squeeze3A_1105 = vector.extract %slice3A_1104[0] : i32 from vector<1xi32>
      %add3A_1106 = arith.constant 0 : i32
      %add3A_1107 = arith.addi %squeeze3A_1105, %add3A_1106 : i32
      %get3A_1108 = arith.constant 4 : i32
      %get3A_1109 = arith.index_cast %get3A_1108 : i32 to index
      %get3A_1110 = arith.index_cast %add3A_1107 : i32 to index
      %get3A_1111 = tpu.vector_load %arg13[%get3A_1109, %get3A_1110] {strides = array<i32>} : memref<16x128xf32, #tpu.memory_space<vmem>>, vector<16xf32>,
      %slice3A_1112 = vector.extract_strided_slice %mul3A_49 {offsets = [4], sizes = [1], strides = [1]} : vector<16xi32> to vector<1xi32>
      %squeeze3A_1113 = vector.extract %slice3A_1112[0] : i32 from vector<1xi32>
      %add3A_1114 = arith.constant 0 : i32
      %add3A_1115 = arith.addi %squeeze3A_1113, %add3A_1114 : i32
      %get3A_1116 = arith.constant 4 : i32
      %get3A_1117 = arith.index_cast %get3A_1116 : i32 to index
      %get3A_1118 = arith.index_cast %add3A_1115 : i32 to index
      %get3A_1119 = tpu.vector_load %arg14[%get3A_1117, %get3A_1118] {strides = array<i32>} : memref<16x128xf32, #tpu.memory_space<vmem>>, vector<16xf32>,
      %mul3A_1120 = arith.mulf %get3A_1111, %get3A_1119 : vector<16xf32>
      %add3A_1121 = arith.addf %broadcast_in_dim3A_1103, %mul3A_1120 : vector<16xf32>
      %slice3A_1122 = vector.extract_strided_slice %mul3A_43 {offsets = [4], sizes = [1], strides = [1]} : vector<16xi32> to vector<1xi32>
      %squeeze3A_1123 = vector.extract %slice3A_1122[0] : i32 from vector<1xi32>
      %add3A_1124 = arith.constant 16 : i32
      %add3A_1125 = arith.addi %squeeze3A_1123, %add3A_1124 : i32
      %get3A_1126 = arith.constant 4 : i32
      %get3A_1127 = arith.index_cast %get3A_1126 : i32 to index
      %get3A_1128 = arith.index_cast %add3A_1125 : i32 to index
      %get3A_1129 = tpu.vector_load %arg13[%get3A_1127, %get3A_1128] {strides = array<i32>} : memref<16x128xf32, #tpu.memory_space<vmem>>, vector<16xf32>,
      %slice3A_1130 = vector.extract_strided_slice %mul3A_49 {offsets = [4], sizes = [1], strides = [1]} : vector<16xi32> to vector<1xi32>
      %squeeze3A_1131 = vector.extract %slice3A_1130[0] : i32 from vector<1xi32>
      %add3A_1132 = arith.constant 16 : i32
      %add3A_1133 = arith.addi %squeeze3A_1131, %add3A_1132 : i32
      %get3A_1134 = arith.constant 4 : i32
      %get3A_1135 = arith.index_cast %get3A_1134 : i32 to index
      %get3A_1136 = arith.index_cast %add3A_1133 : i32 to index
      %get3A_1137 = tpu.vector_load %arg14[%get3A_1135, %get3A_1136] {strides = array<i32>} : memref<16x128xf32, #tpu.memory_space<vmem>>, vector<16xf32>,
      %mul3A_1138 = arith.mulf %get3A_1129, %get3A_1137 : vector<16xf32>
      %add3A_1139 = arith.addf %add3A_1121, %mul3A_1138 : vector<16xf32>
      %slice3A_1140 = vector.extract_strided_slice %mul3A_43 {offsets = [4], sizes = [1], strides = [1]} : vector<16xi32> to vector<1xi32>
      %squeeze3A_1141 = vector.extract %slice3A_1140[0] : i32 from vector<1xi32>
      %add3A_1142 = arith.constant 32 : i32
      %add3A_1143 = arith.addi %squeeze3A_1141, %add3A_1142 : i32
      %get3A_1144 = arith.constant 4 : i32
      %get3A_1145 = arith.index_cast %get3A_1144 : i32 to index
      %get3A_1146 = arith.index_cast %add3A_1143 : i32 to index
      %get3A_1147 = tpu.vector_load %arg13[%get3A_1145, %get3A_1146] {strides = array<i32>} : memref<16x128xf32, #tpu.memory_space<vmem>>, vector<16xf32>,
      %slice3A_1148 = vector.extract_strided_slice %mul3A_49 {offsets = [4], sizes = [1], strides = [1]} : vector<16xi32> to vector<1xi32>
      %squeeze3A_1149 = vector.extract %slice3A_1148[0] : i32 from vector<1xi32>
      %add3A_1150 = arith.constant 32 : i32
      %add3A_1151 = arith.addi %squeeze3A_1149, %add3A_1150 : i32
      %get3A_1152 = arith.constant 4 : i32
      %get3A_1153 = arith.index_cast %get3A_1152 : i32 to index
      %get3A_1154 = arith.index_cast %add3A_1151 : i32 to index
      %get3A_1155 = tpu.vector_load %arg14[%get3A_1153, %get3A_1154] {strides = array<i32>} : memref<16x128xf32, #tpu.memory_space<vmem>>, vector<16xf32>,
      %mul3A_1156 = arith.mulf %get3A_1147, %get3A_1155 : vector<16xf32>
      %add3A_1157 = arith.addf %add3A_1139, %mul3A_1156 : vector<16xf32>
      %slice3A_1158 = vector.extract_strided_slice %mul3A_43 {offsets = [4], sizes = [1], strides = [1]} : vector<16xi32> to vector<1xi32>
      %squeeze3A_1159 = vector.extract %slice3A_1158[0] : i32 from vector<1xi32>
      %add3A_1160 = arith.constant 48 : i32
      %add3A_1161 = arith.addi %squeeze3A_1159, %add3A_1160 : i32
      %get3A_1162 = arith.constant 4 : i32
      %get3A_1163 = arith.index_cast %get3A_1162 : i32 to index
      %get3A_1164 = arith.index_cast %add3A_1161 : i32 to index
      %get3A_1165 = tpu.vector_load %arg13[%get3A_1163, %get3A_1164] {strides = array<i32>} : memref<16x128xf32, #tpu.memory_space<vmem>>, vector<16xf32>,
      %slice3A_1166 = vector.extract_strided_slice %mul3A_49 {offsets = [4], sizes = [1], strides = [1]} : vector<16xi32> to vector<1xi32>
      %squeeze3A_1167 = vector.extract %slice3A_1166[0] : i32 from vector<1xi32>
      %add3A_1168 = arith.constant 48 : i32
      %add3A_1169 = arith.addi %squeeze3A_1167, %add3A_1168 : i32
      %get3A_1170 = arith.constant 4 : i32
      %get3A_1171 = arith.index_cast %get3A_1170 : i32 to index
      %get3A_1172 = arith.index_cast %add3A_1169 : i32 to index
      %get3A_1173 = tpu.vector_load %arg14[%get3A_1171, %get3A_1172] {strides = array<i32>} : memref<16x128xf32, #tpu.memory_space<vmem>>, vector<16xf32>,
      %mul3A_1174 = arith.mulf %get3A_1165, %get3A_1173 : vector<16xf32>
      %add3A_1175 = arith.addf %add3A_1157, %mul3A_1174 : vector<16xf32>
      %cumsum3A_1176 = arith.constant true
      %cumsum3A_1177 = vector.broadcast %cumsum3A_1176 : i1 to vector<16xi1>
      %cumsum3A_1178 = tpu.scan <sum>, %add3A_1175 masked %cumsum3A_1177 : vector<16xf32>, vector<16xi1> -> vector<16xf32>
      %slice3A_1179 = vector.extract_strided_slice %get3A_753 {offsets = [4], sizes = [1], strides = [1]} : vector<16xf32> to vector<1xf32>
      %squeeze3A_1180 = vector.extract %slice3A_1179[0] : f32 from vector<1xf32>
      %sub3A_1181 = vector.broadcast %squeeze3A_1180 : f32 to vector<16xf32>
      %sub3A_1182 = arith.subf %cumsum3A_1178, %sub3A_1181 : vector<16xf32>
      %mul3A_1183 = arith.mulf %sub3A_1182, %sub3A_1182 : vector<16xf32>
      %slice3A_1184 = vector.extract_strided_slice %get3A_755 {offsets = [4], sizes = [1], strides = [1]} : vector<16xf32> to vector<1xf32>
      %squeeze3A_1185 = vector.extract %slice3A_1184[0] : f32 from vector<1xf32>
      %mul3A_1186 = vector.broadcast %squeeze3A_1185 : f32 to vector<16xf32>
      %mul3A_1187 = arith.mulf %mul3A_1183, %mul3A_1186 : vector<16xf32>
      %add3A_1188 = arith.addf %add3A_1101, %mul3A_1187 : vector<16xf32>
      %broadcast_in_dim3A_1189 = arith.constant 0.000000e+00 : f32
      %broadcast_in_dim3A_1190 = vector.broadcast %broadcast_in_dim3A_1189 : f32 to vector<16xf32>
      %slice3A_1191 = vector.extract_strided_slice %mul3A_43 {offsets = [5], sizes = [1], strides = [1]} : vector<16xi32> to vector<1xi32>
      %squeeze3A_1192 = vector.extract %slice3A_1191[0] : i32 from vector<1xi32>
      %add3A_1193 = arith.constant 0 : i32
      %add3A_1194 = arith.addi %squeeze3A_1192, %add3A_1193 : i32
      %get3A_1195 = arith.constant 5 : i32
      %get3A_1196 = arith.index_cast %get3A_1195 : i32 to index
      %get3A_1197 = arith.index_cast %add3A_1194 : i32 to index
      %get3A_1198 = tpu.vector_load %arg13[%get3A_1196, %get3A_1197] {strides = array<i32>} : memref<16x128xf32, #tpu.memory_space<vmem>>, vector<16xf32>,
      %slice3A_1199 = vector.extract_strided_slice %mul3A_49 {offsets = [5], sizes = [1], strides = [1]} : vector<16xi32> to vector<1xi32>
      %squeeze3A_1200 = vector.extract %slice3A_1199[0] : i32 from vector<1xi32>
      %add3A_1201 = arith.constant 0 : i32
      %add3A_1202 = arith.addi %squeeze3A_1200, %add3A_1201 : i32
      %get3A_1203 = arith.constant 5 : i32
      %get3A_1204 = arith.index_cast %get3A_1203 : i32 to index
      %get3A_1205 = arith.index_cast %add3A_1202 : i32 to index
      %get3A_1206 = tpu.vector_load %arg14[%get3A_1204, %get3A_1205] {strides = array<i32>} : memref<16x128xf32, #tpu.memory_space<vmem>>, vector<16xf32>,
      %mul3A_1207 = arith.mulf %get3A_1198, %get3A_1206 : vector<16xf32>
      %add3A_1208 = arith.addf %broadcast_in_dim3A_1190, %mul3A_1207 : vector<16xf32>
      %slice3A_1209 = vector.extract_strided_slice %mul3A_43 {offsets = [5], sizes = [1], strides = [1]} : vector<16xi32> to vector<1xi32>
      %squeeze3A_1210 = vector.extract %slice3A_1209[0] : i32 from vector<1xi32>
      %add3A_1211 = arith.constant 16 : i32
      %add3A_1212 = arith.addi %squeeze3A_1210, %add3A_1211 : i32
      %get3A_1213 = arith.constant 5 : i32
      %get3A_1214 = arith.index_cast %get3A_1213 : i32 to index
      %get3A_1215 = arith.index_cast %add3A_1212 : i32 to index
      %get3A_1216 = tpu.vector_load %arg13[%get3A_1214, %get3A_1215] {strides = array<i32>} : memref<16x128xf32, #tpu.memory_space<vmem>>, vector<16xf32>,
      %slice3A_1217 = vector.extract_strided_slice %mul3A_49 {offsets = [5], sizes = [1], strides = [1]} : vector<16xi32> to vector<1xi32>
      %squeeze3A_1218 = vector.extract %slice3A_1217[0] : i32 from vector<1xi32>
      %add3A_1219 = arith.constant 16 : i32
      %add3A_1220 = arith.addi %squeeze3A_1218, %add3A_1219 : i32
      %get3A_1221 = arith.constant 5 : i32
      %get3A_1222 = arith.index_cast %get3A_1221 : i32 to index
      %get3A_1223 = arith.index_cast %add3A_1220 : i32 to index
      %get3A_1224 = tpu.vector_load %arg14[%get3A_1222, %get3A_1223] {strides = array<i32>} : memref<16x128xf32, #tpu.memory_space<vmem>>, vector<16xf32>,
      %mul3A_1225 = arith.mulf %get3A_1216, %get3A_1224 : vector<16xf32>
      %add3A_1226 = arith.addf %add3A_1208, %mul3A_1225 : vector<16xf32>
      %slice3A_1227 = vector.extract_strided_slice %mul3A_43 {offsets = [5], sizes = [1], strides = [1]} : vector<16xi32> to vector<1xi32>
      %squeeze3A_1228 = vector.extract %slice3A_1227[0] : i32 from vector<1xi32>
      %add3A_1229 = arith.constant 32 : i32
      %add3A_1230 = arith.addi %squeeze3A_1228, %add3A_1229 : i32
      %get3A_1231 = arith.constant 5 : i32
      %get3A_1232 = arith.index_cast %get3A_1231 : i32 to index
      %get3A_1233 = arith.index_cast %add3A_1230 : i32 to index
      %get3A_1234 = tpu.vector_load %arg13[%get3A_1232, %get3A_1233] {strides = array<i32>} : memref<16x128xf32, #tpu.memory_space<vmem>>, vector<16xf32>,
      %slice3A_1235 = vector.extract_strided_slice %mul3A_49 {offsets = [5], sizes = [1], strides = [1]} : vector<16xi32> to vector<1xi32>
      %squeeze3A_1236 = vector.extract %slice3A_1235[0] : i32 from vector<1xi32>
      %add3A_1237 = arith.constant 32 : i32
      %add3A_1238 = arith.addi %squeeze3A_1236, %add3A_1237 : i32
      %get3A_1239 = arith.constant 5 : i32
      %get3A_1240 = arith.index_cast %get3A_1239 : i32 to index
      %get3A_1241 = arith.index_cast %add3A_1238 : i32 to index
      %get3A_1242 = tpu.vector_load %arg14[%get3A_1240, %get3A_1241] {strides = array<i32>} : memref<16x128xf32, #tpu.memory_space<vmem>>, vector<16xf32>,
      %mul3A_1243 = arith.mulf %get3A_1234, %get3A_1242 : vector<16xf32>
      %add3A_1244 = arith.addf %add3A_1226, %mul3A_1243 : vector<16xf32>
      %slice3A_1245 = vector.extract_strided_slice %mul3A_43 {offsets = [5], sizes = [1], strides = [1]} : vector<16xi32> to vector<1xi32>
      %squeeze3A_1246 = vector.extract %slice3A_1245[0] : i32 from vector<1xi32>
      %add3A_1247 = arith.constant 48 : i32
      %add3A_1248 = arith.addi %squeeze3A_1246, %add3A_1247 : i32
      %get3A_1249 = arith.constant 5 : i32
      %get3A_1250 = arith.index_cast %get3A_1249 : i32 to index
      %get3A_1251 = arith.index_cast %add3A_1248 : i32 to index
      %get3A_1252 = tpu.vector_load %arg13[%get3A_1250, %get3A_1251] {strides = array<i32>} : memref<16x128xf32, #tpu.memory_space<vmem>>, vector<16xf32>,
      %slice3A_1253 = vector.extract_strided_slice %mul3A_49 {offsets = [5], sizes = [1], strides = [1]} : vector<16xi32> to vector<1xi32>
      %squeeze3A_1254 = vector.extract %slice3A_1253[0] : i32 from vector<1xi32>
      %add3A_1255 = arith.constant 48 : i32
      %add3A_1256 = arith.addi %squeeze3A_1254, %add3A_1255 : i32
      %get3A_1257 = arith.constant 5 : i32
      %get3A_1258 = arith.index_cast %get3A_1257 : i32 to index
      %get3A_1259 = arith.index_cast %add3A_1256 : i32 to index
      %get3A_1260 = tpu.vector_load %arg14[%get3A_1258, %get3A_1259] {strides = array<i32>} : memref<16x128xf32, #tpu.memory_space<vmem>>, vector<16xf32>,
      %mul3A_1261 = arith.mulf %get3A_1252, %get3A_1260 : vector<16xf32>
      %add3A_1262 = arith.addf %add3A_1244, %mul3A_1261 : vector<16xf32>
      %cumsum3A_1263 = arith.constant true
      %cumsum3A_1264 = vector.broadcast %cumsum3A_1263 : i1 to vector<16xi1>
      %cumsum3A_1265 = tpu.scan <sum>, %add3A_1262 masked %cumsum3A_1264 : vector<16xf32>, vector<16xi1> -> vector<16xf32>
      %slice3A_1266 = vector.extract_strided_slice %get3A_753 {offsets = [5], sizes = [1], strides = [1]} : vector<16xf32> to vector<1xf32>
      %squeeze3A_1267 = vector.extract %slice3A_1266[0] : f32 from vector<1xf32>
      %sub3A_1268 = vector.broadcast %squeeze3A_1267 : f32 to vector<16xf32>
      %sub3A_1269 = arith.subf %cumsum3A_1265, %sub3A_1268 : vector<16xf32>
      %mul3A_1270 = arith.mulf %sub3A_1269, %sub3A_1269 : vector<16xf32>
      %slice3A_1271 = vector.extract_strided_slice %get3A_755 {offsets = [5], sizes = [1], strides = [1]} : vector<16xf32> to vector<1xf32>
      %squeeze3A_1272 = vector.extract %slice3A_1271[0] : f32 from vector<1xf32>
      %mul3A_1273 = vector.broadcast %squeeze3A_1272 : f32 to vector<16xf32>
      %mul3A_1274 = arith.mulf %mul3A_1270, %mul3A_1273 : vector<16xf32>
      %add3A_1275 = arith.addf %add3A_1188, %mul3A_1274 : vector<16xf32>
      %broadcast_in_dim3A_1276 = arith.constant 0.000000e+00 : f32
      %broadcast_in_dim3A_1277 = vector.broadcast %broadcast_in_dim3A_1276 : f32 to vector<16xf32>
      %slice3A_1278 = vector.extract_strided_slice %mul3A_43 {offsets = [6], sizes = [1], strides = [1]} : vector<16xi32> to vector<1xi32>
      %squeeze3A_1279 = vector.extract %slice3A_1278[0] : i32 from vector<1xi32>
      %add3A_1280 = arith.constant 0 : i32
      %add3A_1281 = arith.addi %squeeze3A_1279, %add3A_1280 : i32
      %get3A_1282 = arith.constant 6 : i32
      %get3A_1283 = arith.index_cast %get3A_1282 : i32 to index
      %get3A_1284 = arith.index_cast %add3A_1281 : i32 to index
      %get3A_1285 = tpu.vector_load %arg13[%get3A_1283, %get3A_1284] {strides = array<i32>} : memref<16x128xf32, #tpu.memory_space<vmem>>, vector<16xf32>,
      %slice3A_1286 = vector.extract_strided_slice %mul3A_49 {offsets = [6], sizes = [1], strides = [1]} : vector<16xi32> to vector<1xi32>
      %squeeze3A_1287 = vector.extract %slice3A_1286[0] : i32 from vector<1xi32>
      %add3A_1288 = arith.constant 0 : i32
      %add3A_1289 = arith.addi %squeeze3A_1287, %add3A_1288 : i32
      %get3A_1290 = arith.constant 6 : i32
      %get3A_1291 = arith.index_cast %get3A_1290 : i32 to index
      %get3A_1292 = arith.index_cast %add3A_1289 : i32 to index
      %get3A_1293 = tpu.vector_load %arg14[%get3A_1291, %get3A_1292] {strides = array<i32>} : memref<16x128xf32, #tpu.memory_space<vmem>>, vector<16xf32>,
      %mul3A_1294 = arith.mulf %get3A_1285, %get3A_1293 : vector<16xf32>
      %add3A_1295 = arith.addf %broadcast_in_dim3A_1277, %mul3A_1294 : vector<16xf32>
      %slice3A_1296 = vector.extract_strided_slice %mul3A_43 {offsets = [6], sizes = [1], strides = [1]} : vector<16xi32> to vector<1xi32>
      %squeeze3A_1297 = vector.extract %slice3A_1296[0] : i32 from vector<1xi32>
      %add3A_1298 = arith.constant 16 : i32
      %add3A_1299 = arith.addi %squeeze3A_1297, %add3A_1298 : i32
      %get3A_1300 = arith.constant 6 : i32
      %get3A_1301 = arith.index_cast %get3A_1300 : i32 to index
      %get3A_1302 = arith.index_cast %add3A_1299 : i32 to index
      %get3A_1303 = tpu.vector_load %arg13[%get3A_1301, %get3A_1302] {strides = array<i32>} : memref<16x128xf32, #tpu.memory_space<vmem>>, vector<16xf32>,
      %slice3A_1304 = vector.extract_strided_slice %mul3A_49 {offsets = [6], sizes = [1], strides = [1]} : vector<16xi32> to vector<1xi32>
      %squeeze3A_1305 = vector.extract %slice3A_1304[0] : i32 from vector<1xi32>
      %add3A_1306 = arith.constant 16 : i32
      %add3A_1307 = arith.addi %squeeze3A_1305, %add3A_1306 : i32
      %get3A_1308 = arith.constant 6 : i32
      %get3A_1309 = arith.index_cast %get3A_1308 : i32 to index
      %get3A_1310 = arith.index_cast %add3A_1307 : i32 to index
      %get3A_1311 = tpu.vector_load %arg14[%get3A_1309, %get3A_1310] {strides = array<i32>} : memref<16x128xf32, #tpu.memory_space<vmem>>, vector<16xf32>,
      %mul3A_1312 = arith.mulf %get3A_1303, %get3A_1311 : vector<16xf32>
      %add3A_1313 = arith.addf %add3A_1295, %mul3A_1312 : vector<16xf32>
      %slice3A_1314 = vector.extract_strided_slice %mul3A_43 {offsets = [6], sizes = [1], strides = [1]} : vector<16xi32> to vector<1xi32>
      %squeeze3A_1315 = vector.extract %slice3A_1314[0] : i32 from vector<1xi32>
      %add3A_1316 = arith.constant 32 : i32
      %add3A_1317 = arith.addi %squeeze3A_1315, %add3A_1316 : i32
      %get3A_1318 = arith.constant 6 : i32
      %get3A_1319 = arith.index_cast %get3A_1318 : i32 to index
      %get3A_1320 = arith.index_cast %add3A_1317 : i32 to index
      %get3A_1321 = tpu.vector_load %arg13[%get3A_1319, %get3A_1320] {strides = array<i32>} : memref<16x128xf32, #tpu.memory_space<vmem>>, vector<16xf32>,
      %slice3A_1322 = vector.extract_strided_slice %mul3A_49 {offsets = [6], sizes = [1], strides = [1]} : vector<16xi32> to vector<1xi32>
      %squeeze3A_1323 = vector.extract %slice3A_1322[0] : i32 from vector<1xi32>
      %add3A_1324 = arith.constant 32 : i32
      %add3A_1325 = arith.addi %squeeze3A_1323, %add3A_1324 : i32
      %get3A_1326 = arith.constant 6 : i32
      %get3A_1327 = arith.index_cast %get3A_1326 : i32 to index
      %get3A_1328 = arith.index_cast %add3A_1325 : i32 to index
      %get3A_1329 = tpu.vector_load %arg14[%get3A_1327, %get3A_1328] {strides = array<i32>} : memref<16x128xf32, #tpu.memory_space<vmem>>, vector<16xf32>,
      %mul3A_1330 = arith.mulf %get3A_1321, %get3A_1329 : vector<16xf32>
      %add3A_1331 = arith.addf %add3A_1313, %mul3A_1330 : vector<16xf32>
      %slice3A_1332 = vector.extract_strided_slice %mul3A_43 {offsets = [6], sizes = [1], strides = [1]} : vector<16xi32> to vector<1xi32>
      %squeeze3A_1333 = vector.extract %slice3A_1332[0] : i32 from vector<1xi32>
      %add3A_1334 = arith.constant 48 : i32
      %add3A_1335 = arith.addi %squeeze3A_1333, %add3A_1334 : i32
      %get3A_1336 = arith.constant 6 : i32
      %get3A_1337 = arith.index_cast %get3A_1336 : i32 to index
      %get3A_1338 = arith.index_cast %add3A_1335 : i32 to index
      %get3A_1339 = tpu.vector_load %arg13[%get3A_1337, %get3A_1338] {strides = array<i32>} : memref<16x128xf32, #tpu.memory_space<vmem>>, vector<16xf32>,
      %slice3A_1340 = vector.extract_strided_slice %mul3A_49 {offsets = [6], sizes = [1], strides = [1]} : vector<16xi32> to vector<1xi32>
      %squeeze3A_1341 = vector.extract %slice3A_1340[0] : i32 from vector<1xi32>
      %add3A_1342 = arith.constant 48 : i32
      %add3A_1343 = arith.addi %squeeze3A_1341, %add3A_1342 : i32
      %get3A_1344 = arith.constant 6 : i32
      %get3A_1345 = arith.index_cast %get3A_1344 : i32 to index
      %get3A_1346 = arith.index_cast %add3A_1343 : i32 to index
      %get3A_1347 = tpu.vector_load %arg14[%get3A_1345, %get3A_1346] {strides = array<i32>} : memref<16x128xf32, #tpu.memory_space<vmem>>, vector<16xf32>,
      %mul3A_1348 = arith.mulf %get3A_1339, %get3A_1347 : vector<16xf32>
      %add3A_1349 = arith.addf %add3A_1331, %mul3A_1348 : vector<16xf32>
      %cumsum3A_1350 = arith.constant true
      %cumsum3A_1351 = vector.broadcast %cumsum3A_1350 : i1 to vector<16xi1>
      %cumsum3A_1352 = tpu.scan <sum>, %add3A_1349 masked %cumsum3A_1351 : vector<16xf32>, vector<16xi1> -> vector<16xf32>
      %slice3A_1353 = vector.extract_strided_slice %get3A_753 {offsets = [6], sizes = [1], strides = [1]} : vector<16xf32> to vector<1xf32>
      %squeeze3A_1354 = vector.extract %slice3A_1353[0] : f32 from vector<1xf32>
      %sub3A_1355 = vector.broadcast %squeeze3A_1354 : f32 to vector<16xf32>
      %sub3A_1356 = arith.subf %cumsum3A_1352, %sub3A_1355 : vector<16xf32>
      %mul3A_1357 = arith.mulf %sub3A_1356, %sub3A_1356 : vector<16xf32>
      %slice3A_1358 = vector.extract_strided_slice %get3A_755 {offsets = [6], sizes = [1], strides = [1]} : vector<16xf32> to vector<1xf32>
      %squeeze3A_1359 = vector.extract %slice3A_1358[0] : f32 from vector<1xf32>
      %mul3A_1360 = vector.broadcast %squeeze3A_1359 : f32 to vector<16xf32>
      %mul3A_1361 = arith.mulf %mul3A_1357, %mul3A_1360 : vector<16xf32>
      %add3A_1362 = arith.addf %add3A_1275, %mul3A_1361 : vector<16xf32>
      %broadcast_in_dim3A_1363 = arith.constant 0.000000e+00 : f32
      %broadcast_in_dim3A_1364 = vector.broadcast %broadcast_in_dim3A_1363 : f32 to vector<16xf32>
      %slice3A_1365 = vector.extract_strided_slice %mul3A_43 {offsets = [7], sizes = [1], strides = [1]} : vector<16xi32> to vector<1xi32>
      %squeeze3A_1366 = vector.extract %slice3A_1365[0] : i32 from vector<1xi32>
      %add3A_1367 = arith.constant 0 : i32
      %add3A_1368 = arith.addi %squeeze3A_1366, %add3A_1367 : i32
      %get3A_1369 = arith.constant 7 : i32
      %get3A_1370 = arith.index_cast %get3A_1369 : i32 to index
      %get3A_1371 = arith.index_cast %add3A_1368 : i32 to index
      %get3A_1372 = tpu.vector_load %arg13[%get3A_1370, %get3A_1371] {strides = array<i32>} : memref<16x128xf32, #tpu.memory_space<vmem>>, vector<16xf32>,
      %slice3A_1373 = vector.extract_strided_slice %mul3A_49 {offsets = [7], sizes = [1], strides = [1]} : vector<16xi32> to vector<1xi32>
      %squeeze3A_1374 = vector.extract %slice3A_1373[0] : i32 from vector<1xi32>
      %add3A_1375 = arith.constant 0 : i32
      %add3A_1376 = arith.addi %squeeze3A_1374, %add3A_1375 : i32
      %get3A_1377 = arith.constant 7 : i32
      %get3A_1378 = arith.index_cast %get3A_1377 : i32 to index
      %get3A_1379 = arith.index_cast %add3A_1376 : i32 to index
      %get3A_1380 = tpu.vector_load %arg14[%get3A_1378, %get3A_1379] {strides = array<i32>} : memref<16x128xf32, #tpu.memory_space<vmem>>, vector<16xf32>,
      %mul3A_1381 = arith.mulf %get3A_1372, %get3A_1380 : vector<16xf32>
      %add3A_1382 = arith.addf %broadcast_in_dim3A_1364, %mul3A_1381 : vector<16xf32>
      %slice3A_1383 = vector.extract_strided_slice %mul3A_43 {offsets = [7], sizes = [1], strides = [1]} : vector<16xi32> to vector<1xi32>
      %squeeze3A_1384 = vector.extract %slice3A_1383[0] : i32 from vector<1xi32>
      %add3A_1385 = arith.constant 16 : i32
      %add3A_1386 = arith.addi %squeeze3A_1384, %add3A_1385 : i32
      %get3A_1387 = arith.constant 7 : i32
      %get3A_1388 = arith.index_cast %get3A_1387 : i32 to index
      %get3A_1389 = arith.index_cast %add3A_1386 : i32 to index
      %get3A_1390 = tpu.vector_load %arg13[%get3A_1388, %get3A_1389] {strides = array<i32>} : memref<16x128xf32, #tpu.memory_space<vmem>>, vector<16xf32>,
      %slice3A_1391 = vector.extract_strided_slice %mul3A_49 {offsets = [7], sizes = [1], strides = [1]} : vector<16xi32> to vector<1xi32>
      %squeeze3A_1392 = vector.extract %slice3A_1391[0] : i32 from vector<1xi32>
      %add3A_1393 = arith.constant 16 : i32
      %add3A_1394 = arith.addi %squeeze3A_1392, %add3A_1393 : i32
      %get3A_1395 = arith.constant 7 : i32
      %get3A_1396 = arith.index_cast %get3A_1395 : i32 to index
      %get3A_1397 = arith.index_cast %add3A_1394 : i32 to index
      %get3A_1398 = tpu.vector_load %arg14[%get3A_1396, %get3A_1397] {strides = array<i32>} : memref<16x128xf32, #tpu.memory_space<vmem>>, vector<16xf32>,
      %mul3A_1399 = arith.mulf %get3A_1390, %get3A_1398 : vector<16xf32>
      %add3A_1400 = arith.addf %add3A_1382, %mul3A_1399 : vector<16xf32>
      %slice3A_1401 = vector.extract_strided_slice %mul3A_43 {offsets = [7], sizes = [1], strides = [1]} : vector<16xi32> to vector<1xi32>
      %squeeze3A_1402 = vector.extract %slice3A_1401[0] : i32 from vector<1xi32>
      %add3A_1403 = arith.constant 32 : i32
      %add3A_1404 = arith.addi %squeeze3A_1402, %add3A_1403 : i32
      %get3A_1405 = arith.constant 7 : i32
      %get3A_1406 = arith.index_cast %get3A_1405 : i32 to index
      %get3A_1407 = arith.index_cast %add3A_1404 : i32 to index
      %get3A_1408 = tpu.vector_load %arg13[%get3A_1406, %get3A_1407] {strides = array<i32>} : memref<16x128xf32, #tpu.memory_space<vmem>>, vector<16xf32>,
      %slice3A_1409 = vector.extract_strided_slice %mul3A_49 {offsets = [7], sizes = [1], strides = [1]} : vector<16xi32> to vector<1xi32>
      %squeeze3A_1410 = vector.extract %slice3A_1409[0] : i32 from vector<1xi32>
      %add3A_1411 = arith.constant 32 : i32
      %add3A_1412 = arith.addi %squeeze3A_1410, %add3A_1411 : i32
      %get3A_1413 = arith.constant 7 : i32
      %get3A_1414 = arith.index_cast %get3A_1413 : i32 to index
      %get3A_1415 = arith.index_cast %add3A_1412 : i32 to index
      %get3A_1416 = tpu.vector_load %arg14[%get3A_1414, %get3A_1415] {strides = array<i32>} : memref<16x128xf32, #tpu.memory_space<vmem>>, vector<16xf32>,
      %mul3A_1417 = arith.mulf %get3A_1408, %get3A_1416 : vector<16xf32>
      %add3A_1418 = arith.addf %add3A_1400, %mul3A_1417 : vector<16xf32>
      %slice3A_1419 = vector.extract_strided_slice %mul3A_43 {offsets = [7], sizes = [1], strides = [1]} : vector<16xi32> to vector<1xi32>
      %squeeze3A_1420 = vector.extract %slice3A_1419[0] : i32 from vector<1xi32>
      %add3A_1421 = arith.constant 48 : i32
      %add3A_1422 = arith.addi %squeeze3A_1420, %add3A_1421 : i32
      %get3A_1423 = arith.constant 7 : i32
      %get3A_1424 = arith.index_cast %get3A_1423 : i32 to index
      %get3A_1425 = arith.index_cast %add3A_1422 : i32 to index
      %get3A_1426 = tpu.vector_load %arg13[%get3A_1424, %get3A_1425] {strides = array<i32>} : memref<16x128xf32, #tpu.memory_space<vmem>>, vector<16xf32>,
      %slice3A_1427 = vector.extract_strided_slice %mul3A_49 {offsets = [7], sizes = [1], strides = [1]} : vector<16xi32> to vector<1xi32>
      %squeeze3A_1428 = vector.extract %slice3A_1427[0] : i32 from vector<1xi32>
      %add3A_1429 = arith.constant 48 : i32
      %add3A_1430 = arith.addi %squeeze3A_1428, %add3A_1429 : i32
      %get3A_1431 = arith.constant 7 : i32
      %get3A_1432 = arith.index_cast %get3A_1431 : i32 to index
      %get3A_1433 = arith.index_cast %add3A_1430 : i32 to index
      %get3A_1434 = tpu.vector_load %arg14[%get3A_1432, %get3A_1433] {strides = array<i32>} : memref<16x128xf32, #tpu.memory_space<vmem>>, vector<16xf32>,
      %mul3A_1435 = arith.mulf %get3A_1426, %get3A_1434 : vector<16xf32>
      %add3A_1436 = arith.addf %add3A_1418, %mul3A_1435 : vector<16xf32>
      %cumsum3A_1437 = arith.constant true
      %cumsum3A_1438 = vector.broadcast %cumsum3A_1437 : i1 to vector<16xi1>
      %cumsum3A_1439 = tpu.scan <sum>, %add3A_1436 masked %cumsum3A_1438 : vector<16xf32>, vector<16xi1> -> vector<16xf32>
      %slice3A_1440 = vector.extract_strided_slice %get3A_753 {offsets = [7], sizes = [1], strides = [1]} : vector<16xf32> to vector<1xf32>
      %squeeze3A_1441 = vector.extract %slice3A_1440[0] : f32 from vector<1xf32>
      %sub3A_1442 = vector.broadcast %squeeze3A_1441 : f32 to vector<16xf32>
      %sub3A_1443 = arith.subf %cumsum3A_1439, %sub3A_1442 : vector<16xf32>
      %mul3A_1444 = arith.mulf %sub3A_1443, %sub3A_1443 : vector<16xf32>
      %slice3A_1445 = vector.extract_strided_slice %get3A_755 {offsets = [7], sizes = [1], strides = [1]} : vector<16xf32> to vector<1xf32>
      %squeeze3A_1446 = vector.extract %slice3A_1445[0] : f32 from vector<1xf32>
      %mul3A_1447 = vector.broadcast %squeeze3A_1446 : f32 to vector<16xf32>
      %mul3A_1448 = arith.mulf %mul3A_1444, %mul3A_1447 : vector<16xf32>
      %add3A_1449 = arith.addf %add3A_1362, %mul3A_1448 : vector<16xf32>
      %broadcast_in_dim3A_1450 = arith.constant 0.000000e+00 : f32
      %broadcast_in_dim3A_1451 = vector.broadcast %broadcast_in_dim3A_1450 : f32 to vector<16xf32>
      %slice3A_1452 = vector.extract_strided_slice %mul3A_43 {offsets = [8], sizes = [1], strides = [1]} : vector<16xi32> to vector<1xi32>
      %squeeze3A_1453 = vector.extract %slice3A_1452[0] : i32 from vector<1xi32>
      %add3A_1454 = arith.constant 0 : i32
      %add3A_1455 = arith.addi %squeeze3A_1453, %add3A_1454 : i32
      %get3A_1456 = arith.constant 8 : i32
      %get3A_1457 = arith.index_cast %get3A_1456 : i32 to index
      %get3A_1458 = arith.index_cast %add3A_1455 : i32 to index
      %get3A_1459 = tpu.vector_load %arg13[%get3A_1457, %get3A_1458] {strides = array<i32>} : memref<16x128xf32, #tpu.memory_space<vmem>>, vector<16xf32>,
      %slice3A_1460 = vector.extract_strided_slice %mul3A_49 {offsets = [8], sizes = [1], strides = [1]} : vector<16xi32> to vector<1xi32>
      %squeeze3A_1461 = vector.extract %slice3A_1460[0] : i32 from vector<1xi32>
      %add3A_1462 = arith.constant 0 : i32
      %add3A_1463 = arith.addi %squeeze3A_1461, %add3A_1462 : i32
      %get3A_1464 = arith.constant 8 : i32
      %get3A_1465 = arith.index_cast %get3A_1464 : i32 to index
      %get3A_1466 = arith.index_cast %add3A_1463 : i32 to index
      %get3A_1467 = tpu.vector_load %arg14[%get3A_1465, %get3A_1466] {strides = array<i32>} : memref<16x128xf32, #tpu.memory_space<vmem>>, vector<16xf32>,
      %mul3A_1468 = arith.mulf %get3A_1459, %get3A_1467 : vector<16xf32>
      %add3A_1469 = arith.addf %broadcast_in_dim3A_1451, %mul3A_1468 : vector<16xf32>
      %slice3A_1470 = vector.extract_strided_slice %mul3A_43 {offsets = [8], sizes = [1], strides = [1]} : vector<16xi32> to vector<1xi32>
      %squeeze3A_1471 = vector.extract %slice3A_1470[0] : i32 from vector<1xi32>
      %add3A_1472 = arith.constant 16 : i32
      %add3A_1473 = arith.addi %squeeze3A_1471, %add3A_1472 : i32
      %get3A_1474 = arith.constant 8 : i32
      %get3A_1475 = arith.index_cast %get3A_1474 : i32 to index
      %get3A_1476 = arith.index_cast %add3A_1473 : i32 to index
      %get3A_1477 = tpu.vector_load %arg13[%get3A_1475, %get3A_1476] {strides = array<i32>} : memref<16x128xf32, #tpu.memory_space<vmem>>, vector<16xf32>,
      %slice3A_1478 = vector.extract_strided_slice %mul3A_49 {offsets = [8], sizes = [1], strides = [1]} : vector<16xi32> to vector<1xi32>
      %squeeze3A_1479 = vector.extract %slice3A_1478[0] : i32 from vector<1xi32>
      %add3A_1480 = arith.constant 16 : i32
      %add3A_1481 = arith.addi %squeeze3A_1479, %add3A_1480 : i32
      %get3A_1482 = arith.constant 8 : i32
      %get3A_1483 = arith.index_cast %get3A_1482 : i32 to index
      %get3A_1484 = arith.index_cast %add3A_1481 : i32 to index
      %get3A_1485 = tpu.vector_load %arg14[%get3A_1483, %get3A_1484] {strides = array<i32>} : memref<16x128xf32, #tpu.memory_space<vmem>>, vector<16xf32>,
      %mul3A_1486 = arith.mulf %get3A_1477, %get3A_1485 : vector<16xf32>
      %add3A_1487 = arith.addf %add3A_1469, %mul3A_1486 : vector<16xf32>
      %slice3A_1488 = vector.extract_strided_slice %mul3A_43 {offsets = [8], sizes = [1], strides = [1]} : vector<16xi32> to vector<1xi32>
      %squeeze3A_1489 = vector.extract %slice3A_1488[0] : i32 from vector<1xi32>
      %add3A_1490 = arith.constant 32 : i32
      %add3A_1491 = arith.addi %squeeze3A_1489, %add3A_1490 : i32
      %get3A_1492 = arith.constant 8 : i32
      %get3A_1493 = arith.index_cast %get3A_1492 : i32 to index
      %get3A_1494 = arith.index_cast %add3A_1491 : i32 to index
      %get3A_1495 = tpu.vector_load %arg13[%get3A_1493, %get3A_1494] {strides = array<i32>} : memref<16x128xf32, #tpu.memory_space<vmem>>, vector<16xf32>,
      %slice3A_1496 = vector.extract_strided_slice %mul3A_49 {offsets = [8], sizes = [1], strides = [1]} : vector<16xi32> to vector<1xi32>
      %squeeze3A_1497 = vector.extract %slice3A_1496[0] : i32 from vector<1xi32>
      %add3A_1498 = arith.constant 32 : i32
      %add3A_1499 = arith.addi %squeeze3A_1497, %add3A_1498 : i32
      %get3A_1500 = arith.constant 8 : i32
      %get3A_1501 = arith.index_cast %get3A_1500 : i32 to index
      %get3A_1502 = arith.index_cast %add3A_1499 : i32 to index
      %get3A_1503 = tpu.vector_load %arg14[%get3A_1501, %get3A_1502] {strides = array<i32>} : memref<16x128xf32, #tpu.memory_space<vmem>>, vector<16xf32>,
      %mul3A_1504 = arith.mulf %get3A_1495, %get3A_1503 : vector<16xf32>
      %add3A_1505 = arith.addf %add3A_1487, %mul3A_1504 : vector<16xf32>
      %slice3A_1506 = vector.extract_strided_slice %mul3A_43 {offsets = [8], sizes = [1], strides = [1]} : vector<16xi32> to vector<1xi32>
      %squeeze3A_1507 = vector.extract %slice3A_1506[0] : i32 from vector<1xi32>
      %add3A_1508 = arith.constant 48 : i32
      %add3A_1509 = arith.addi %squeeze3A_1507, %add3A_1508 : i32
      %get3A_1510 = arith.constant 8 : i32
      %get3A_1511 = arith.index_cast %get3A_1510 : i32 to index
      %get3A_1512 = arith.index_cast %add3A_1509 : i32 to index
      %get3A_1513 = tpu.vector_load %arg13[%get3A_1511, %get3A_1512] {strides = array<i32>} : memref<16x128xf32, #tpu.memory_space<vmem>>, vector<16xf32>,
      %slice3A_1514 = vector.extract_strided_slice %mul3A_49 {offsets = [8], sizes = [1], strides = [1]} : vector<16xi32> to vector<1xi32>
      %squeeze3A_1515 = vector.extract %slice3A_1514[0] : i32 from vector<1xi32>
      %add3A_1516 = arith.constant 48 : i32
      %add3A_1517 = arith.addi %squeeze3A_1515, %add3A_1516 : i32
      %get3A_1518 = arith.constant 8 : i32
      %get3A_1519 = arith.index_cast %get3A_1518 : i32 to index
      %get3A_1520 = arith.index_cast %add3A_1517 : i32 to index
      %get3A_1521 = tpu.vector_load %arg14[%get3A_1519, %get3A_1520] {strides = array<i32>} : memref<16x128xf32, #tpu.memory_space<vmem>>, vector<16xf32>,
      %mul3A_1522 = arith.mulf %get3A_1513, %get3A_1521 : vector<16xf32>
      %add3A_1523 = arith.addf %add3A_1505, %mul3A_1522 : vector<16xf32>
      %cumsum3A_1524 = arith.constant true
      %cumsum3A_1525 = vector.broadcast %cumsum3A_1524 : i1 to vector<16xi1>
      %cumsum3A_1526 = tpu.scan <sum>, %add3A_1523 masked %cumsum3A_1525 : vector<16xf32>, vector<16xi1> -> vector<16xf32>
      %slice3A_1527 = vector.extract_strided_slice %get3A_753 {offsets = [8], sizes = [1], strides = [1]} : vector<16xf32> to vector<1xf32>
      %squeeze3A_1528 = vector.extract %slice3A_1527[0] : f32 from vector<1xf32>
      %sub3A_1529 = vector.broadcast %squeeze3A_1528 : f32 to vector<16xf32>
      %sub3A_1530 = arith.subf %cumsum3A_1526, %sub3A_1529 : vector<16xf32>
      %mul3A_1531 = arith.mulf %sub3A_1530, %sub3A_1530 : vector<16xf32>
      %slice3A_1532 = vector.extract_strided_slice %get3A_755 {offsets = [8], sizes = [1], strides = [1]} : vector<16xf32> to vector<1xf32>
      %squeeze3A_1533 = vector.extract %slice3A_1532[0] : f32 from vector<1xf32>
      %mul3A_1534 = vector.broadcast %squeeze3A_1533 : f32 to vector<16xf32>
      %mul3A_1535 = arith.mulf %mul3A_1531, %mul3A_1534 : vector<16xf32>
      %add3A_1536 = arith.addf %add3A_1449, %mul3A_1535 : vector<16xf32>
      %broadcast_in_dim3A_1537 = arith.constant 0.000000e+00 : f32
      %broadcast_in_dim3A_1538 = vector.broadcast %broadcast_in_dim3A_1537 : f32 to vector<16xf32>
      %slice3A_1539 = vector.extract_strided_slice %mul3A_43 {offsets = [9], sizes = [1], strides = [1]} : vector<16xi32> to vector<1xi32>
      %squeeze3A_1540 = vector.extract %slice3A_1539[0] : i32 from vector<1xi32>
      %add3A_1541 = arith.constant 0 : i32
      %add3A_1542 = arith.addi %squeeze3A_1540, %add3A_1541 : i32
      %get3A_1543 = arith.constant 9 : i32
      %get3A_1544 = arith.index_cast %get3A_1543 : i32 to index
      %get3A_1545 = arith.index_cast %add3A_1542 : i32 to index
      %get3A_1546 = tpu.vector_load %arg13[%get3A_1544, %get3A_1545] {strides = array<i32>} : memref<16x128xf32, #tpu.memory_space<vmem>>, vector<16xf32>,
      %slice3A_1547 = vector.extract_strided_slice %mul3A_49 {offsets = [9], sizes = [1], strides = [1]} : vector<16xi32> to vector<1xi32>
      %squeeze3A_1548 = vector.extract %slice3A_1547[0] : i32 from vector<1xi32>
      %add3A_1549 = arith.constant 0 : i32
      %add3A_1550 = arith.addi %squeeze3A_1548, %add3A_1549 : i32
      %get3A_1551 = arith.constant 9 : i32
      %get3A_1552 = arith.index_cast %get3A_1551 : i32 to index
      %get3A_1553 = arith.index_cast %add3A_1550 : i32 to index
      %get3A_1554 = tpu.vector_load %arg14[%get3A_1552, %get3A_1553] {strides = array<i32>} : memref<16x128xf32, #tpu.memory_space<vmem>>, vector<16xf32>,
      %mul3A_1555 = arith.mulf %get3A_1546, %get3A_1554 : vector<16xf32>
      %add3A_1556 = arith.addf %broadcast_in_dim3A_1538, %mul3A_1555 : vector<16xf32>
      %slice3A_1557 = vector.extract_strided_slice %mul3A_43 {offsets = [9], sizes = [1], strides = [1]} : vector<16xi32> to vector<1xi32>
      %squeeze3A_1558 = vector.extract %slice3A_1557[0] : i32 from vector<1xi32>
      %add3A_1559 = arith.constant 16 : i32
      %add3A_1560 = arith.addi %squeeze3A_1558, %add3A_1559 : i32
      %get3A_1561 = arith.constant 9 : i32
      %get3A_1562 = arith.index_cast %get3A_1561 : i32 to index
      %get3A_1563 = arith.index_cast %add3A_1560 : i32 to index
      %get3A_1564 = tpu.vector_load %arg13[%get3A_1562, %get3A_1563] {strides = array<i32>} : memref<16x128xf32, #tpu.memory_space<vmem>>, vector<16xf32>,
      %slice3A_1565 = vector.extract_strided_slice %mul3A_49 {offsets = [9], sizes = [1], strides = [1]} : vector<16xi32> to vector<1xi32>
      %squeeze3A_1566 = vector.extract %slice3A_1565[0] : i32 from vector<1xi32>
      %add3A_1567 = arith.constant 16 : i32
      %add3A_1568 = arith.addi %squeeze3A_1566, %add3A_1567 : i32
      %get3A_1569 = arith.constant 9 : i32
      %get3A_1570 = arith.index_cast %get3A_1569 : i32 to index
      %get3A_1571 = arith.index_cast %add3A_1568 : i32 to index
      %get3A_1572 = tpu.vector_load %arg14[%get3A_1570, %get3A_1571] {strides = array<i32>} : memref<16x128xf32, #tpu.memory_space<vmem>>, vector<16xf32>,
      %mul3A_1573 = arith.mulf %get3A_1564, %get3A_1572 : vector<16xf32>
      %add3A_1574 = arith.addf %add3A_1556, %mul3A_1573 : vector<16xf32>
      %slice3A_1575 = vector.extract_strided_slice %mul3A_43 {offsets = [9], sizes = [1], strides = [1]} : vector<16xi32> to vector<1xi32>
      %squeeze3A_1576 = vector.extract %slice3A_1575[0] : i32 from vector<1xi32>
      %add3A_1577 = arith.constant 32 : i32
      %add3A_1578 = arith.addi %squeeze3A_1576, %add3A_1577 : i32
      %get3A_1579 = arith.constant 9 : i32
      %get3A_1580 = arith.index_cast %get3A_1579 : i32 to index
      %get3A_1581 = arith.index_cast %add3A_1578 : i32 to index
      %get3A_1582 = tpu.vector_load %arg13[%get3A_1580, %get3A_1581] {strides = array<i32>} : memref<16x128xf32, #tpu.memory_space<vmem>>, vector<16xf32>,
      %slice3A_1583 = vector.extract_strided_slice %mul3A_49 {offsets = [9], sizes = [1], strides = [1]} : vector<16xi32> to vector<1xi32>
      %squeeze3A_1584 = vector.extract %slice3A_1583[0] : i32 from vector<1xi32>
      %add3A_1585 = arith.constant 32 : i32
      %add3A_1586 = arith.addi %squeeze3A_1584, %add3A_1585 : i32
      %get3A_1587 = arith.constant 9 : i32
      %get3A_1588 = arith.index_cast %get3A_1587 : i32 to index
      %get3A_1589 = arith.index_cast %add3A_1586 : i32 to index
      %get3A_1590 = tpu.vector_load %arg14[%get3A_1588, %get3A_1589] {strides = array<i32>} : memref<16x128xf32, #tpu.memory_space<vmem>>, vector<16xf32>,
      %mul3A_1591 = arith.mulf %get3A_1582, %get3A_1590 : vector<16xf32>
      %add3A_1592 = arith.addf %add3A_1574, %mul3A_1591 : vector<16xf32>
      %slice3A_1593 = vector.extract_strided_slice %mul3A_43 {offsets = [9], sizes = [1], strides = [1]} : vector<16xi32> to vector<1xi32>
      %squeeze3A_1594 = vector.extract %slice3A_1593[0] : i32 from vector<1xi32>
      %add3A_1595 = arith.constant 48 : i32
      %add3A_1596 = arith.addi %squeeze3A_1594, %add3A_1595 : i32
      %get3A_1597 = arith.constant 9 : i32
      %get3A_1598 = arith.index_cast %get3A_1597 : i32 to index
      %get3A_1599 = arith.index_cast %add3A_1596 : i32 to index
      %get3A_1600 = tpu.vector_load %arg13[%get3A_1598, %get3A_1599] {strides = array<i32>} : memref<16x128xf32, #tpu.memory_space<vmem>>, vector<16xf32>,
      %slice3A_1601 = vector.extract_strided_slice %mul3A_49 {offsets = [9], sizes = [1], strides = [1]} : vector<16xi32> to vector<1xi32>
      %squeeze3A_1602 = vector.extract %slice3A_1601[0] : i32 from vector<1xi32>
      %add3A_1603 = arith.constant 48 : i32
      %add3A_1604 = arith.addi %squeeze3A_1602, %add3A_1603 : i32
      %get3A_1605 = arith.constant 9 : i32
      %get3A_1606 = arith.index_cast %get3A_1605 : i32 to index
      %get3A_1607 = arith.index_cast %add3A_1604 : i32 to index
      %get3A_1608 = tpu.vector_load %arg14[%get3A_1606, %get3A_1607] {strides = array<i32>} : memref<16x128xf32, #tpu.memory_space<vmem>>, vector<16xf32>,
      %mul3A_1609 = arith.mulf %get3A_1600, %get3A_1608 : vector<16xf32>
      %add3A_1610 = arith.addf %add3A_1592, %mul3A_1609 : vector<16xf32>
      %cumsum3A_1611 = arith.constant true
      %cumsum3A_1612 = vector.broadcast %cumsum3A_1611 : i1 to vector<16xi1>
      %cumsum3A_1613 = tpu.scan <sum>, %add3A_1610 masked %cumsum3A_1612 : vector<16xf32>, vector<16xi1> -> vector<16xf32>
      %slice3A_1614 = vector.extract_strided_slice %get3A_753 {offsets = [9], sizes = [1], strides = [1]} : vector<16xf32> to vector<1xf32>
      %squeeze3A_1615 = vector.extract %slice3A_1614[0] : f32 from vector<1xf32>
      %sub3A_1616 = vector.broadcast %squeeze3A_1615 : f32 to vector<16xf32>
      %sub3A_1617 = arith.subf %cumsum3A_1613, %sub3A_1616 : vector<16xf32>
      %mul3A_1618 = arith.mulf %sub3A_1617, %sub3A_1617 : vector<16xf32>
      %slice3A_1619 = vector.extract_strided_slice %get3A_755 {offsets = [9], sizes = [1], strides = [1]} : vector<16xf32> to vector<1xf32>
      %squeeze3A_1620 = vector.extract %slice3A_1619[0] : f32 from vector<1xf32>
      %mul3A_1621 = vector.broadcast %squeeze3A_1620 : f32 to vector<16xf32>
      %mul3A_1622 = arith.mulf %mul3A_1618, %mul3A_1621 : vector<16xf32>
      %add3A_1623 = arith.addf %add3A_1536, %mul3A_1622 : vector<16xf32>
      %broadcast_in_dim3A_1624 = arith.constant 0.000000e+00 : f32
      %broadcast_in_dim3A_1625 = vector.broadcast %broadcast_in_dim3A_1624 : f32 to vector<16xf32>
      %slice3A_1626 = vector.extract_strided_slice %mul3A_43 {offsets = [10], sizes = [1], strides = [1]} : vector<16xi32> to vector<1xi32>
      %squeeze3A_1627 = vector.extract %slice3A_1626[0] : i32 from vector<1xi32>
      %add3A_1628 = arith.constant 0 : i32
      %add3A_1629 = arith.addi %squeeze3A_1627, %add3A_1628 : i32
      %get3A_1630 = arith.constant 10 : i32
      %get3A_1631 = arith.index_cast %get3A_1630 : i32 to index
      %get3A_1632 = arith.index_cast %add3A_1629 : i32 to index
      %get3A_1633 = tpu.vector_load %arg13[%get3A_1631, %get3A_1632] {strides = array<i32>} : memref<16x128xf32, #tpu.memory_space<vmem>>, vector<16xf32>,
      %slice3A_1634 = vector.extract_strided_slice %mul3A_49 {offsets = [10], sizes = [1], strides = [1]} : vector<16xi32> to vector<1xi32>
      %squeeze3A_1635 = vector.extract %slice3A_1634[0] : i32 from vector<1xi32>
      %add3A_1636 = arith.constant 0 : i32
      %add3A_1637 = arith.addi %squeeze3A_1635, %add3A_1636 : i32
      %get3A_1638 = arith.constant 10 : i32
      %get3A_1639 = arith.index_cast %get3A_1638 : i32 to index
      %get3A_1640 = arith.index_cast %add3A_1637 : i32 to index
      %get3A_1641 = tpu.vector_load %arg14[%get3A_1639, %get3A_1640] {strides = array<i32>} : memref<16x128xf32, #tpu.memory_space<vmem>>, vector<16xf32>,
      %mul3A_1642 = arith.mulf %get3A_1633, %get3A_1641 : vector<16xf32>
      %add3A_1643 = arith.addf %broadcast_in_dim3A_1625, %mul3A_1642 : vector<16xf32>
      %slice3A_1644 = vector.extract_strided_slice %mul3A_43 {offsets = [10], sizes = [1], strides = [1]} : vector<16xi32> to vector<1xi32>
      %squeeze3A_1645 = vector.extract %slice3A_1644[0] : i32 from vector<1xi32>
      %add3A_1646 = arith.constant 16 : i32
      %add3A_1647 = arith.addi %squeeze3A_1645, %add3A_1646 : i32
      %get3A_1648 = arith.constant 10 : i32
      %get3A_1649 = arith.index_cast %get3A_1648 : i32 to index
      %get3A_1650 = arith.index_cast %add3A_1647 : i32 to index
      %get3A_1651 = tpu.vector_load %arg13[%get3A_1649, %get3A_1650] {strides = array<i32>} : memref<16x128xf32, #tpu.memory_space<vmem>>, vector<16xf32>,
      %slice3A_1652 = vector.extract_strided_slice %mul3A_49 {offsets = [10], sizes = [1], strides = [1]} : vector<16xi32> to vector<1xi32>
      %squeeze3A_1653 = vector.extract %slice3A_1652[0] : i32 from vector<1xi32>
      %add3A_1654 = arith.constant 16 : i32
      %add3A_1655 = arith.addi %squeeze3A_1653, %add3A_1654 : i32
      %get3A_1656 = arith.constant 10 : i32
      %get3A_1657 = arith.index_cast %get3A_1656 : i32 to index
      %get3A_1658 = arith.index_cast %add3A_1655 : i32 to index
      %get3A_1659 = tpu.vector_load %arg14[%get3A_1657, %get3A_1658] {strides = array<i32>} : memref<16x128xf32, #tpu.memory_space<vmem>>, vector<16xf32>,
      %mul3A_1660 = arith.mulf %get3A_1651, %get3A_1659 : vector<16xf32>
      %add3A_1661 = arith.addf %add3A_1643, %mul3A_1660 : vector<16xf32>
      %slice3A_1662 = vector.extract_strided_slice %mul3A_43 {offsets = [10], sizes = [1], strides = [1]} : vector<16xi32> to vector<1xi32>
      %squeeze3A_1663 = vector.extract %slice3A_1662[0] : i32 from vector<1xi32>
      %add3A_1664 = arith.constant 32 : i32
      %add3A_1665 = arith.addi %squeeze3A_1663, %add3A_1664 : i32
      %get3A_1666 = arith.constant 10 : i32
      %get3A_1667 = arith.index_cast %get3A_1666 : i32 to index
      %get3A_1668 = arith.index_cast %add3A_1665 : i32 to index
      %get3A_1669 = tpu.vector_load %arg13[%get3A_1667, %get3A_1668] {strides = array<i32>} : memref<16x128xf32, #tpu.memory_space<vmem>>, vector<16xf32>,
      %slice3A_1670 = vector.extract_strided_slice %mul3A_49 {offsets = [10], sizes = [1], strides = [1]} : vector<16xi32> to vector<1xi32>
      %squeeze3A_1671 = vector.extract %slice3A_1670[0] : i32 from vector<1xi32>
      %add3A_1672 = arith.constant 32 : i32
      %add3A_1673 = arith.addi %squeeze3A_1671, %add3A_1672 : i32
      %get3A_1674 = arith.constant 10 : i32
      %get3A_1675 = arith.index_cast %get3A_1674 : i32 to index
      %get3A_1676 = arith.index_cast %add3A_1673 : i32 to index
      %get3A_1677 = tpu.vector_load %arg14[%get3A_1675, %get3A_1676] {strides = array<i32>} : memref<16x128xf32, #tpu.memory_space<vmem>>, vector<16xf32>,
      %mul3A_1678 = arith.mulf %get3A_1669, %get3A_1677 : vector<16xf32>
      %add3A_1679 = arith.addf %add3A_1661, %mul3A_1678 : vector<16xf32>
      %slice3A_1680 = vector.extract_strided_slice %mul3A_43 {offsets = [10], sizes = [1], strides = [1]} : vector<16xi32> to vector<1xi32>
      %squeeze3A_1681 = vector.extract %slice3A_1680[0] : i32 from vector<1xi32>
      %add3A_1682 = arith.constant 48 : i32
      %add3A_1683 = arith.addi %squeeze3A_1681, %add3A_1682 : i32
      %get3A_1684 = arith.constant 10 : i32
      %get3A_1685 = arith.index_cast %get3A_1684 : i32 to index
      %get3A_1686 = arith.index_cast %add3A_1683 : i32 to index
      %get3A_1687 = tpu.vector_load %arg13[%get3A_1685, %get3A_1686] {strides = array<i32>} : memref<16x128xf32, #tpu.memory_space<vmem>>, vector<16xf32>,
      %slice3A_1688 = vector.extract_strided_slice %mul3A_49 {offsets = [10], sizes = [1], strides = [1]} : vector<16xi32> to vector<1xi32>
      %squeeze3A_1689 = vector.extract %slice3A_1688[0] : i32 from vector<1xi32>
      %add3A_1690 = arith.constant 48 : i32
      %add3A_1691 = arith.addi %squeeze3A_1689, %add3A_1690 : i32
      %get3A_1692 = arith.constant 10 : i32
      %get3A_1693 = arith.index_cast %get3A_1692 : i32 to index
      %get3A_1694 = arith.index_cast %add3A_1691 : i32 to index
      %get3A_1695 = tpu.vector_load %arg14[%get3A_1693, %get3A_1694] {strides = array<i32>} : memref<16x128xf32, #tpu.memory_space<vmem>>, vector<16xf32>,
      %mul3A_1696 = arith.mulf %get3A_1687, %get3A_1695 : vector<16xf32>
      %add3A_1697 = arith.addf %add3A_1679, %mul3A_1696 : vector<16xf32>
      %cumsum3A_1698 = arith.constant true
      %cumsum3A_1699 = vector.broadcast %cumsum3A_1698 : i1 to vector<16xi1>
      %cumsum3A_1700 = tpu.scan <sum>, %add3A_1697 masked %cumsum3A_1699 : vector<16xf32>, vector<16xi1> -> vector<16xf32>
      %slice3A_1701 = vector.extract_strided_slice %get3A_753 {offsets = [10], sizes = [1], strides = [1]} : vector<16xf32> to vector<1xf32>
      %squeeze3A_1702 = vector.extract %slice3A_1701[0] : f32 from vector<1xf32>
      %sub3A_1703 = vector.broadcast %squeeze3A_1702 : f32 to vector<16xf32>
      %sub3A_1704 = arith.subf %cumsum3A_1700, %sub3A_1703 : vector<16xf32>
      %mul3A_1705 = arith.mulf %sub3A_1704, %sub3A_1704 : vector<16xf32>
      %slice3A_1706 = vector.extract_strided_slice %get3A_755 {offsets = [10], sizes = [1], strides = [1]} : vector<16xf32> to vector<1xf32>
      %squeeze3A_1707 = vector.extract %slice3A_1706[0] : f32 from vector<1xf32>
      %mul3A_1708 = vector.broadcast %squeeze3A_1707 : f32 to vector<16xf32>
      %mul3A_1709 = arith.mulf %mul3A_1705, %mul3A_1708 : vector<16xf32>
      %add3A_1710 = arith.addf %add3A_1623, %mul3A_1709 : vector<16xf32>
      %broadcast_in_dim3A_1711 = arith.constant 0.000000e+00 : f32
      %broadcast_in_dim3A_1712 = vector.broadcast %broadcast_in_dim3A_1711 : f32 to vector<16xf32>
      %slice3A_1713 = vector.extract_strided_slice %mul3A_43 {offsets = [11], sizes = [1], strides = [1]} : vector<16xi32> to vector<1xi32>
      %squeeze3A_1714 = vector.extract %slice3A_1713[0] : i32 from vector<1xi32>
      %add3A_1715 = arith.constant 0 : i32
      %add3A_1716 = arith.addi %squeeze3A_1714, %add3A_1715 : i32
      %get3A_1717 = arith.constant 11 : i32
      %get3A_1718 = arith.index_cast %get3A_1717 : i32 to index
      %get3A_1719 = arith.index_cast %add3A_1716 : i32 to index
      %get3A_1720 = tpu.vector_load %arg13[%get3A_1718, %get3A_1719] {strides = array<i32>} : memref<16x128xf32, #tpu.memory_space<vmem>>, vector<16xf32>,
      %slice3A_1721 = vector.extract_strided_slice %mul3A_49 {offsets = [11], sizes = [1], strides = [1]} : vector<16xi32> to vector<1xi32>
      %squeeze3A_1722 = vector.extract %slice3A_1721[0] : i32 from vector<1xi32>
      %add3A_1723 = arith.constant 0 : i32
      %add3A_1724 = arith.addi %squeeze3A_1722, %add3A_1723 : i32
      %get3A_1725 = arith.constant 11 : i32
      %get3A_1726 = arith.index_cast %get3A_1725 : i32 to index
      %get3A_1727 = arith.index_cast %add3A_1724 : i32 to index
      %get3A_1728 = tpu.vector_load %arg14[%get3A_1726, %get3A_1727] {strides = array<i32>} : memref<16x128xf32, #tpu.memory_space<vmem>>, vector<16xf32>,
      %mul3A_1729 = arith.mulf %get3A_1720, %get3A_1728 : vector<16xf32>
      %add3A_1730 = arith.addf %broadcast_in_dim3A_1712, %mul3A_1729 : vector<16xf32>
      %slice3A_1731 = vector.extract_strided_slice %mul3A_43 {offsets = [11], sizes = [1], strides = [1]} : vector<16xi32> to vector<1xi32>
      %squeeze3A_1732 = vector.extract %slice3A_1731[0] : i32 from vector<1xi32>
      %add3A_1733 = arith.constant 16 : i32
      %add3A_1734 = arith.addi %squeeze3A_1732, %add3A_1733 : i32
      %get3A_1735 = arith.constant 11 : i32
      %get3A_1736 = arith.index_cast %get3A_1735 : i32 to index
      %get3A_1737 = arith.index_cast %add3A_1734 : i32 to index
      %get3A_1738 = tpu.vector_load %arg13[%get3A_1736, %get3A_1737] {strides = array<i32>} : memref<16x128xf32, #tpu.memory_space<vmem>>, vector<16xf32>,
      %slice3A_1739 = vector.extract_strided_slice %mul3A_49 {offsets = [11], sizes = [1], strides = [1]} : vector<16xi32> to vector<1xi32>
      %squeeze3A_1740 = vector.extract %slice3A_1739[0] : i32 from vector<1xi32>
      %add3A_1741 = arith.constant 16 : i32
      %add3A_1742 = arith.addi %squeeze3A_1740, %add3A_1741 : i32
      %get3A_1743 = arith.constant 11 : i32
      %get3A_1744 = arith.index_cast %get3A_1743 : i32 to index
      %get3A_1745 = arith.index_cast %add3A_1742 : i32 to index
      %get3A_1746 = tpu.vector_load %arg14[%get3A_1744, %get3A_1745] {strides = array<i32>} : memref<16x128xf32, #tpu.memory_space<vmem>>, vector<16xf32>,
      %mul3A_1747 = arith.mulf %get3A_1738, %get3A_1746 : vector<16xf32>
      %add3A_1748 = arith.addf %add3A_1730, %mul3A_1747 : vector<16xf32>
      %slice3A_1749 = vector.extract_strided_slice %mul3A_43 {offsets = [11], sizes = [1], strides = [1]} : vector<16xi32> to vector<1xi32>
      %squeeze3A_1750 = vector.extract %slice3A_1749[0] : i32 from vector<1xi32>
      %add3A_1751 = arith.constant 32 : i32
      %add3A_1752 = arith.addi %squeeze3A_1750, %add3A_1751 : i32
      %get3A_1753 = arith.constant 11 : i32
      %get3A_1754 = arith.index_cast %get3A_1753 : i32 to index
      %get3A_1755 = arith.index_cast %add3A_1752 : i32 to index
      %get3A_1756 = tpu.vector_load %arg13[%get3A_1754, %get3A_1755] {strides = array<i32>} : memref<16x128xf32, #tpu.memory_space<vmem>>, vector<16xf32>,
      %slice3A_1757 = vector.extract_strided_slice %mul3A_49 {offsets = [11], sizes = [1], strides = [1]} : vector<16xi32> to vector<1xi32>
      %squeeze3A_1758 = vector.extract %slice3A_1757[0] : i32 from vector<1xi32>
      %add3A_1759 = arith.constant 32 : i32
      %add3A_1760 = arith.addi %squeeze3A_1758, %add3A_1759 : i32
      %get3A_1761 = arith.constant 11 : i32
      %get3A_1762 = arith.index_cast %get3A_1761 : i32 to index
      %get3A_1763 = arith.index_cast %add3A_1760 : i32 to index
      %get3A_1764 = tpu.vector_load %arg14[%get3A_1762, %get3A_1763] {strides = array<i32>} : memref<16x128xf32, #tpu.memory_space<vmem>>, vector<16xf32>,
      %mul3A_1765 = arith.mulf %get3A_1756, %get3A_1764 : vector<16xf32>
      %add3A_1766 = arith.addf %add3A_1748, %mul3A_1765 : vector<16xf32>
      %slice3A_1767 = vector.extract_strided_slice %mul3A_43 {offsets = [11], sizes = [1], strides = [1]} : vector<16xi32> to vector<1xi32>
      %squeeze3A_1768 = vector.extract %slice3A_1767[0] : i32 from vector<1xi32>
      %add3A_1769 = arith.constant 48 : i32
      %add3A_1770 = arith.addi %squeeze3A_1768, %add3A_1769 : i32
      %get3A_1771 = arith.constant 11 : i32
      %get3A_1772 = arith.index_cast %get3A_1771 : i32 to index
      %get3A_1773 = arith.index_cast %add3A_1770 : i32 to index
      %get3A_1774 = tpu.vector_load %arg13[%get3A_1772, %get3A_1773] {strides = array<i32>} : memref<16x128xf32, #tpu.memory_space<vmem>>, vector<16xf32>,
      %slice3A_1775 = vector.extract_strided_slice %mul3A_49 {offsets = [11], sizes = [1], strides = [1]} : vector<16xi32> to vector<1xi32>
      %squeeze3A_1776 = vector.extract %slice3A_1775[0] : i32 from vector<1xi32>
      %add3A_1777 = arith.constant 48 : i32
      %add3A_1778 = arith.addi %squeeze3A_1776, %add3A_1777 : i32
      %get3A_1779 = arith.constant 11 : i32
      %get3A_1780 = arith.index_cast %get3A_1779 : i32 to index
      %get3A_1781 = arith.index_cast %add3A_1778 : i32 to index
      %get3A_1782 = tpu.vector_load %arg14[%get3A_1780, %get3A_1781] {strides = array<i32>} : memref<16x128xf32, #tpu.memory_space<vmem>>, vector<16xf32>,
      %mul3A_1783 = arith.mulf %get3A_1774, %get3A_1782 : vector<16xf32>
      %add3A_1784 = arith.addf %add3A_1766, %mul3A_1783 : vector<16xf32>
      %cumsum3A_1785 = arith.constant true
      %cumsum3A_1786 = vector.broadcast %cumsum3A_1785 : i1 to vector<16xi1>
      %cumsum3A_1787 = tpu.scan <sum>, %add3A_1784 masked %cumsum3A_1786 : vector<16xf32>, vector<16xi1> -> vector<16xf32>
      %slice3A_1788 = vector.extract_strided_slice %get3A_753 {offsets = [11], sizes = [1], strides = [1]} : vector<16xf32> to vector<1xf32>
      %squeeze3A_1789 = vector.extract %slice3A_1788[0] : f32 from vector<1xf32>
      %sub3A_1790 = vector.broadcast %squeeze3A_1789 : f32 to vector<16xf32>
      %sub3A_1791 = arith.subf %cumsum3A_1787, %sub3A_1790 : vector<16xf32>
      %mul3A_1792 = arith.mulf %sub3A_1791, %sub3A_1791 : vector<16xf32>
      %slice3A_1793 = vector.extract_strided_slice %get3A_755 {offsets = [11], sizes = [1], strides = [1]} : vector<16xf32> to vector<1xf32>
      %squeeze3A_1794 = vector.extract %slice3A_1793[0] : f32 from vector<1xf32>
      %mul3A_1795 = vector.broadcast %squeeze3A_1794 : f32 to vector<16xf32>
      %mul3A_1796 = arith.mulf %mul3A_1792, %mul3A_1795 : vector<16xf32>
      %add3A_1797 = arith.addf %add3A_1710, %mul3A_1796 : vector<16xf32>
      %broadcast_in_dim3A_1798 = arith.constant 0.000000e+00 : f32
      %broadcast_in_dim3A_1799 = vector.broadcast %broadcast_in_dim3A_1798 : f32 to vector<16xf32>
      %slice3A_1800 = vector.extract_strided_slice %mul3A_43 {offsets = [12], sizes = [1], strides = [1]} : vector<16xi32> to vector<1xi32>
      %squeeze3A_1801 = vector.extract %slice3A_1800[0] : i32 from vector<1xi32>
      %add3A_1802 = arith.constant 0 : i32
      %add3A_1803 = arith.addi %squeeze3A_1801, %add3A_1802 : i32
      %get3A_1804 = arith.constant 12 : i32
      %get3A_1805 = arith.index_cast %get3A_1804 : i32 to index
      %get3A_1806 = arith.index_cast %add3A_1803 : i32 to index
      %get3A_1807 = tpu.vector_load %arg13[%get3A_1805, %get3A_1806] {strides = array<i32>} : memref<16x128xf32, #tpu.memory_space<vmem>>, vector<16xf32>,
      %slice3A_1808 = vector.extract_strided_slice %mul3A_49 {offsets = [12], sizes = [1], strides = [1]} : vector<16xi32> to vector<1xi32>
      %squeeze3A_1809 = vector.extract %slice3A_1808[0] : i32 from vector<1xi32>
      %add3A_1810 = arith.constant 0 : i32
      %add3A_1811 = arith.addi %squeeze3A_1809, %add3A_1810 : i32
      %get3A_1812 = arith.constant 12 : i32
      %get3A_1813 = arith.index_cast %get3A_1812 : i32 to index
      %get3A_1814 = arith.index_cast %add3A_1811 : i32 to index
      %get3A_1815 = tpu.vector_load %arg14[%get3A_1813, %get3A_1814] {strides = array<i32>} : memref<16x128xf32, #tpu.memory_space<vmem>>, vector<16xf32>,
      %mul3A_1816 = arith.mulf %get3A_1807, %get3A_1815 : vector<16xf32>
      %add3A_1817 = arith.addf %broadcast_in_dim3A_1799, %mul3A_1816 : vector<16xf32>
      %slice3A_1818 = vector.extract_strided_slice %mul3A_43 {offsets = [12], sizes = [1], strides = [1]} : vector<16xi32> to vector<1xi32>
      %squeeze3A_1819 = vector.extract %slice3A_1818[0] : i32 from vector<1xi32>
      %add3A_1820 = arith.constant 16 : i32
      %add3A_1821 = arith.addi %squeeze3A_1819, %add3A_1820 : i32
      %get3A_1822 = arith.constant 12 : i32
      %get3A_1823 = arith.index_cast %get3A_1822 : i32 to index
      %get3A_1824 = arith.index_cast %add3A_1821 : i32 to index
      %get3A_1825 = tpu.vector_load %arg13[%get3A_1823, %get3A_1824] {strides = array<i32>} : memref<16x128xf32, #tpu.memory_space<vmem>>, vector<16xf32>,
      %slice3A_1826 = vector.extract_strided_slice %mul3A_49 {offsets = [12], sizes = [1], strides = [1]} : vector<16xi32> to vector<1xi32>
      %squeeze3A_1827 = vector.extract %slice3A_1826[0] : i32 from vector<1xi32>
      %add3A_1828 = arith.constant 16 : i32
      %add3A_1829 = arith.addi %squeeze3A_1827, %add3A_1828 : i32
      %get3A_1830 = arith.constant 12 : i32
      %get3A_1831 = arith.index_cast %get3A_1830 : i32 to index
      %get3A_1832 = arith.index_cast %add3A_1829 : i32 to index
      %get3A_1833 = tpu.vector_load %arg14[%get3A_1831, %get3A_1832] {strides = array<i32>} : memref<16x128xf32, #tpu.memory_space<vmem>>, vector<16xf32>,
      %mul3A_1834 = arith.mulf %get3A_1825, %get3A_1833 : vector<16xf32>
      %add3A_1835 = arith.addf %add3A_1817, %mul3A_1834 : vector<16xf32>
      %slice3A_1836 = vector.extract_strided_slice %mul3A_43 {offsets = [12], sizes = [1], strides = [1]} : vector<16xi32> to vector<1xi32>
      %squeeze3A_1837 = vector.extract %slice3A_1836[0] : i32 from vector<1xi32>
      %add3A_1838 = arith.constant 32 : i32
      %add3A_1839 = arith.addi %squeeze3A_1837, %add3A_1838 : i32
      %get3A_1840 = arith.constant 12 : i32
      %get3A_1841 = arith.index_cast %get3A_1840 : i32 to index
      %get3A_1842 = arith.index_cast %add3A_1839 : i32 to index
      %get3A_1843 = tpu.vector_load %arg13[%get3A_1841, %get3A_1842] {strides = array<i32>} : memref<16x128xf32, #tpu.memory_space<vmem>>, vector<16xf32>,
      %slice3A_1844 = vector.extract_strided_slice %mul3A_49 {offsets = [12], sizes = [1], strides = [1]} : vector<16xi32> to vector<1xi32>
      %squeeze3A_1845 = vector.extract %slice3A_1844[0] : i32 from vector<1xi32>
      %add3A_1846 = arith.constant 32 : i32
      %add3A_1847 = arith.addi %squeeze3A_1845, %add3A_1846 : i32
      %get3A_1848 = arith.constant 12 : i32
      %get3A_1849 = arith.index_cast %get3A_1848 : i32 to index
      %get3A_1850 = arith.index_cast %add3A_1847 : i32 to index
      %get3A_1851 = tpu.vector_load %arg14[%get3A_1849, %get3A_1850] {strides = array<i32>} : memref<16x128xf32, #tpu.memory_space<vmem>>, vector<16xf32>,
      %mul3A_1852 = arith.mulf %get3A_1843, %get3A_1851 : vector<16xf32>
      %add3A_1853 = arith.addf %add3A_1835, %mul3A_1852 : vector<16xf32>
      %slice3A_1854 = vector.extract_strided_slice %mul3A_43 {offsets = [12], sizes = [1], strides = [1]} : vector<16xi32> to vector<1xi32>
      %squeeze3A_1855 = vector.extract %slice3A_1854[0] : i32 from vector<1xi32>
      %add3A_1856 = arith.constant 48 : i32
      %add3A_1857 = arith.addi %squeeze3A_1855, %add3A_1856 : i32
      %get3A_1858 = arith.constant 12 : i32
      %get3A_1859 = arith.index_cast %get3A_1858 : i32 to index
      %get3A_1860 = arith.index_cast %add3A_1857 : i32 to index
      %get3A_1861 = tpu.vector_load %arg13[%get3A_1859, %get3A_1860] {strides = array<i32>} : memref<16x128xf32, #tpu.memory_space<vmem>>, vector<16xf32>,
      %slice3A_1862 = vector.extract_strided_slice %mul3A_49 {offsets = [12], sizes = [1], strides = [1]} : vector<16xi32> to vector<1xi32>
      %squeeze3A_1863 = vector.extract %slice3A_1862[0] : i32 from vector<1xi32>
      %add3A_1864 = arith.constant 48 : i32
      %add3A_1865 = arith.addi %squeeze3A_1863, %add3A_1864 : i32
      %get3A_1866 = arith.constant 12 : i32
      %get3A_1867 = arith.index_cast %get3A_1866 : i32 to index
      %get3A_1868 = arith.index_cast %add3A_1865 : i32 to index
      %get3A_1869 = tpu.vector_load %arg14[%get3A_1867, %get3A_1868] {strides = array<i32>} : memref<16x128xf32, #tpu.memory_space<vmem>>, vector<16xf32>,
      %mul3A_1870 = arith.mulf %get3A_1861, %get3A_1869 : vector<16xf32>
      %add3A_1871 = arith.addf %add3A_1853, %mul3A_1870 : vector<16xf32>
      %cumsum3A_1872 = arith.constant true
      %cumsum3A_1873 = vector.broadcast %cumsum3A_1872 : i1 to vector<16xi1>
      %cumsum3A_1874 = tpu.scan <sum>, %add3A_1871 masked %cumsum3A_1873 : vector<16xf32>, vector<16xi1> -> vector<16xf32>
      %slice3A_1875 = vector.extract_strided_slice %get3A_753 {offsets = [12], sizes = [1], strides = [1]} : vector<16xf32> to vector<1xf32>
      %squeeze3A_1876 = vector.extract %slice3A_1875[0] : f32 from vector<1xf32>
      %sub3A_1877 = vector.broadcast %squeeze3A_1876 : f32 to vector<16xf32>
      %sub3A_1878 = arith.subf %cumsum3A_1874, %sub3A_1877 : vector<16xf32>
      %mul3A_1879 = arith.mulf %sub3A_1878, %sub3A_1878 : vector<16xf32>
      %slice3A_1880 = vector.extract_strided_slice %get3A_755 {offsets = [12], sizes = [1], strides = [1]} : vector<16xf32> to vector<1xf32>
      %squeeze3A_1881 = vector.extract %slice3A_1880[0] : f32 from vector<1xf32>
      %mul3A_1882 = vector.broadcast %squeeze3A_1881 : f32 to vector<16xf32>
      %mul3A_1883 = arith.mulf %mul3A_1879, %mul3A_1882 : vector<16xf32>
      %add3A_1884 = arith.addf %add3A_1797, %mul3A_1883 : vector<16xf32>
      %broadcast_in_dim3A_1885 = arith.constant 0.000000e+00 : f32
      %broadcast_in_dim3A_1886 = vector.broadcast %broadcast_in_dim3A_1885 : f32 to vector<16xf32>
      %slice3A_1887 = vector.extract_strided_slice %mul3A_43 {offsets = [13], sizes = [1], strides = [1]} : vector<16xi32> to vector<1xi32>
      %squeeze3A_1888 = vector.extract %slice3A_1887[0] : i32 from vector<1xi32>
      %add3A_1889 = arith.constant 0 : i32
      %add3A_1890 = arith.addi %squeeze3A_1888, %add3A_1889 : i32
      %get3A_1891 = arith.constant 13 : i32
      %get3A_1892 = arith.index_cast %get3A_1891 : i32 to index
      %get3A_1893 = arith.index_cast %add3A_1890 : i32 to index
      %get3A_1894 = tpu.vector_load %arg13[%get3A_1892, %get3A_1893] {strides = array<i32>} : memref<16x128xf32, #tpu.memory_space<vmem>>, vector<16xf32>,
      %slice3A_1895 = vector.extract_strided_slice %mul3A_49 {offsets = [13], sizes = [1], strides = [1]} : vector<16xi32> to vector<1xi32>
      %squeeze3A_1896 = vector.extract %slice3A_1895[0] : i32 from vector<1xi32>
      %add3A_1897 = arith.constant 0 : i32
      %add3A_1898 = arith.addi %squeeze3A_1896, %add3A_1897 : i32
      %get3A_1899 = arith.constant 13 : i32
      %get3A_1900 = arith.index_cast %get3A_1899 : i32 to index
      %get3A_1901 = arith.index_cast %add3A_1898 : i32 to index
      %get3A_1902 = tpu.vector_load %arg14[%get3A_1900, %get3A_1901] {strides = array<i32>} : memref<16x128xf32, #tpu.memory_space<vmem>>, vector<16xf32>,
      %mul3A_1903 = arith.mulf %get3A_1894, %get3A_1902 : vector<16xf32>
      %add3A_1904 = arith.addf %broadcast_in_dim3A_1886, %mul3A_1903 : vector<16xf32>
      %slice3A_1905 = vector.extract_strided_slice %mul3A_43 {offsets = [13], sizes = [1], strides = [1]} : vector<16xi32> to vector<1xi32>
      %squeeze3A_1906 = vector.extract %slice3A_1905[0] : i32 from vector<1xi32>
      %add3A_1907 = arith.constant 16 : i32
      %add3A_1908 = arith.addi %squeeze3A_1906, %add3A_1907 : i32
      %get3A_1909 = arith.constant 13 : i32
      %get3A_1910 = arith.index_cast %get3A_1909 : i32 to index
      %get3A_1911 = arith.index_cast %add3A_1908 : i32 to index
      %get3A_1912 = tpu.vector_load %arg13[%get3A_1910, %get3A_1911] {strides = array<i32>} : memref<16x128xf32, #tpu.memory_space<vmem>>, vector<16xf32>,
      %slice3A_1913 = vector.extract_strided_slice %mul3A_49 {offsets = [13], sizes = [1], strides = [1]} : vector<16xi32> to vector<1xi32>
      %squeeze3A_1914 = vector.extract %slice3A_1913[0] : i32 from vector<1xi32>
      %add3A_1915 = arith.constant 16 : i32
      %add3A_1916 = arith.addi %squeeze3A_1914, %add3A_1915 : i32
      %get3A_1917 = arith.constant 13 : i32
      %get3A_1918 = arith.index_cast %get3A_1917 : i32 to index
      %get3A_1919 = arith.index_cast %add3A_1916 : i32 to index
      %get3A_1920 = tpu.vector_load %arg14[%get3A_1918, %get3A_1919] {strides = array<i32>} : memref<16x128xf32, #tpu.memory_space<vmem>>, vector<16xf32>,
      %mul3A_1921 = arith.mulf %get3A_1912, %get3A_1920 : vector<16xf32>
      %add3A_1922 = arith.addf %add3A_1904, %mul3A_1921 : vector<16xf32>
      %slice3A_1923 = vector.extract_strided_slice %mul3A_43 {offsets = [13], sizes = [1], strides = [1]} : vector<16xi32> to vector<1xi32>
      %squeeze3A_1924 = vector.extract %slice3A_1923[0] : i32 from vector<1xi32>
      %add3A_1925 = arith.constant 32 : i32
      %add3A_1926 = arith.addi %squeeze3A_1924, %add3A_1925 : i32
      %get3A_1927 = arith.constant 13 : i32
      %get3A_1928 = arith.index_cast %get3A_1927 : i32 to index
      %get3A_1929 = arith.index_cast %add3A_1926 : i32 to index
      %get3A_1930 = tpu.vector_load %arg13[%get3A_1928, %get3A_1929] {strides = array<i32>} : memref<16x128xf32, #tpu.memory_space<vmem>>, vector<16xf32>,
      %slice3A_1931 = vector.extract_strided_slice %mul3A_49 {offsets = [13], sizes = [1], strides = [1]} : vector<16xi32> to vector<1xi32>
      %squeeze3A_1932 = vector.extract %slice3A_1931[0] : i32 from vector<1xi32>
      %add3A_1933 = arith.constant 32 : i32
      %add3A_1934 = arith.addi %squeeze3A_1932, %add3A_1933 : i32
      %get3A_1935 = arith.constant 13 : i32
      %get3A_1936 = arith.index_cast %get3A_1935 : i32 to index
      %get3A_1937 = arith.index_cast %add3A_1934 : i32 to index
      %get3A_1938 = tpu.vector_load %arg14[%get3A_1936, %get3A_1937] {strides = array<i32>} : memref<16x128xf32, #tpu.memory_space<vmem>>, vector<16xf32>,
      %mul3A_1939 = arith.mulf %get3A_1930, %get3A_1938 : vector<16xf32>
      %add3A_1940 = arith.addf %add3A_1922, %mul3A_1939 : vector<16xf32>
      %slice3A_1941 = vector.extract_strided_slice %mul3A_43 {offsets = [13], sizes = [1], strides = [1]} : vector<16xi32> to vector<1xi32>
      %squeeze3A_1942 = vector.extract %slice3A_1941[0] : i32 from vector<1xi32>
      %add3A_1943 = arith.constant 48 : i32
      %add3A_1944 = arith.addi %squeeze3A_1942, %add3A_1943 : i32
      %get3A_1945 = arith.constant 13 : i32
      %get3A_1946 = arith.index_cast %get3A_1945 : i32 to index
      %get3A_1947 = arith.index_cast %add3A_1944 : i32 to index
      %get3A_1948 = tpu.vector_load %arg13[%get3A_1946, %get3A_1947] {strides = array<i32>} : memref<16x128xf32, #tpu.memory_space<vmem>>, vector<16xf32>,
      %slice3A_1949 = vector.extract_strided_slice %mul3A_49 {offsets = [13], sizes = [1], strides = [1]} : vector<16xi32> to vector<1xi32>
      %squeeze3A_1950 = vector.extract %slice3A_1949[0] : i32 from vector<1xi32>
      %add3A_1951 = arith.constant 48 : i32
      %add3A_1952 = arith.addi %squeeze3A_1950, %add3A_1951 : i32
      %get3A_1953 = arith.constant 13 : i32
      %get3A_1954 = arith.index_cast %get3A_1953 : i32 to index
      %get3A_1955 = arith.index_cast %add3A_1952 : i32 to index
      %get3A_1956 = tpu.vector_load %arg14[%get3A_1954, %get3A_1955] {strides = array<i32>} : memref<16x128xf32, #tpu.memory_space<vmem>>, vector<16xf32>,
      %mul3A_1957 = arith.mulf %get3A_1948, %get3A_1956 : vector<16xf32>
      %add3A_1958 = arith.addf %add3A_1940, %mul3A_1957 : vector<16xf32>
      %cumsum3A_1959 = arith.constant true
      %cumsum3A_1960 = vector.broadcast %cumsum3A_1959 : i1 to vector<16xi1>
      %cumsum3A_1961 = tpu.scan <sum>, %add3A_1958 masked %cumsum3A_1960 : vector<16xf32>, vector<16xi1> -> vector<16xf32>
      %slice3A_1962 = vector.extract_strided_slice %get3A_753 {offsets = [13], sizes = [1], strides = [1]} : vector<16xf32> to vector<1xf32>
      %squeeze3A_1963 = vector.extract %slice3A_1962[0] : f32 from vector<1xf32>
      %sub3A_1964 = vector.broadcast %squeeze3A_1963 : f32 to vector<16xf32>
      %sub3A_1965 = arith.subf %cumsum3A_1961, %sub3A_1964 : vector<16xf32>
      %mul3A_1966 = arith.mulf %sub3A_1965, %sub3A_1965 : vector<16xf32>
      %slice3A_1967 = vector.extract_strided_slice %get3A_755 {offsets = [13], sizes = [1], strides = [1]} : vector<16xf32> to vector<1xf32>
      %squeeze3A_1968 = vector.extract %slice3A_1967[0] : f32 from vector<1xf32>
      %mul3A_1969 = vector.broadcast %squeeze3A_1968 : f32 to vector<16xf32>
      %mul3A_1970 = arith.mulf %mul3A_1966, %mul3A_1969 : vector<16xf32>
      %add3A_1971 = arith.addf %add3A_1884, %mul3A_1970 : vector<16xf32>
      %broadcast_in_dim3A_1972 = arith.constant 0.000000e+00 : f32
      %broadcast_in_dim3A_1973 = vector.broadcast %broadcast_in_dim3A_1972 : f32 to vector<16xf32>
      %slice3A_1974 = vector.extract_strided_slice %mul3A_43 {offsets = [14], sizes = [1], strides = [1]} : vector<16xi32> to vector<1xi32>
      %squeeze3A_1975 = vector.extract %slice3A_1974[0] : i32 from vector<1xi32>
      %add3A_1976 = arith.constant 0 : i32
      %add3A_1977 = arith.addi %squeeze3A_1975, %add3A_1976 : i32
      %get3A_1978 = arith.constant 14 : i32
      %get3A_1979 = arith.index_cast %get3A_1978 : i32 to index
      %get3A_1980 = arith.index_cast %add3A_1977 : i32 to index
      %get3A_1981 = tpu.vector_load %arg13[%get3A_1979, %get3A_1980] {strides = array<i32>} : memref<16x128xf32, #tpu.memory_space<vmem>>, vector<16xf32>,
      %slice3A_1982 = vector.extract_strided_slice %mul3A_49 {offsets = [14], sizes = [1], strides = [1]} : vector<16xi32> to vector<1xi32>
      %squeeze3A_1983 = vector.extract %slice3A_1982[0] : i32 from vector<1xi32>
      %add3A_1984 = arith.constant 0 : i32
      %add3A_1985 = arith.addi %squeeze3A_1983, %add3A_1984 : i32
      %get3A_1986 = arith.constant 14 : i32
      %get3A_1987 = arith.index_cast %get3A_1986 : i32 to index
      %get3A_1988 = arith.index_cast %add3A_1985 : i32 to index
      %get3A_1989 = tpu.vector_load %arg14[%get3A_1987, %get3A_1988] {strides = array<i32>} : memref<16x128xf32, #tpu.memory_space<vmem>>, vector<16xf32>,
      %mul3A_1990 = arith.mulf %get3A_1981, %get3A_1989 : vector<16xf32>
      %add3A_1991 = arith.addf %broadcast_in_dim3A_1973, %mul3A_1990 : vector<16xf32>
      %slice3A_1992 = vector.extract_strided_slice %mul3A_43 {offsets = [14], sizes = [1], strides = [1]} : vector<16xi32> to vector<1xi32>
      %squeeze3A_1993 = vector.extract %slice3A_1992[0] : i32 from vector<1xi32>
      %add3A_1994 = arith.constant 16 : i32
      %add3A_1995 = arith.addi %squeeze3A_1993, %add3A_1994 : i32
      %get3A_1996 = arith.constant 14 : i32
      %get3A_1997 = arith.index_cast %get3A_1996 : i32 to index
      %get3A_1998 = arith.index_cast %add3A_1995 : i32 to index
      %get3A_1999 = tpu.vector_load %arg13[%get3A_1997, %get3A_1998] {strides = array<i32>} : memref<16x128xf32, #tpu.memory_space<vmem>>, vector<16xf32>,
      %slice3A_2000 = vector.extract_strided_slice %mul3A_49 {offsets = [14], sizes = [1], strides = [1]} : vector<16xi32> to vector<1xi32>
      %squeeze3A_2001 = vector.extract %slice3A_2000[0] : i32 from vector<1xi32>
      %add3A_2002 = arith.constant 16 : i32
      %add3A_2003 = arith.addi %squeeze3A_2001, %add3A_2002 : i32
      %get3A_2004 = arith.constant 14 : i32
      %get3A_2005 = arith.index_cast %get3A_2004 : i32 to index
      %get3A_2006 = arith.index_cast %add3A_2003 : i32 to index
      %get3A_2007 = tpu.vector_load %arg14[%get3A_2005, %get3A_2006] {strides = array<i32>} : memref<16x128xf32, #tpu.memory_space<vmem>>, vector<16xf32>,
      %mul3A_2008 = arith.mulf %get3A_1999, %get3A_2007 : vector<16xf32>
      %add3A_2009 = arith.addf %add3A_1991, %mul3A_2008 : vector<16xf32>
      %slice3A_2010 = vector.extract_strided_slice %mul3A_43 {offsets = [14], sizes = [1], strides = [1]} : vector<16xi32> to vector<1xi32>
      %squeeze3A_2011 = vector.extract %slice3A_2010[0] : i32 from vector<1xi32>
      %add3A_2012 = arith.constant 32 : i32
      %add3A_2013 = arith.addi %squeeze3A_2011, %add3A_2012 : i32
      %get3A_2014 = arith.constant 14 : i32
      %get3A_2015 = arith.index_cast %get3A_2014 : i32 to index
      %get3A_2016 = arith.index_cast %add3A_2013 : i32 to index
      %get3A_2017 = tpu.vector_load %arg13[%get3A_2015, %get3A_2016] {strides = array<i32>} : memref<16x128xf32, #tpu.memory_space<vmem>>, vector<16xf32>,
      %slice3A_2018 = vector.extract_strided_slice %mul3A_49 {offsets = [14], sizes = [1], strides = [1]} : vector<16xi32> to vector<1xi32>
      %squeeze3A_2019 = vector.extract %slice3A_2018[0] : i32 from vector<1xi32>
      %add3A_2020 = arith.constant 32 : i32
      %add3A_2021 = arith.addi %squeeze3A_2019, %add3A_2020 : i32
      %get3A_2022 = arith.constant 14 : i32
      %get3A_2023 = arith.index_cast %get3A_2022 : i32 to index
      %get3A_2024 = arith.index_cast %add3A_2021 : i32 to index
      %get3A_2025 = tpu.vector_load %arg14[%get3A_2023, %get3A_2024] {strides = array<i32>} : memref<16x128xf32, #tpu.memory_space<vmem>>, vector<16xf32>,
      %mul3A_2026 = arith.mulf %get3A_2017, %get3A_2025 : vector<16xf32>
      %add3A_2027 = arith.addf %add3A_2009, %mul3A_2026 : vector<16xf32>
      %slice3A_2028 = vector.extract_strided_slice %mul3A_43 {offsets = [14], sizes = [1], strides = [1]} : vector<16xi32> to vector<1xi32>
      %squeeze3A_2029 = vector.extract %slice3A_2028[0] : i32 from vector<1xi32>
      %add3A_2030 = arith.constant 48 : i32
      %add3A_2031 = arith.addi %squeeze3A_2029, %add3A_2030 : i32
      %get3A_2032 = arith.constant 14 : i32
      %get3A_2033 = arith.index_cast %get3A_2032 : i32 to index
      %get3A_2034 = arith.index_cast %add3A_2031 : i32 to index
      %get3A_2035 = tpu.vector_load %arg13[%get3A_2033, %get3A_2034] {strides = array<i32>} : memref<16x128xf32, #tpu.memory_space<vmem>>, vector<16xf32>,
      %slice3A_2036 = vector.extract_strided_slice %mul3A_49 {offsets = [14], sizes = [1], strides = [1]} : vector<16xi32> to vector<1xi32>
      %squeeze3A_2037 = vector.extract %slice3A_2036[0] : i32 from vector<1xi32>
      %add3A_2038 = arith.constant 48 : i32
      %add3A_2039 = arith.addi %squeeze3A_2037, %add3A_2038 : i32
      %get3A_2040 = arith.constant 14 : i32
      %get3A_2041 = arith.index_cast %get3A_2040 : i32 to index
      %get3A_2042 = arith.index_cast %add3A_2039 : i32 to index
      %get3A_2043 = tpu.vector_load %arg14[%get3A_2041, %get3A_2042] {strides = array<i32>} : memref<16x128xf32, #tpu.memory_space<vmem>>, vector<16xf32>,
      %mul3A_2044 = arith.mulf %get3A_2035, %get3A_2043 : vector<16xf32>
      %add3A_2045 = arith.addf %add3A_2027, %mul3A_2044 : vector<16xf32>
      %cumsum3A_2046 = arith.constant true
      %cumsum3A_2047 = vector.broadcast %cumsum3A_2046 : i1 to vector<16xi1>
      %cumsum3A_2048 = tpu.scan <sum>, %add3A_2045 masked %cumsum3A_2047 : vector<16xf32>, vector<16xi1> -> vector<16xf32>
      %slice3A_2049 = vector.extract_strided_slice %get3A_753 {offsets = [14], sizes = [1], strides = [1]} : vector<16xf32> to vector<1xf32>
      %squeeze3A_2050 = vector.extract %slice3A_2049[0] : f32 from vector<1xf32>
      %sub3A_2051 = vector.broadcast %squeeze3A_2050 : f32 to vector<16xf32>
      %sub3A_2052 = arith.subf %cumsum3A_2048, %sub3A_2051 : vector<16xf32>
      %mul3A_2053 = arith.mulf %sub3A_2052, %sub3A_2052 : vector<16xf32>
      %slice3A_2054 = vector.extract_strided_slice %get3A_755 {offsets = [14], sizes = [1], strides = [1]} : vector<16xf32> to vector<1xf32>
      %squeeze3A_2055 = vector.extract %slice3A_2054[0] : f32 from vector<1xf32>
      %mul3A_2056 = vector.broadcast %squeeze3A_2055 : f32 to vector<16xf32>
      %mul3A_2057 = arith.mulf %mul3A_2053, %mul3A_2056 : vector<16xf32>
      %add3A_2058 = arith.addf %add3A_1971, %mul3A_2057 : vector<16xf32>
      %broadcast_in_dim3A_2059 = arith.constant 0.000000e+00 : f32
      %broadcast_in_dim3A_2060 = vector.broadcast %broadcast_in_dim3A_2059 : f32 to vector<16xf32>
      %slice3A_2061 = vector.extract_strided_slice %mul3A_43 {offsets = [15], sizes = [1], strides = [1]} : vector<16xi32> to vector<1xi32>
      %squeeze3A_2062 = vector.extract %slice3A_2061[0] : i32 from vector<1xi32>
      %add3A_2063 = arith.constant 0 : i32
      %add3A_2064 = arith.addi %squeeze3A_2062, %add3A_2063 : i32
      %get3A_2065 = arith.constant 15 : i32
      %get3A_2066 = arith.index_cast %get3A_2065 : i32 to index
      %get3A_2067 = arith.index_cast %add3A_2064 : i32 to index
      %get3A_2068 = tpu.vector_load %arg13[%get3A_2066, %get3A_2067] {strides = array<i32>} : memref<16x128xf32, #tpu.memory_space<vmem>>, vector<16xf32>,
      %slice3A_2069 = vector.extract_strided_slice %mul3A_49 {offsets = [15], sizes = [1], strides = [1]} : vector<16xi32> to vector<1xi32>
      %squeeze3A_2070 = vector.extract %slice3A_2069[0] : i32 from vector<1xi32>
      %add3A_2071 = arith.constant 0 : i32
      %add3A_2072 = arith.addi %squeeze3A_2070, %add3A_2071 : i32
      %get3A_2073 = arith.constant 15 : i32
      %get3A_2074 = arith.index_cast %get3A_2073 : i32 to index
      %get3A_2075 = arith.index_cast %add3A_2072 : i32 to index
      %get3A_2076 = tpu.vector_load %arg14[%get3A_2074, %get3A_2075] {strides = array<i32>} : memref<16x128xf32, #tpu.memory_space<vmem>>, vector<16xf32>,
      %mul3A_2077 = arith.mulf %get3A_2068, %get3A_2076 : vector<16xf32>
      %add3A_2078 = arith.addf %broadcast_in_dim3A_2060, %mul3A_2077 : vector<16xf32>
      %slice3A_2079 = vector.extract_strided_slice %mul3A_43 {offsets = [15], sizes = [1], strides = [1]} : vector<16xi32> to vector<1xi32>
      %squeeze3A_2080 = vector.extract %slice3A_2079[0] : i32 from vector<1xi32>
      %add3A_2081 = arith.constant 16 : i32
      %add3A_2082 = arith.addi %squeeze3A_2080, %add3A_2081 : i32
      %get3A_2083 = arith.constant 15 : i32
      %get3A_2084 = arith.index_cast %get3A_2083 : i32 to index
      %get3A_2085 = arith.index_cast %add3A_2082 : i32 to index
      %get3A_2086 = tpu.vector_load %arg13[%get3A_2084, %get3A_2085] {strides = array<i32>} : memref<16x128xf32, #tpu.memory_space<vmem>>, vector<16xf32>,
      %slice3A_2087 = vector.extract_strided_slice %mul3A_49 {offsets = [15], sizes = [1], strides = [1]} : vector<16xi32> to vector<1xi32>
      %squeeze3A_2088 = vector.extract %slice3A_2087[0] : i32 from vector<1xi32>
      %add3A_2089 = arith.constant 16 : i32
      %add3A_2090 = arith.addi %squeeze3A_2088, %add3A_2089 : i32
      %get3A_2091 = arith.constant 15 : i32
      %get3A_2092 = arith.index_cast %get3A_2091 : i32 to index
      %get3A_2093 = arith.index_cast %add3A_2090 : i32 to index
      %get3A_2094 = tpu.vector_load %arg14[%get3A_2092, %get3A_2093] {strides = array<i32>} : memref<16x128xf32, #tpu.memory_space<vmem>>, vector<16xf32>,
      %mul3A_2095 = arith.mulf %get3A_2086, %get3A_2094 : vector<16xf32>
      %add3A_2096 = arith.addf %add3A_2078, %mul3A_2095 : vector<16xf32>
      %slice3A_2097 = vector.extract_strided_slice %mul3A_43 {offsets = [15], sizes = [1], strides = [1]} : vector<16xi32> to vector<1xi32>
      %squeeze3A_2098 = vector.extract %slice3A_2097[0] : i32 from vector<1xi32>
      %add3A_2099 = arith.constant 32 : i32
      %add3A_2100 = arith.addi %squeeze3A_2098, %add3A_2099 : i32
      %get3A_2101 = arith.constant 15 : i32
      %get3A_2102 = arith.index_cast %get3A_2101 : i32 to index
      %get3A_2103 = arith.index_cast %add3A_2100 : i32 to index
      %get3A_2104 = tpu.vector_load %arg13[%get3A_2102, %get3A_2103] {strides = array<i32>} : memref<16x128xf32, #tpu.memory_space<vmem>>, vector<16xf32>,
      %slice3A_2105 = vector.extract_strided_slice %mul3A_49 {offsets = [15], sizes = [1], strides = [1]} : vector<16xi32> to vector<1xi32>
      %squeeze3A_2106 = vector.extract %slice3A_2105[0] : i32 from vector<1xi32>
      %add3A_2107 = arith.constant 32 : i32
      %add3A_2108 = arith.addi %squeeze3A_2106, %add3A_2107 : i32
      %get3A_2109 = arith.constant 15 : i32
      %get3A_2110 = arith.index_cast %get3A_2109 : i32 to index
      %get3A_2111 = arith.index_cast %add3A_2108 : i32 to index
      %get3A_2112 = tpu.vector_load %arg14[%get3A_2110, %get3A_2111] {strides = array<i32>} : memref<16x128xf32, #tpu.memory_space<vmem>>, vector<16xf32>,
      %mul3A_2113 = arith.mulf %get3A_2104, %get3A_2112 : vector<16xf32>
      %add3A_2114 = arith.addf %add3A_2096, %mul3A_2113 : vector<16xf32>
      %slice3A_2115 = vector.extract_strided_slice %mul3A_43 {offsets = [15], sizes = [1], strides = [1]} : vector<16xi32> to vector<1xi32>
      %squeeze3A_2116 = vector.extract %slice3A_2115[0] : i32 from vector<1xi32>
      %add3A_2117 = arith.constant 48 : i32
      %add3A_2118 = arith.addi %squeeze3A_2116, %add3A_2117 : i32
      %get3A_2119 = arith.constant 15 : i32
      %get3A_2120 = arith.index_cast %get3A_2119 : i32 to index
      %get3A_2121 = arith.index_cast %add3A_2118 : i32 to index
      %get3A_2122 = tpu.vector_load %arg13[%get3A_2120, %get3A_2121] {strides = array<i32>} : memref<16x128xf32, #tpu.memory_space<vmem>>, vector<16xf32>,
      %slice3A_2123 = vector.extract_strided_slice %mul3A_49 {offsets = [15], sizes = [1], strides = [1]} : vector<16xi32> to vector<1xi32>
      %squeeze3A_2124 = vector.extract %slice3A_2123[0] : i32 from vector<1xi32>
      %add3A_2125 = arith.constant 48 : i32
      %add3A_2126 = arith.addi %squeeze3A_2124, %add3A_2125 : i32
      %get3A_2127 = arith.constant 15 : i32
      %get3A_2128 = arith.index_cast %get3A_2127 : i32 to index
      %get3A_2129 = arith.index_cast %add3A_2126 : i32 to index
      %get3A_2130 = tpu.vector_load %arg14[%get3A_2128, %get3A_2129] {strides = array<i32>} : memref<16x128xf32, #tpu.memory_space<vmem>>, vector<16xf32>,
      %mul3A_2131 = arith.mulf %get3A_2122, %get3A_2130 : vector<16xf32>
      %add3A_2132 = arith.addf %add3A_2114, %mul3A_2131 : vector<16xf32>
      %cumsum3A_2133 = arith.constant true
      %cumsum3A_2134 = vector.broadcast %cumsum3A_2133 : i1 to vector<16xi1>
      %cumsum3A_2135 = tpu.scan <sum>, %add3A_2132 masked %cumsum3A_2134 : vector<16xf32>, vector<16xi1> -> vector<16xf32>
      %slice3A_2136 = vector.extract_strided_slice %get3A_753 {offsets = [15], sizes = [1], strides = [1]} : vector<16xf32> to vector<1xf32>
      %squeeze3A_2137 = vector.extract %slice3A_2136[0] : f32 from vector<1xf32>
      %sub3A_2138 = vector.broadcast %squeeze3A_2137 : f32 to vector<16xf32>
      %sub3A_2139 = arith.subf %cumsum3A_2135, %sub3A_2138 : vector<16xf32>
      %mul3A_2140 = arith.mulf %sub3A_2139, %sub3A_2139 : vector<16xf32>
      %slice3A_2141 = vector.extract_strided_slice %get3A_755 {offsets = [15], sizes = [1], strides = [1]} : vector<16xf32> to vector<1xf32>
      %squeeze3A_2142 = vector.extract %slice3A_2141[0] : f32 from vector<1xf32>
      %mul3A_2143 = vector.broadcast %squeeze3A_2142 : f32 to vector<16xf32>
      %mul3A_2144 = arith.mulf %mul3A_2140, %mul3A_2143 : vector<16xf32>
      %add3A_2145 = arith.addf %add3A_2058, %mul3A_2144 : vector<16xf32>
      scf.yield %add3A_2145 : vector<16xf32>
    }
    %scan3A_24 = arith.constant 32 : i32
    %jit3A = arith.constant 0.000000e+00 : f32
    %broadcast_in_dim3A_25 = vector.broadcast %jit3A : f32 to vector<16xf32>
    %select_n3A = arith.select %eq3A_18, %scan3A_23, %broadcast_in_dim3A_25 : vector<16xi1>, vector<16xf32>
    %swap3A = arith.constant 0 : index
    %swap3A_26 = tpu.vector_load %arg15[%swap3A] {strides = array<i32>} : memref<16xf32, #tpu.memory_space<vmem>>, vector<16xf32>,
    tpu.vector_store %arg15[%swap3A], %select_n3A {strides = array<i32>} : memref<16xf32, #tpu.memory_space<vmem>>, vector<16xf32>,
    "tpu.region"() ({
      %run_scoped3A = tpu.sem_alloc : memref<!tpu.dma_semaphore, #tpu.memory_space<semaphore_mem>>
      %dma_start3A_27 = arith.constant 0 : i32
      %dma_start3A_28 = tpu.memref_slice %arg8[%add3A, %dma_start3A_27] : memref<32x16xf32, #tpu.memory_space<hbm>> -> memref<1x16xf32, #tpu.memory_space<hbm>>
      %dma_start3A_29 = tpu.memref_squeeze %dma_start3A_28 : memref<1x16xf32, #tpu.memory_space<hbm>> -> memref<16xf32, #tpu.memory_space<hbm>>
      %dma_start3A_30 = arith.constant 0 : i32
      %dma_start3A_31 = tpu.memref_slice %arg8[%add3A, %dma_start3A_30] : memref<32x16xf32, #tpu.memory_space<hbm>> -> memref<1x16xf32, #tpu.memory_space<hbm>>
      %dma_start3A_32 = tpu.memref_squeeze %dma_start3A_31 : memref<1x16xf32, #tpu.memory_space<hbm>> -> memref<16xf32, #tpu.memory_space<hbm>>
      tpu.enqueue_dma source(%arg15 : memref<16xf32, #tpu.memory_space<vmem>>) target(%dma_start3A_32 : memref<16xf32, #tpu.memory_space<hbm>>) target_semaphore(%run_scoped3A : memref<!tpu.dma_semaphore, #tpu.memory_space<semaphore_mem>>)
      %dma_wait3A_33 = arith.constant 0 : i32
      %dma_wait3A_34 = tpu.memref_slice %arg8[%add3A, %dma_wait3A_33] : memref<32x16xf32, #tpu.memory_space<hbm>> -> memref<1x16xf32, #tpu.memory_space<hbm>>
      %dma_wait3A_35 = tpu.memref_squeeze %dma_wait3A_34 : memref<1x16xf32, #tpu.memory_space<hbm>> -> memref<16xf32, #tpu.memory_space<hbm>>
      %dma_wait3A_36 = arith.constant 0 : i32
      %dma_wait3A_37 = tpu.memref_slice %arg8[%add3A, %dma_wait3A_36] : memref<32x16xf32, #tpu.memory_space<hbm>> -> memref<1x16xf32, #tpu.memory_space<hbm>>
      %dma_wait3A_38 = tpu.memref_squeeze %dma_wait3A_37 : memref<1x16xf32, #tpu.memory_space<hbm>> -> memref<16xf32, #tpu.memory_space<hbm>>
      tpu.wait_dma2 semaphore(%run_scoped3A : memref<!tpu.dma_semaphore, #tpu.memory_space<semaphore_mem>>) src(%arg15 : memref<16xf32, #tpu.memory_space<vmem>>) dst(%dma_wait3A_38 : memref<16xf32, #tpu.memory_space<hbm>>)
      tpu.yield
    }) : () -> ()
    return
  }
}

</mosaic_0001>

<sc_bundles>
// kernel: kernel.3.cloned.1.call-start
scs
__scs_entry_jumppad:
0x0: {  	(pc) =	sbr.rel $0x88, $3  }
0x1: {  	(tag) =	ssettag $0x0;
	lr =	simm.s32 $0x1  }
0x2: {  	[smem:$0x3F9B] =	sst lr;
	_ =	strace $0xD0000000  }
0x3: {  	_ = 	snop  }
0x4: {  	_ = 	snop  }
0x5: {  	_ = 	snop  }
0x6: {  	_ = 	snop  }
0x7: {  	_ = 	snop  }
__scs_overlays_trampoline_lowered:
0x8: {  	[smem:$0x3FAA] =	sst s0  }
0x9: {  	[smem:$0x3FAB] =	sst s1  }
0xa: {  	[smem:$0x3FAC] =	sst s2  }
0xb: {  	[smem:$0x3FAD] =	sst s3  }
0xc: {  	[smem:$0x3FAE] =	sst s4  }
0xd: {  	[smem:$0x3FAF] =	sst s5  }
0xe: {  	[smem:$0x3FB0] =	sst s6  }
0xf: {  	[smem:$0x3FB1] =	sst s7  }
0x10: {  	[smem:$0x3FB2] =	sst s8  }
0x11: {  	[smem:$0x3FB3] =	sst s9;
	s0 =	simm.s32 @!p0 $0x0  }
0x12: {  	s1 =	sld [smem:$0x3F99];
	s0 =	simm.s32 @p0 $0x1  }
0x13: {  	[smem:$0x3FB4] =	sst s0;
	s0 =	simm.s32 @!p1 $0x0  }
0x14: {  	s2 =	sld [smem:$0x3F98];
	s0 =	simm.s32 @p1 $0x1  }
0x15: {  	[smem:$0x3FB5] =	sst s0;
	s0 =	simm.s32 @!p2 $0x0  }
0x16: {  	s3 =	sld [smem:$0x3FDB];
	s0 =	simm.s32 @p2 $0x1  }
0x17: {  	s4 =	simm.s32 $0x1BF5;
	[smem:$0x3FB7] =	sst s0  }
0x18: {  	s0 =	sld [smem:$0x3F9A];
	_ =	swait.ge [sflag:s4], $0x0  }
0x19: {  	s7 =	sld [smem:$0x3F9B]  }
0x1a: {  	s8 =	sadd.s32 $0xFFFFE003, lr  }
0x1b: {  	s9 =	sadd.s32 $0xFFFFFEF7, lr;
	s5 =	simm.s32 $0xFFFFFFFF;
	p2 =	slt.u32 s8, $0xFFFFF086  }
0x1c: {  	p1 =	slt.u32 s9, $0xF7A;
	s5 =	simm.s32 @!p2 $0x0  }
0x1d: {  	s5 =	simm.s32 @p1 $0x1;
	p0 =	seq.s32 s7, s2  }
0x1e: {  	s7 =	smul.u32 @!p0 $0xF7A, s2;
	p2 =	seq.s32 @!p0 s5, $0x0  }
0x1f: {  	s9 =	smul.u32 $0xF7A, s1;
	s8 =	simm.s32 @!p0 $0x1BF5;
	p2 =	por !p2, p0  }
0x20: {  	[sflag:s8] =	ssyncset.s32 @!p0 $0xFFFFF086;
	s6 =	sadd.s32 @!p0 s3, s7;
	s7 =	simm.s32 @!p0 $0x108  }
0x21: {  	s3 =	sadd.s32 s3, s9;
	s6 =	sadd.s32 @!p0 $0x88, s6;
	s7 =	simm.s32 @p2 $0x1082  }
0x22: {  	[simem:s7], [sflag:s8] =	dma.local @!p0 [hbm:s6], $0xF7A  }
0x23: {  	s9 =	sor.u32 $0xD0000000, s2;
	s6 =	simm.s32 $0x108;
	_ =	swait.ge @!p0 [sflag:s8], $0x0  }
0x24: {  	s3 =	sadd.s32 $0x88, s3;
	s6 =	simm.s32 @!p1 $0x1082;
	[sflag:s4] =	ssyncset.s32 $0xFFFFF086  }
0x25: {  	[simem:s6], [sflag:s4] =	dma.local [hbm:s3], $0xF7A  }
0x26: {  	[smem:$0x3F9B] =	sst s1;
	(tag) =	ssettag s2;
	_ =	strace s9  }
0x27: {  	s1 =	sld [smem:$0x3FAB]  }
0x28: {  	s2 =	sld [smem:$0x3FAC]  }
0x29: {  	s4 =	sld [smem:$0x3FAE]  }
0x2a: {  	p0 =	seq.s32 s5, $0x0;
	s5 =	sld [smem:$0x3FAF]  }
0x2b: {  	s6 =	sld [smem:$0x3FB0]  }
0x2c: {  	s7 =	sld [smem:$0x3FB1]  }
0x2d: {  	s3 =	simm.s32 $0x108;
	s8 =	sld [smem:$0x3FB2]  }
0x2e: {  	s3 =	simm.s32 @!p0 $0x1082;
	s9 =	sld [smem:$0x3FB3]  }
0x2f: {  	lr =	sadd.s32 s0, s3;
	s0 =	sld [smem:$0x3FAA]  }
0x30: {  	s3 =	sld [smem:$0x3FAD]  }
0x31: {  	[smem:$0x3FB6] =	sst s10  }
0x32: {  	s10 =	sld [smem:$0x3FB4];
	_ =	sdelay $0x3  }
0x33: {  	p0 =	seq.s32 s10, $0x1;
	s10 =	sld [smem:$0x3FB6];
	_ =	sdelay $0x3  }
0x34: {  	[smem:$0x3FB6] =	sst s10  }
0x35: {  	s10 =	sld [smem:$0x3FB5];
	_ =	sdelay $0x3  }
0x36: {  	p1 =	seq.s32 s10, $0x1;
	s10 =	sld [smem:$0x3FB6];
	_ =	sdelay $0x3  }
0x37: {  	[smem:$0x3FB6] =	sst s10  }
0x38: {  	s10 =	sld [smem:$0x3FB7]  }
0x39: {  	_ = 	snop;
	(pc) =	sbr.ind lr, $3  }
0x3a: {  	_ = 	snop  }
0x3b: {  	_ = 	snop  }
0x3c: {  	p2 =	seq.s32 s10, $0x1;
	s10 =	sld [smem:$0x3FB6]  }
0x3d: {  	_ =	shalt  }
0x3e: {  	_ =	shalt  }
0x3f: {  	_ =	shalt  }
0x40: {  	_ =	shalt  }
0x41: {  	_ =	shalt  }
0x42: {  	_ =	shalt  }
0x43: {  	_ =	shalt  }
0x44: {  	_ =	shalt  }
0x45: {  	_ =	shalt  }
0x46: {  	_ =	shalt  }
0x47: {  	_ =	shalt  }
0x48: {  	_ =	shalt  }
0x49: {  	_ =	shalt  }
0x4a: {  	_ =	shalt  }
0x4b: {  	_ =	shalt  }
0x4c: {  	_ =	shalt  }
0x4d: {  	_ =	shalt  }
0x4e: {  	_ =	shalt  }
0x4f: {  	_ =	shalt  }
0x50: {  	_ =	shalt  }
0x51: {  	_ =	shalt  }
0x52: {  	_ =	shalt  }
0x53: {  	_ =	shalt  }
0x54: {  	_ =	shalt  }
0x55: {  	_ =	shalt  }
0x56: {  	_ =	shalt  }
0x57: {  	_ =	shalt  }
0x58: {  	_ =	shalt  }
0x59: {  	_ =	shalt  }
0x5a: {  	_ =	shalt  }
0x5b: {  	_ =	shalt  }
0x5c: {  	_ =	shalt  }
0x5d: {  	_ =	shalt  }
0x5e: {  	_ =	shalt  }
0x5f: {  	_ =	shalt  }
0x60: {  	_ =	shalt  }
0x61: {  	_ =	shalt  }
0x62: {  	_ =	shalt  }
0x63: {  	_ =	shalt  }
0x64: {  	_ =	shalt  }
0x65: {  	_ =	shalt  }
0x66: {  	_ =	shalt  }
0x67: {  	_ =	shalt  }
0x68: {  	_ =	shalt  }
0x69: {  	_ =	shalt  }
0x6a: {  	_ =	shalt  }
0x6b: {  	_ =	shalt  }
0x6c: {  	_ =	shalt  }
0x6d: {  	_ =	shalt  }
0x6e: {  	_ =	shalt  }
0x6f: {  	_ =	shalt  }
0x70: {  	_ =	shalt  }
0x71: {  	_ =	shalt  }
0x72: {  	_ =	shalt  }
0x73: {  	_ =	shalt  }
0x74: {  	_ =	shalt  }
0x75: {  	_ =	shalt  }
0x76: {  	_ =	shalt  }
0x77: {  	_ =	shalt  }
0x78: {  	_ =	shalt  }
0x79: {  	_ =	shalt  }
0x7a: {  	_ =	shalt  }
0x7b: {  	_ =	shalt  }
0x7c: {  	_ =	shalt  }
0x7d: {  	_ =	shalt  }
0x7e: {  	_ =	shalt  }
0x7f: {  	_ =	shalt  }
0x80: {  	_ =	shalt  }
0x81: {  	_ =	shalt  }
0x82: {  	_ =	shalt  }
0x83: {  	_ =	shalt  }
0x84: {  	_ =	shalt  }
0x85: {  	_ =	shalt  }
0x86: {  	_ =	shalt  }
0x87: {  	_ =	shalt  }
.Lfunc_end0:
.L_simem_size_0:
called_computation_lowered:
.L_overlay_start_0:
0x88: {  	s2 =	sld [smem:$0x3FD9]  }
0x89: {  	s3 =	sld [smem:$0x3FFE];
	_ =	sdelay $0x1  }
0x8a: {  	s1 =	srdreg.scid  }
0x8b: {  	s0 =	sand.u32 $0x1, s1  }
0x8c: {  	s17 =	sshll.u32 s0, $0xA;
	s2 =	sadd.s32 s3, s2  }
0x8d: {  	s2 =	sadd.s32 s2, s17  }
0x8e: {  	[smem:$0x3FC2] =	sst s2  }
0x8f: {  	_ = 	snop  }
0x90: {  	s2 =	sld [smem:$0x3FC9]  }
0x91: {  	s18 =	sld [smem:$0x3FC8]  }
0x92: {  	s4 =	sld [smem:$0x3FC7]  }
0x93: {  	s5 =	sld [smem:$0x3FC6];
	(tm) =	ssettm $0x1  }
0x94: {  	s6 =	sld [smem:$0x3FFB];
	_ =	sdelay $0x3  }
0x95: {  	_ =	strace s6  }
0x96: {  	s6 =	sld [smem:$0x3FFC];
	_ =	sdelay $0x3  }
0x97: {  	_ =	strace s6  }
0x98: {  	s6 =	sld [smem:$0x3FFD];
	_ =	sdelay $0x3  }
0x99: {  	_ =	strace s6  }
0x9a: {  	_ =	strace $0x8FFFFFFF  }
0x9b: {  	s19 =	sld [smem:$0x3FDB];
	_ =	sdelay $0x1  }
0x9c: {  	s7 =	simm.s32 $_scs_section_size  }
0x9d: {  	s8 =	simm.s32 $_size__tile_overlayer_lowered;
	s9 =	simm.s32 $_tile_overlayer_lowered  }
0x9e: {  	s22 =	simm.s32 $0x1BFF;
	s21 =	sshll.u32 s9, $0x1;
	s6 =	sadd.s32 s7, s19  }
0x9f: {  	s10 =	simm.s32 $0x0;
	s20 =	sshll.u32 s8, $0x1;
	s8 =	sadd.s32 s21, s6  }
0xa0: {  	[timem:s10], [sflag:s22] =	dma.local [hbm:s8], s20  }
0xa1: {  	_ =	swait.ge [sflag:s22], s20  }
0xa2: {  	s7 =	ssub.s32 $0x0, s20;
	[sflag:s22] =	ssyncset.done $0x0  }
0xa3: {  	[sflag:s22] =	ssyncadd.s32 s7;
	_ =	sdelay $0x1  }
0xa4: {  	s23 =	simm.s32 $0x1B8B  }
0xa5: {  	_ =	swait.ge [sflag:s23], $0x1  }
0xa6: {  	[sflag:s23] =	ssyncset.done $0x0  }
0xa7: {  	s25 =	simm.s32 $0x1B8E;
	s24 =	sld [smem:$0x3FFE];
	[sflag:s23] =	ssyncadd.s32 $0xFFFFFFFF  }
0xa8: {  	s26 =	simm.s32 $execute0_lowered;
	[smem:$0x3FD2] =	sst s25  }
0xa9: {  	s8 =	sshll.u32 s26, $0x1;
	_ =	strace $0x80000046;
	[dreg:$0x1] =	wrdreg $0xFFFFFFFF  }
0xaa: {  	s28 =	simm.s32 $_size_execute0_lowered;
	s6 =	sadd.s32 s6, s8;
	[dreg:$0x0] =	wrdreg $0x0  }
0xab: {  	s8 =	sshll.u32 s28, $0x1;
	[dreg:$0x2] =	wrdreg s6  }
0xac: {  	[dreg:$0x3] =	wrdreg s8  }
0xad: {  	[dreg:$0x4] =	wrdreg $0xC0  }
0xae: {  	_ =	task [dreg:s10], $0x5FFFF  }
0xaf: {  	[dreg:$0x1] =	wrdreg $0xFFFFFFFF  }
0xb0: {  	[dreg:$0x0] =	wrdreg $0x60  }
0xb1: {  	[dreg:$0x2] =	wrdreg s2  }
0xb2: {  	[dreg:$0x3] =	wrdreg s18  }
0xb3: {  	[dreg:$0x4] =	wrdreg s4  }
0xb4: {  	[dreg:$0x5] =	wrdreg s5  }
0xb5: {  	[dreg:$0x6] =	wrdreg s24  }
0xb6: {  	[dreg:$0x7] =	wrdreg $0x9  }
0xb7: {  	_ =	task.clear_ibuf [dreg:s10], $0x8FFFF;
	_ =	strace $0x90000046  }
0xb8: {  	s29 =	simm.s32 $0x9;
	_ =	strace $0x80000048  }
0xb9: {  	_ =	swait.ge [sflag:s29], $0x1  }
0xba: {  	[sflag:s29] =	ssyncadd.s32 $0xFFFFFFFF  }
0xbb: {  	_ =	strace $0x90000048  }
0xbc: {  	_ =	sfence  }
0xbd: {  	s30 =	sld [smem:$0x0];
	_ =	sdelay $0x2  }
0xbe: {  	s31 =	sshll.u32 s1, $0xD;
	s1 =	sshrl.u32 s1, $0x2  }
0xbf: {  	s3 =	sand.u32 $0x4000, s31;
	s1 =	sadd.s32 s1, s30  }
0xc0: {  	s0 =	sor.u32 s3, s0;
	s1 =	sshll.u32 s1, $0x11  }
0xc1: {  	s0 =	sor.u32 s1, s0  }
0xc2: {  	s0 =	sadd.s32 $0x8F2B, s0  }
0xc3: {  	[sflag:s0] =	ssyncadd.remote.s32 $0x1  }
0xc4: {  	_ =	sfence.sel $0xFFFF  }
0xc5: {  	[dreg:$0x0] =	wrdreg $0xFFFFFFFF;
	(pc) =	sbr.abs _section_cstart, $3  }
0xc6: {  	[dreg:$0x1] =	wrdreg $0xFFFFFFFF  }
0xc7: {  	_ =	task.clear_ibuf [dreg:s10], $0x2FFFF;
	_ =	strace $0x9FFFFFFF  }
0xc8: {  	(tm) =	ssettm $0x7FFFFFFF  }
0xc9: {  	_ =	shalt  }
tec
execute0_lowered:
.L_overlay_start_1:
0x0: {  	(tag) =	ssettag $0x1  }
0x1: {  	s5 =	rddreg [dreg:$0x0]  }
0x2: {  	s6 =	rddreg [dreg:$0x1]  }
0x3: {  	s7 =	rddreg [dreg:$0x2]  }
0x4: {  	s8 =	rddreg [dreg:$0x3]  }
0x5: {  	s9 =	rddreg [dreg:$0x4]  }
0x6: {  	s0 =	rddreg [dreg:$0x5];
	s1 =	simm.s32 $0x0  }
0x7: {  	s2 =	simm.s32 $0x800;
	[smem:$0x7FF] =	sst s1  }
0x8: {  	s28 =	simm.s32 $0x1000;
	_ =	strace $0x80000047;
	[dreg:$0x6] =	wrdreg s2  }
0x9: {  	s29 =	simm.s32 $0x880;
	[dreg:$0x7] =	wrdreg s28  }
0xa: {  	s30 =	simm.s32 $0x1080;
	[dreg:$0x8] =	wrdreg s29  }
0xb: {  	s31 =	simm.s32 $0x900;
	[dreg:$0x9] =	wrdreg s30  }
0xc: {  	s3 =	simm.s32 $0x1100;
	[dreg:$0xa] =	wrdreg s31  }
0xd: {  	s4 =	simm.s32 $0x980;
	[dreg:$0xb] =	wrdreg s3  }
0xe: {  	s10 =	simm.s32 $0x1180;
	[dreg:$0xc] =	wrdreg s4  }
0xf: {  	s11 =	simm.s32 $0xA00;
	[dreg:$0xd] =	wrdreg s10  }
0x10: {  	s12 =	simm.s32 $0x1200;
	[dreg:$0xe] =	wrdreg s11  }
0x11: {  	s13 =	simm.s32 $0xB00;
	[dreg:$0xf] =	wrdreg s12  }
0x12: {  	s14 =	simm.s32 $0xB80;
	[dreg:$0x12] =	wrdreg s13  }
0x13: {  	s15 =	simm.s32 $0x1380;
	[dreg:$0x14] =	wrdreg s14  }
0x14: {  	s16 =	simm.s32 $0xC00;
	[dreg:$0x15] =	wrdreg s15  }
0x15: {  	s17 =	simm.s32 $0x1400;
	[dreg:$0x16] =	wrdreg s16  }
0x16: {  	s18 =	simm.s32 $0xC80;
	[dreg:$0x17] =	wrdreg s17  }
0x17: {  	s20 =	simm.s32 $0x1480;
	[dreg:$0x18] =	wrdreg s18  }
0x18: {  	s21 =	simm.s32 $0xD00;
	[dreg:$0x19] =	wrdreg s20  }
0x19: {  	s22 =	simm.s32 $0x1500;
	[dreg:$0x1a] =	wrdreg s21  }
0x1a: {  	s23 =	simm.s32 $0xD80;
	[dreg:$0x1b] =	wrdreg s22  }
0x1b: {  	s24 =	simm.s32 $0x1580;
	[dreg:$0x1c] =	wrdreg s23  }
0x1c: {  	s25 =	simm.s32 $0xE00;
	[dreg:$0x1d] =	wrdreg s24  }
0x1d: {  	s26 =	simm.s32 $0x1600;
	[dreg:$0x1e] =	wrdreg s25  }
0x1e: {  	s3 =	simm.s32 $0xA80;
	s2 =	sadd.s32 $0xF42400, s9;
	[dreg:$0x1f] =	wrdreg s26  }
0x1f: {  	s4 =	simm.s32 $0x1280;
	s10 =	srdreg.scid;
	[dreg:$0x10] =	wrdreg s3  }
0x20: {  	s11 =	simm.s32 $0x1300;
	s28 =	simm.s32 $0xE80;
	[dreg:$0x11] =	wrdreg s4  }
0x21: {  	s29 =	simm.s32 $0x1680;
	s30 =	simm.s32 $0xF00;
	[dreg:$0x13] =	wrdreg s11  }
0x22: {  	s31 =	simm.s32 $0x1700;
	s14 =	simm.s32 $0xF80;
	[smem:$0x7F8] =	sst s28  }
0x23: {  	s16 =	simm.s32 $0x1780;
	s15 =	simm.s32 $0x2;
	[smem:$0x7F9] =	sst s29  }
0x24: {  	s17 =	simm.s32 $0x3;
	s18 =	simm.s32 $0x0;
	[smem:$0x7FA] =	sst s30  }
0x25: {  	s3 =	sadd.s32 $0x16E3600, s9;
	s4 =	stileid.u32;
	[smem:$0x7FB] =	sst s31  }
0x26: {  	s10 =	sand.u32 $0x1, s10;
	s11 =	simm.s32 $0x200;
	[smem:$0x7FC] =	sst s14  }
0x27: {  	s14 =	simm.s32 $0x1;
	s12 =	ssub.s32 $0x2, s10;
	s19 =	sshll.u32 s4, $0x1  }
0x28: {  	[smem:$0x7FD] =	sst s16;
	s13 =	sshrl.u32 s12, $0x1;
	s10 =	sor.u32 s10, s19  }
0x29: {  	s16 =	simm.s32 $0x1800;
	s12 =	ssub.s32 s12, s13;
	s13 =	sshll.u32 s10, $0x6  }
0x2a: {  	s10 =	sshll.u32 s10, $0x4;
	s5 =	sadd.s32 s5, s13;
	s6 =	sadd.s32 s6, s13  }
0x2b: {  	s7 =	sadd.s32 s7, s13;
	s8 =	sadd.s32 s8, s13;
	s9 =	sadd.s32 s9, s10  }
0x2c: {  	vm0 =	vmmov $0x7fff;
	s10 =	smax.u32 s12, $0x1;
	s12 =	simm.s32 $0x400;
	s13 =	simm.s32 $0x600  }
.LBB2_1:
0x2d: {  	[tilespmem:s1], [sflag:$0x1] =	stream.linear.gather [hbm4b:s5+s1], $0x200, $0x38;
	[tilespmem:$0x1880] =	vst v63  }
0x2e: {  	_ = 	snop  }
0x2f: {  	[tilespmem:s11], [sflag:$0x2] =	stream.linear.gather [hbm4b:s6+s1], $0x200, $0x38;
	[tilespmem:$0x1880] =	vst v63  }
0x30: {  	_ = 	snop  }
0x31: {  	[tilespmem:s12], [sflag:$0x1] =	stream.linear.gather [hbm4b:s7+s1], $0x200, $0x38;
	[tilespmem:$0x1880] =	vst v63  }
0x32: {  	_ = 	snop  }
0x33: {  	[tilespmem:s13], [sflag:$0x2] =	stream.linear.gather [hbm4b:s8+s1], $0x200, $0x38;
	[tilespmem:$0x1880] =	vst v63  }
0x34: {  	_ =	swait.ge [sflag:s14], $0x200  }
0x35: {  	[sflag:s14] =	ssyncset.done $0x0  }
0x36: {  	[sflag:s14] =	ssyncadd.s32 $0xFFFFFE00  }
0x37: {  	_ =	swait.ge [sflag:s15], $0x200  }
0x38: {  	[sflag:s15] =	ssyncset.done $0x0  }
0x39: {  	[sflag:s15] =	ssyncadd.s32 $0xFFFFFE00  }
0x3a: {  	_ =	swait.ge [sflag:s14], $0x200  }
0x3b: {  	[sflag:s14] =	ssyncset.done $0x0  }
0x3c: {  	[sflag:s14] =	ssyncadd.s32 $0xFFFFFE00  }
0x3d: {  	_ =	swait.ge [sflag:s15], $0x200  }
0x3e: {  	[sflag:s15] =	ssyncset.done $0x0  }
0x3f: {  	v22 =	vimm.f32 $0.0e+00;
	s19 =	simm.s32 $0x0;
	[sflag:s15] =	ssyncadd.s32 $0xFFFFFE00  }
.LBB2_2:
0x40: {  	s20 =	sshra.s32 s19, $0x2  }
0x41: {  	v2 =	vld [tilespmem:s20+$0x0];
	_ =	sdelay $0x1  }
0x42: {  	v1 =	vld [tilespmem:s20+$0x200];
	_ =	sdelay $0x2  }
0x43: {  	v3 =	vshrl.u32 v2, $0x1  }
0x44: {  	v4 =	vshll.u32 v3, $0x4  }
0x45: {  	v26 =	vshrl.u32 v1, $0x1;
	(v2sf) =	vpush v4, $0x0  }
0x46: {  	v3 =	vshll.u32 v26, $0x4  }
0x47: {  	(v2sf) =	vpush v3, $0x0;
	_ =	sdelay $0x1  }
0x48: {  	(v2sf) =	vpush v4, $0x1;
	_ =	sdelay $0x2  }
0x49: {  	(v2sf) =	vpush v3, $0x1;
	_ =	sdelay $0x7  }
0x4a: {  	s21 =	spop (v2sf);
	(v2sf) =	vpush v4, $0x2;
	_ =	sdelay $0x1  }
0x4b: {  	s23 =	spop (v2sf);
	(v2sf) =	vpush v3, $0x2;
	_ =	sdelay $0x1  }
0x4c: {  	s25 =	spop (v2sf);
	(v2sf) =	vpush v4, $0x3;
	_ =	sdelay $0x2  }
0x4d: {  	s28 =	spop (v2sf);
	(v2sf) =	vpush v3, $0x3;
	_ =	sdelay $0x4  }
0x4e: {  	s21 =	sand.u32 $0x1FFFFFF0, s21  }
0x4f: {  	s22 =	rddreg [dreg:$0x6];
	s21 =	sadd.s32 s2, s21  }
0x50: {  	[tilespmem:s22], [sflag:$0x1] =	stream.linear.gather [hbm4b:s21+s1], $0x80, $0x38;
	[tilespmem:$0x1880] =	vst v63  }
0x51: {  	s30 =	spop (v2sf);
	(v2sf) =	vpush v4, $0x4  }
0x52: {  	s21 =	sand.u32 $0x1FFFFFF0, s23  }
0x53: {  	s24 =	rddreg [dreg:$0x7];
	s21 =	sadd.s32 s3, s21;
	s23 =	spop (v2sf);
	(v2sf) =	vpush v3, $0x4  }
0x54: {  	[tilespmem:s24], [sflag:$0x2] =	stream.linear.gather [hbm4b:s21+s1], $0x80, $0x38;
	[tilespmem:$0x1880] =	vst v63  }
0x55: {  	s21 =	sand.u32 $0x1FFFFFF0, s25;
	s25 =	spop (v2sf);
	(v2sf) =	vpush v4, $0x5  }
0x56: {  	s26 =	rddreg [dreg:$0x8];
	s21 =	sadd.s32 s2, s21  }
0x57: {  	[tilespmem:s26], [sflag:$0x1] =	stream.linear.gather [hbm4b:s21+s1], $0x80, $0x38;
	[tilespmem:$0x1880] =	vst v63  }
0x58: {  	s21 =	sand.u32 $0x1FFFFFF0, s28;
	s28 =	spop (v2sf);
	(v2sf) =	vpush v3, $0x5;
	_ =	sdelay $0x1  }
0x59: {  	s29 =	rddreg [dreg:$0x9];
	s21 =	sadd.s32 s3, s21  }
0x5a: {  	[tilespmem:s29], [sflag:$0x2] =	stream.linear.gather [hbm4b:s21+s1], $0x80, $0x38;
	[tilespmem:$0x1880] =	vst v63  }
0x5b: {  	s21 =	sand.u32 $0x1FFFFFF0, s30  }
0x5c: {  	s31 =	rddreg [dreg:$0xa];
	s21 =	sadd.s32 s2, s21  }
0x5d: {  	[tilespmem:s31], [sflag:$0x1] =	stream.linear.gather [hbm4b:s21+s1], $0x80, $0x38;
	[tilespmem:$0x1880] =	vst v63  }
0x5e: {  	s21 =	sand.u32 $0x1FFFFFF0, s23  }
0x5f: {  	s24 =	rddreg [dreg:$0xb];
	s21 =	sadd.s32 s3, s21;
	s30 =	spop (v2sf);
	(v2sf) =	vpush v4, $0x6  }
0x60: {  	[tilespmem:s24], [sflag:$0x2] =	stream.linear.gather [hbm4b:s21+s1], $0x80, $0x38;
	[tilespmem:$0x1880] =	vst v63  }
0x61: {  	s23 =	spop (v2sf);
	(v2sf) =	vpush v3, $0x6  }
0x62: {  	s21 =	sand.u32 $0x1FFFFFF0, s25  }
0x63: {  	s26 =	rddreg [dreg:$0xc];
	s21 =	sadd.s32 s2, s21;
	s25 =	spop (v2sf);
	(v2sf) =	vpush v4, $0x7  }
0x64: {  	[tilespmem:s26], [sflag:$0x1] =	stream.linear.gather [hbm4b:s21+s1], $0x80, $0x38;
	[tilespmem:$0x1880] =	vst v63  }
0x65: {  	s21 =	sand.u32 $0x1FFFFFF0, s28  }
0x66: {  	s29 =	rddreg [dreg:$0xd];
	s21 =	sadd.s32 s3, s21;
	s28 =	spop (v2sf);
	(v2sf) =	vpush v3, $0x7  }
0x67: {  	[tilespmem:s29], [sflag:$0x2] =	stream.linear.gather [hbm4b:s21+s1], $0x80, $0x38;
	[tilespmem:$0x1880] =	vst v63  }
0x68: {  	s21 =	sand.u32 $0x1FFFFFF0, s30  }
0x69: {  	s31 =	rddreg [dreg:$0xe];
	s21 =	sadd.s32 s2, s21  }
0x6a: {  	[tilespmem:s31], [sflag:$0x1] =	stream.linear.gather [hbm4b:s21+s1], $0x80, $0x38;
	[tilespmem:$0x1880] =	vst v63  }
0x6b: {  	s21 =	sand.u32 $0x1FFFFFF0, s23  }
0x6c: {  	s24 =	rddreg [dreg:$0xf];
	s21 =	sadd.s32 s3, s21  }
0x6d: {  	[tilespmem:s24], [sflag:$0x2] =	stream.linear.gather [hbm4b:s21+s1], $0x80, $0x38;
	[tilespmem:$0x1880] =	vst v63  }
0x6e: {  	s30 =	spop (v2sf);
	(v2sf) =	vpush v4, $0x8  }
0x6f: {  	s21 =	sand.u32 $0x1FFFFFF0, s25  }
0x70: {  	s26 =	rddreg [dreg:$0x10];
	s21 =	sadd.s32 s2, s21;
	s23 =	spop (v2sf);
	(v2sf) =	vpush v3, $0x8  }
0x71: {  	[tilespmem:s26], [sflag:$0x1] =	stream.linear.gather [hbm4b:s21+s1], $0x80, $0x38;
	[tilespmem:$0x1880] =	vst v63  }
0x72: {  	s21 =	sand.u32 $0x1FFFFFF0, s28;
	s25 =	spop (v2sf);
	(v2sf) =	vpush v4, $0x9  }
0x73: {  	s29 =	rddreg [dreg:$0x11];
	s21 =	sadd.s32 s3, s21  }
0x74: {  	[tilespmem:s29], [sflag:$0x2] =	stream.linear.gather [hbm4b:s21+s1], $0x80, $0x38;
	[tilespmem:$0x1880] =	vst v63  }
0x75: {  	s28 =	spop (v2sf);
	(v2sf) =	vpush v3, $0x9  }
0x76: {  	s21 =	sand.u32 $0x1FFFFFF0, s30  }
0x77: {  	s31 =	rddreg [dreg:$0x12];
	s21 =	sadd.s32 s2, s21  }
0x78: {  	[tilespmem:s31], [sflag:$0x1] =	stream.linear.gather [hbm4b:s21+s1], $0x80, $0x38;
	[tilespmem:$0x1880] =	vst v63  }
0x79: {  	s21 =	sand.u32 $0x1FFFFFF0, s23  }
0x7a: {  	s24 =	rddreg [dreg:$0x13];
	s21 =	sadd.s32 s3, s21  }
0x7b: {  	[tilespmem:s24], [sflag:$0x2] =	stream.linear.gather [hbm4b:s21+s1], $0x80, $0x38;
	[tilespmem:$0x1880] =	vst v63  }
0x7c: {  	s21 =	sand.u32 $0x1FFFFFF0, s25  }
0x7d: {  	s26 =	rddreg [dreg:$0x14];
	s21 =	sadd.s32 s2, s21;
	s30 =	spop (v2sf);
	(v2sf) =	vpush v4, $0xA  }
0x7e: {  	[tilespmem:s26], [sflag:$0x1] =	stream.linear.gather [hbm4b:s21+s1], $0x80, $0x38;
	[tilespmem:$0x1880] =	vst v63  }
0x7f: {  	s23 =	spop (v2sf);
	(v2sf) =	vpush v3, $0xA  }
0x80: {  	s21 =	sand.u32 $0x1FFFFFF0, s28  }
0x81: {  	s29 =	rddreg [dreg:$0x15];
	s21 =	sadd.s32 s3, s21;
	s25 =	spop (v2sf);
	(v2sf) =	vpush v4, $0xB  }
0x82: {  	[tilespmem:s29], [sflag:$0x2] =	stream.linear.gather [hbm4b:s21+s1], $0x80, $0x38;
	[tilespmem:$0x1880] =	vst v63  }
0x83: {  	s21 =	sand.u32 $0x1FFFFFF0, s30  }
0x84: {  	s31 =	rddreg [dreg:$0x16];
	s21 =	sadd.s32 s2, s21;
	s28 =	spop (v2sf);
	(v2sf) =	vpush v3, $0xB  }
0x85: {  	[tilespmem:s31], [sflag:$0x1] =	stream.linear.gather [hbm4b:s21+s1], $0x80, $0x38;
	[tilespmem:$0x1880] =	vst v63  }
0x86: {  	s21 =	sand.u32 $0x1FFFFFF0, s23  }
0x87: {  	s24 =	rddreg [dreg:$0x17];
	s21 =	sadd.s32 s3, s21  }
0x88: {  	[tilespmem:s24], [sflag:$0x2] =	stream.linear.gather [hbm4b:s21+s1], $0x80, $0x38;
	[tilespmem:$0x1880] =	vst v63  }
0x89: {  	s21 =	sand.u32 $0x1FFFFFF0, s25  }
0x8a: {  	s26 =	rddreg [dreg:$0x18];
	s21 =	sadd.s32 s2, s21  }
0x8b: {  	[tilespmem:s26], [sflag:$0x1] =	stream.linear.gather [hbm4b:s21+s1], $0x80, $0x38;
	[tilespmem:$0x1880] =	vst v63  }
0x8c: {  	s30 =	spop (v2sf);
	(v2sf) =	vpush v4, $0xC  }
0x8d: {  	s21 =	sand.u32 $0x1FFFFFF0, s28  }
0x8e: {  	s29 =	rddreg [dreg:$0x19];
	s21 =	sadd.s32 s3, s21;
	s23 =	spop (v2sf);
	(v2sf) =	vpush v3, $0xC  }
0x8f: {  	[tilespmem:s29], [sflag:$0x2] =	stream.linear.gather [hbm4b:s21+s1], $0x80, $0x38;
	[tilespmem:$0x1880] =	vst v63  }
0x90: {  	s21 =	sand.u32 $0x1FFFFFF0, s30;
	s25 =	spop (v2sf);
	(v2sf) =	vpush v4, $0xD  }
0x91: {  	s31 =	rddreg [dreg:$0x1a];
	s21 =	sadd.s32 s2, s21  }
0x92: {  	[tilespmem:s31], [sflag:$0x1] =	stream.linear.gather [hbm4b:s21+s1], $0x80, $0x38;
	[tilespmem:$0x1880] =	vst v63  }
0x93: {  	s28 =	spop (v2sf);
	(v2sf) =	vpush v3, $0xD  }
0x94: {  	s21 =	sand.u32 $0x1FFFFFF0, s23  }
0x95: {  	s24 =	rddreg [dreg:$0x1b];
	s21 =	sadd.s32 s3, s21  }
0x96: {  	[tilespmem:s24], [sflag:$0x2] =	stream.linear.gather [hbm4b:s21+s1], $0x80, $0x38;
	[tilespmem:$0x1880] =	vst v63  }
0x97: {  	s21 =	sand.u32 $0x1FFFFFF0, s25  }
0x98: {  	s26 =	rddreg [dreg:$0x1c];
	s21 =	sadd.s32 s2, s21  }
0x99: {  	[tilespmem:s26], [sflag:$0x1] =	stream.linear.gather [hbm4b:s21+s1], $0x80, $0x38;
	[tilespmem:$0x1880] =	vst v63  }
0x9a: {  	s21 =	sand.u32 $0x1FFFFFF0, s28  }
0x9b: {  	s29 =	rddreg [dreg:$0x1d];
	s21 =	sadd.s32 s3, s21;
	s30 =	spop (v2sf);
	(v2sf) =	vpush v4, $0xE  }
0x9c: {  	[tilespmem:s29], [sflag:$0x2] =	stream.linear.gather [hbm4b:s21+s1], $0x80, $0x38;
	[tilespmem:$0x1880] =	vst v63  }
0x9d: {  	s23 =	spop (v2sf);
	(v2sf) =	vpush v3, $0xE  }
0x9e: {  	s21 =	sand.u32 $0x1FFFFFF0, s30  }
0x9f: {  	s31 =	rddreg [dreg:$0x1e];
	s21 =	sadd.s32 s2, s21;
	s25 =	spop (v2sf)  }
0xa0: {  	(v2sf) =	vpush v4, $0xF;
	[tilespmem:s31], [sflag:$0x1] =	stream.linear.gather [hbm4b:s21+s1], $0x80, $0x38;
	[tilespmem:$0x1880] =	vst v63  }
0xa1: {  	s24 =	rddreg [dreg:$0x1f];
	s21 =	sand.u32 $0x1FFFFFF0, s23  }
0xa2: {  	s26 =	sld [smem:$0x7F8];
	s28 =	spop (v2sf);
	s21 =	sadd.s32 s3, s21  }
0xa3: {  	(v2sf) =	vpush v3, $0xF;
	[tilespmem:s24], [sflag:$0x2] =	stream.linear.gather [hbm4b:s21+s1], $0x80, $0x38;
	[tilespmem:$0x1880] =	vst v63  }
0xa4: {  	s21 =	sand.u32 $0x1FFFFFF0, s25  }
0xa5: {  	s29 =	sld [smem:$0x7F9];
	s21 =	sadd.s32 s2, s21  }
0xa6: {  	[tilespmem:s26], [sflag:$0x1] =	stream.linear.gather [hbm4b:s21+s1], $0x80, $0x38;
	[tilespmem:$0x1880] =	vst v63  }
0xa7: {  	s21 =	sand.u32 $0x1FFFFFF0, s28  }
0xa8: {  	s21 =	sadd.s32 s3, s21  }
0xa9: {  	[tilespmem:s29], [sflag:$0x2] =	stream.linear.gather [hbm4b:s21+s1], $0x80, $0x38;
	[tilespmem:$0x1880] =	vst v63  }
0xaa: {  	s31 =	sld [smem:$0x7FA];
	s30 =	spop (v2sf)  }
0xab: {  	s21 =	sand.u32 $0x1FFFFFF0, s30  }
0xac: {  	s24 =	sld [smem:$0x7FB];
	s23 =	spop (v2sf);
	s21 =	sadd.s32 s2, s21  }
0xad: {  	[tilespmem:s31], [sflag:$0x1] =	stream.linear.gather [hbm4b:s21+s1], $0x80, $0x38;
	[tilespmem:$0x1880] =	vst v63  }
0xae: {  	s21 =	sand.u32 $0x1FFFFFF0, s23  }
0xaf: {  	s26 =	sld [smem:$0x7FC];
	s25 =	spop (v2sf);
	s21 =	sadd.s32 s3, s21  }
0xb0: {  	[tilespmem:s24], [sflag:$0x2] =	stream.linear.gather [hbm4b:s21+s1], $0x80, $0x38;
	[tilespmem:$0x1880] =	vst v63  }
0xb1: {  	s21 =	sand.u32 $0x1FFFFFF0, s25  }
0xb2: {  	s29 =	sld [smem:$0x7FD];
	s28 =	spop (v2sf);
	s21 =	sadd.s32 s2, s21  }
0xb3: {  	[tilespmem:s26], [sflag:$0x1] =	stream.linear.gather [hbm4b:s21+s1], $0x80, $0x38;
	[tilespmem:$0x1880] =	vst v63  }
0xb4: {  	s21 =	sand.u32 $0x1FFFFFF0, s28  }
0xb5: {  	s21 =	sadd.s32 s3, s21  }
0xb6: {  	[tilespmem:s29], [sflag:$0x2] =	stream.linear.gather [hbm4b:s21+s1], $0x80, $0x38;
	[tilespmem:$0x1880] =	vst v63  }
0xb7: {  	_ =	swait.ge [sflag:s14], $0x80  }
0xb8: {  	[sflag:s14] =	ssyncset.done $0x0  }
0xb9: {  	[sflag:s14] =	ssyncadd.s32 $0xFFFFFF80  }
0xba: {  	_ =	swait.ge [sflag:s15], $0x80  }
0xbb: {  	[sflag:s15] =	ssyncset.done $0x0  }
0xbc: {  	[sflag:s15] =	ssyncadd.s32 $0xFFFFFF80  }
0xbd: {  	_ =	swait.ge [sflag:s14], $0x80  }
0xbe: {  	[sflag:s14] =	ssyncset.done $0x0  }
0xbf: {  	[sflag:s14] =	ssyncadd.s32 $0xFFFFFF80  }
0xc0: {  	_ =	swait.ge [sflag:s15], $0x80  }
0xc1: {  	[sflag:s15] =	ssyncset.done $0x0  }
0xc2: {  	[sflag:s15] =	ssyncadd.s32 $0xFFFFFF80  }
0xc3: {  	_ =	swait.ge [sflag:s14], $0x80  }
0xc4: {  	[sflag:s14] =	ssyncset.done $0x0  }
0xc5: {  	[sflag:s14] =	ssyncadd.s32 $0xFFFFFF80  }
0xc6: {  	_ =	swait.ge [sflag:s15], $0x80  }
0xc7: {  	[sflag:s15] =	ssyncset.done $0x0  }
0xc8: {  	[sflag:s15] =	ssyncadd.s32 $0xFFFFFF80  }
0xc9: {  	_ =	swait.ge [sflag:s14], $0x80  }
0xca: {  	[sflag:s14] =	ssyncset.done $0x0  }
0xcb: {  	[sflag:s14] =	ssyncadd.s32 $0xFFFFFF80  }
0xcc: {  	_ =	swait.ge [sflag:s15], $0x80  }
0xcd: {  	[sflag:s15] =	ssyncset.done $0x0  }
0xce: {  	[sflag:s15] =	ssyncadd.s32 $0xFFFFFF80  }
0xcf: {  	_ =	swait.ge [sflag:s14], $0x80  }
0xd0: {  	[sflag:s14] =	ssyncset.done $0x0  }
0xd1: {  	[sflag:s14] =	ssyncadd.s32 $0xFFFFFF80  }
0xd2: {  	_ =	swait.ge [sflag:s15], $0x80  }
0xd3: {  	[sflag:s15] =	ssyncset.done $0x0  }
0xd4: {  	[sflag:s15] =	ssyncadd.s32 $0xFFFFFF80  }
0xd5: {  	_ =	swait.ge [sflag:s14], $0x80  }
0xd6: {  	[sflag:s14] =	ssyncset.done $0x0  }
0xd7: {  	[sflag:s14] =	ssyncadd.s32 $0xFFFFFF80  }
0xd8: {  	_ =	swait.ge [sflag:s15], $0x80  }
0xd9: {  	[sflag:s15] =	ssyncset.done $0x0  }
0xda: {  	[sflag:s15] =	ssyncadd.s32 $0xFFFFFF80  }
0xdb: {  	_ =	swait.ge [sflag:s14], $0x80  }
0xdc: {  	[sflag:s14] =	ssyncset.done $0x0  }
0xdd: {  	[sflag:s14] =	ssyncadd.s32 $0xFFFFFF80  }
0xde: {  	_ =	swait.ge [sflag:s15], $0x80  }
0xdf: {  	[sflag:s15] =	ssyncset.done $0x0  }
0xe0: {  	[sflag:s15] =	ssyncadd.s32 $0xFFFFFF80  }
0xe1: {  	_ =	swait.ge [sflag:s14], $0x80  }
0xe2: {  	[sflag:s14] =	ssyncset.done $0x0  }
0xe3: {  	[sflag:s14] =	ssyncadd.s32 $0xFFFFFF80  }
0xe4: {  	_ =	swait.ge [sflag:s15], $0x80  }
0xe5: {  	[sflag:s15] =	ssyncset.done $0x0  }
0xe6: {  	[sflag:s15] =	ssyncadd.s32 $0xFFFFFF80  }
0xe7: {  	_ =	swait.ge [sflag:s14], $0x80  }
0xe8: {  	[sflag:s14] =	ssyncset.done $0x0  }
0xe9: {  	[sflag:s14] =	ssyncadd.s32 $0xFFFFFF80  }
0xea: {  	_ =	swait.ge [sflag:s15], $0x80  }
0xeb: {  	[sflag:s15] =	ssyncset.done $0x0  }
0xec: {  	[sflag:s15] =	ssyncadd.s32 $0xFFFFFF80  }
0xed: {  	_ =	swait.ge [sflag:s14], $0x80  }
0xee: {  	[sflag:s14] =	ssyncset.done $0x0  }
0xef: {  	[sflag:s14] =	ssyncadd.s32 $0xFFFFFF80  }
0xf0: {  	_ =	swait.ge [sflag:s15], $0x80  }
0xf1: {  	[sflag:s15] =	ssyncset.done $0x0  }
0xf2: {  	[sflag:s15] =	ssyncadd.s32 $0xFFFFFF80  }
0xf3: {  	_ =	swait.ge [sflag:s14], $0x80  }
0xf4: {  	[sflag:s14] =	ssyncset.done $0x0  }
0xf5: {  	[sflag:s14] =	ssyncadd.s32 $0xFFFFFF80  }
0xf6: {  	_ =	swait.ge [sflag:s15], $0x80  }
0xf7: {  	[sflag:s15] =	ssyncset.done $0x0  }
0xf8: {  	[sflag:s15] =	ssyncadd.s32 $0xFFFFFF80  }
0xf9: {  	_ =	swait.ge [sflag:s14], $0x80  }
0xfa: {  	[sflag:s14] =	ssyncset.done $0x0  }
0xfb: {  	[sflag:s14] =	ssyncadd.s32 $0xFFFFFF80  }
0xfc: {  	_ =	swait.ge [sflag:s15], $0x80  }
0xfd: {  	[sflag:s15] =	ssyncset.done $0x0  }
0xfe: {  	[sflag:s15] =	ssyncadd.s32 $0xFFFFFF80  }
0xff: {  	_ =	swait.ge [sflag:s14], $0x80  }
0x100: {  	[sflag:s14] =	ssyncset.done $0x0  }
0x101: {  	[sflag:s14] =	ssyncadd.s32 $0xFFFFFF80  }
0x102: {  	_ =	swait.ge [sflag:s15], $0x80  }
0x103: {  	[sflag:s15] =	ssyncset.done $0x0  }
0x104: {  	[sflag:s15] =	ssyncadd.s32 $0xFFFFFF80  }
0x105: {  	_ =	swait.ge [sflag:s14], $0x80  }
0x106: {  	[sflag:s14] =	ssyncset.done $0x0  }
0x107: {  	[sflag:s14] =	ssyncadd.s32 $0xFFFFFF80  }
0x108: {  	_ =	swait.ge [sflag:s15], $0x80  }
0x109: {  	[sflag:s15] =	ssyncset.done $0x0  }
0x10a: {  	[sflag:s15] =	ssyncadd.s32 $0xFFFFFF80  }
0x10b: {  	_ =	swait.ge [sflag:s14], $0x80  }
0x10c: {  	[sflag:s14] =	ssyncset.done $0x0  }
0x10d: {  	[sflag:s14] =	ssyncadd.s32 $0xFFFFFF80  }
0x10e: {  	_ =	swait.ge [sflag:s15], $0x80  }
0x10f: {  	[sflag:s15] =	ssyncset.done $0x0  }
0x110: {  	[sflag:s15] =	ssyncadd.s32 $0xFFFFFF80  }
0x111: {  	_ =	swait.ge [sflag:s14], $0x80  }
0x112: {  	[sflag:s14] =	ssyncset.done $0x0  }
0x113: {  	v2 =	vshll.u32 v2, $0x6;
	[sflag:s14] =	ssyncadd.s32 $0xFFFFFF80  }
0x114: {  	v4 =	vand.u32 $0x40, v2;
	_ =	swait.ge [sflag:s15], $0x80  }
0x115: {  	(v2sf) =	vpush v4, $0x0;
	_ =	sdelay $0x1  }
0x116: {  	v1 =	vshll.u32 v1, $0x6  }
0x117: {  	v3 =	vand.u32 $0x40, v1  }
0x118: {  	(v2sf) =	vpush v3, $0x0;
	_ =	sdelay $0x3  }
0x119: {  	(v2sf) =	vpush v4, $0x1;
	_ =	sdelay $0x3  }
0x11a: {  	(v2sf) =	vpush v3, $0x1  }
0x11b: {  	[sflag:s15] =	ssyncset.done $0x0  }
0x11c: {  	[sflag:s15] =	ssyncadd.s32 $0xFFFFFF80  }
0x11d: {  	v2 =	vld [tilespmem:s20+$0x400];
	s30 =	spop (v2sf)  }
0x11e: {  	(v2sf) =	vpush v4, $0x2;
	v5 =	vld [tilespmem:s30+$0x800]  }
0x11f: {  	v9 =	vld [tilespmem:s30+$0x810]  }
0x120: {  	v11 =	vld [tilespmem:s30+$0x820]  }
0x121: {  	s31 =	spop (v2sf);
	v13 =	vld [tilespmem:s30+$0x830]  }
0x122: {  	(v2sf) =	vpush v3, $0x2;
	v6 =	vld [tilespmem:s31+$0x1000]  }
0x123: {  	v10 =	vld [tilespmem:s31+$0x1010]  }
0x124: {  	v12 =	vld [tilespmem:s31+$0x1020]  }
0x125: {  	v16 =	vld [tilespmem:s31+$0x1030];
	s21 =	spop (v2sf);
	(v2sf) =	vpush v4, $0x3  }
0x126: {  	v17 =	vld [tilespmem:s21+$0x880]  }
0x127: {  	v21 =	vld [tilespmem:s21+$0x890]  }
0x128: {  	v25 =	vld [tilespmem:s21+$0x8A0]  }
0x129: {  	s22 =	spop (v2sf);
	v31 =	vld [tilespmem:s21+$0x8B0]  }
0x12a: {  	(v2sf) =	vpush v3, $0x3;
	v18 =	vld [tilespmem:s22+$0x1080]  }
0x12b: {  	v23 =	vld [tilespmem:s22+$0x1090]  }
0x12c: {  	v28 =	vld [tilespmem:s22+$0x10A0]  }
0x12d: {  	v32 =	vld [tilespmem:s22+$0x10B0];
	s23 =	spop (v2sf)  }
0x12e: {  	(v2sf) =	vpush v4, $0x4;
	v33 =	vld [tilespmem:s23+$0x900]  }
0x12f: {  	v35 =	vld [tilespmem:s23+$0x910]  }
0x130: {  	v39 =	vld [tilespmem:s23+$0x920]  }
0x131: {  	s24 =	spop (v2sf);
	v41 =	vld [tilespmem:s23+$0x930]  }
0x132: {  	(v2sf) =	vpush v3, $0x4;
	v34 =	vld [tilespmem:s24+$0x1100]  }
0x133: {  	v38 =	vld [tilespmem:s24+$0x1110]  }
0x134: {  	v40 =	vld [tilespmem:s24+$0x1120];
	s25 =	spop (v2sf);
	(v2sf) =	vpush v4, $0x5  }
0x135: {  	v42 =	vld [tilespmem:s24+$0x1130]  }
0x136: {  	v43 =	vld [tilespmem:s25+$0x980]  }
0x137: {  	v45 =	vld [tilespmem:s25+$0x990]  }
0x138: {  	v47 =	vld [tilespmem:s25+$0x9A0]  }
0x139: {  	s26 =	spop (v2sf);
	v49 =	vld [tilespmem:s25+$0x9B0]  }
0x13a: {  	v5 =	vmul.f32 v6, v5;
	(v2sf) =	vpush v3, $0x5;
	v44 =	vld [tilespmem:s26+$0x1180]  }
0x13b: {  	v46 =	vld [tilespmem:s26+$0x1190]  }
0x13c: {  	v9 =	vmul.f32 v10, v9;
	v5 =	vadd.f32 $0.0e+00, v5;
	v48 =	vld [tilespmem:s26+$0x11A0]  }
0x13d: {  	v50 =	vld [tilespmem:s26+$0x11B0];
	s28 =	spop (v2sf)  }
0x13e: {  	v10 =	vmul.f32 v12, v11;
	v9 =	vadd.f32 v9, v5;
	v51 =	vld [tilespmem:s28+$0xA00]  }
0x13f: {  	(v2sf) =	vpush v4, $0x6;
	v53 =	vld [tilespmem:s28+$0xA10]  }
0x140: {  	v13 =	vmul.f32 v16, v13;
	v12 =	vmul.f32 v18, v17;
	v17 =	vadd.f32 v10, v9;
	v55 =	vld [tilespmem:s28+$0xA20]  }
0x141: {  	v16 =	vmul.f32 v23, v21;
	v21 =	vmul.f32 v34, v33;
	s29 =	spop (v2sf);
	(v2sf) =	vpush v3, $0x6;
	v57 =	vld [tilespmem:s28+$0xA30]  }
0x142: {  	v18 =	vadd.f32 $0.0e+00, v12;
	v17 =	vadd.f32 v13, v17;
	v23 =	vmul.f32 v38, v35;
	v52 =	vld [tilespmem:s29+$0x1200]  }
0x143: {  	v35 =	vadd.f32 $0.0e+00, v21;
	v38 =	vmul.f32 v44, v43;
	v54 =	vld [tilespmem:s29+$0x1210];
	s30 =	spop (v2sf);
	(v2sf) =	vpush v4, $0x7  }
0x144: {  	v16 =	vadd.f32 v16, v18;
	(xrf2) =	vadd.scan.msk.f32 $0xffff, v17;
	v34 =	vmul.f32 v28, v25;
	v40 =	vmul.f32 v40, v39;
	v56 =	vld [tilespmem:s29+$0x1220]  }
0x145: {  	v43 =	vmul.f32 v46, v45;
	v25 =	vadd.f32 v23, v35;
	v18 =	vadd.f32 $0.0e+00, v38;
	v58 =	vld [tilespmem:s29+$0x1230]  }
0x146: {  	v31 =	vmul.f32 v32, v31;
	v17 =	vadd.f32 v34, v16;
	v45 =	vmul.f32 v42, v41;
	v59 =	vld [tilespmem:s30+$0xA80]  }
0x147: {  	v46 =	vmul.f32 v48, v47;
	v32 =	vadd.f32 v40, v25;
	v18 =	vadd.f32 v43, v18;
	v61 =	vld [tilespmem:s30+$0xA90]  }
0x148: {  	v31 =	vadd.f32 v31, v17;
	v63 =	vld [tilespmem:s30+$0xAA0]  }
0x149: {  	v35 =	vadd.f32 v45, v32;
	v33 =	vadd.f32 v46, v18;
	s31 =	spop (v2sf);
	v15 =	vld [tilespmem:s30+$0xAB0]  }
0x14a: {  	(xrf2) =	vadd.scan.msk.f32 $0xffff, v31;
	(v2sf) =	vpush v3, $0x7;
	v60 =	vld [tilespmem:s31+$0x1280];
	v44 =	vmul.f32 v52, v51;
	v51 =	vmul.f32 v50, v49  }
0x14b: {  	(xrf2) =	vadd.scan.msk.f32 $0xffff, v35;
	v62 =	vld [tilespmem:s31+$0x1290]  }
0x14c: {  	v0 =	vld [tilespmem:s31+$0x12A0];
	v52 =	vmul.f32 v56, v55;
	v55 =	vadd.f32 v51, v33  }
0x14d: {  	v14 =	vld [tilespmem:s31+$0x12B0]  }
0x14e: {  	v1 =	vld [tilespmem:s20+$0x600];
	v48 =	vmul.f32 v54, v53;
	v56, _, _ =	vpop (xrf2);
	(xrf2) =	vadd.scan.msk.f32 $0xffff, v55;
	s21 =	spop (v2sf)  }
0x14f: {  	v54 =	vbroadcast v2, $0x0;
	v49 =	vbroadcast v2, $0x1;
	v47 =	vadd.f32 $0.0e+00, v44;
	v20 =	vld [tilespmem:s21+$0xB10]  }
0x150: {  	v53 =	vmul.f32 v60, v59;
	v59 =	vmul.f32 v58, v57;
	(v2sf) =	vpush v4, $0x8;
	s22 =	spop (v2sf);
	v36 =	vld [tilespmem:s21+$0xB20]  }
0x151: {  	v61 =	vmul.f32 v62, v61;
	v42 =	vsub.f32 v56, v54;
	v0 =	vmul.f32 v0, v63;
	v19 =	vld [tilespmem:s22+$0x1310]  }
0x152: {  	v14 =	vmul.f32 v14, v15;
	v31 =	vadd.f32 v48, v47;
	v60 =	vadd.f32 $0.0e+00, v53;
	v37 =	vld [tilespmem:s22+$0x1320];
	s23 =	spop (v2sf)  }
0x153: {  	v42 =	vmul.f32 v42, v42;
	v48 =	vbroadcast v1, $0x0;
	(v2sf) =	vpush v3, $0x8;
	v24 =	vld [tilespmem:s23+$0xB80]  }
0x154: {  	v50, _, _ =	vpop (xrf2);
	v54 =	vbroadcast v2, $0x2;
	v55 =	vbroadcast v1, $0x1;
	v31 =	vadd.f32 v52, v31;
	v8 =	vld [tilespmem:s21+$0xB00]  }
0x155: {  	v56, _, _ =	vpop (xrf2);
	v43 =	vadd.f32 v61, v60;
	v51 =	vmul.f32 v42, v48;
	v52 =	vsub.f32 v50, v49;
	v29 =	vld [tilespmem:s21+$0xB30]  }
0x156: {  	v60 =	vbroadcast v2, $0x3;
	v62 =	vadd.f32 v59, v31;
	v59 =	vsub.f32 v56, v54;
	v7 =	vld [tilespmem:s22+$0x1300]  }
0x157: {  	v15 =	vadd.f32 v51, v22;
	v30 =	vld [tilespmem:s22+$0x1330];
	v53 =	vmul.f32 v19, v20;
	v20 =	vmul.f32 v52, v52  }
0x158: {  	(v2sf) =	vpush v4, $0x9;
	v63 =	vmul.f32 v59, v59;
	v61, _, _ =	vpop (xrf2);
	v58 =	vmul.f32 v37, v36;
	[tilespmem:$0x1FFA0] =	vst v24;
	v24 =	vld [tilespmem:s23+$0xB90]  }
0x159: {  	s24 =	spop (v2sf);
	v27 =	vld [tilespmem:s23+$0xBB0];
	v52 =	vbroadcast v1, $0x2;
	v37 =	vsub.f32 v61, v60;
	v20 =	vmul.f32 v20, v55  }
0x15a: {  	v54 =	vbroadcast v1, $0x3;
	v26 =	vld [tilespmem:s24+$0x1380]  }
0x15b: {  	v6 =	vld [tilespmem:s24+$0x13B0];
	v37 =	vmul.f32 v37, v37;
	v15 =	vadd.f32 v20, v15;
	v20 =	vmul.f32 v63, v52  }
0x15c: {  	(v2sf) =	vpush v3, $0x9;
	v22 =	vld [tilespmem:$0x1FFA0]  }
0x15d: {  	v56 =	vmul.f32 v37, v54;
	[tilespmem:$0x1FFB0] =	vst v24;
	v24 =	vld [tilespmem:s24+$0x1390];
	v15 =	vadd.f32 v20, v15  }
0x15e: {  	[tilespmem:$0x1FFF0] =	vst v27;
	v60 =	vld [tilespmem:$0x1FFB0]  }
0x15f: {  	s25 =	spop (v2sf);
	v15 =	vadd.f32 v56, v15;
	v56 =	vld [tilespmem:$0x1FFF0]  }
0x160: {  	v5 =	vld [tilespmem:s25+$0xC10]  }
0x161: {  	v10 =	vld [tilespmem:s25+$0xC20]  }
0x162: {  	s26 =	spop (v2sf);
	v9 =	vld [tilespmem:s25+$0xC30]  }
0x163: {  	v27 =	vld [tilespmem:s26+$0x1400]  }
0x164: {  	v11 =	vld [tilespmem:s26+$0x1410]  }
0x165: {  	(v2sf) =	vpush v4, $0xA;
	v12 =	vld [tilespmem:s26+$0x1420]  }
0x166: {  	v13 =	vld [tilespmem:s26+$0x1430]  }
0x167: {  	s28 =	spop (v2sf);
	[tilespmem:$0x1FFC0] =	vst v24;
	v24 =	vld [tilespmem:s23+$0xBA0]  }
0x168: {  	v21 =	vld [tilespmem:s28+$0xC80]  }
0x169: {  	(xrf2) =	vadd.scan.msk.f32 $0xffff, v62;
	(v2sf) =	vpush v3, $0xA;
	v16 =	vld [tilespmem:s28+$0xC90]  }
0x16a: {  	v17 =	vld [tilespmem:s28+$0xCA0]  }
0x16b: {  	s29 =	spop (v2sf);
	v41 =	vld [tilespmem:s28+$0xCB0]  }
0x16c: {  	v28 =	vld [tilespmem:s29+$0x1480]  }
0x16d: {  	(v2sf) =	vpush v4, $0xB;
	v23 =	vld [tilespmem:s29+$0x1490]  }
0x16e: {  	v7 =	vmul.f32 v7, v8;
	[tilespmem:$0x1FFD0] =	vst v24;
	v24 =	vld [tilespmem:s24+$0x13A0]  }
0x16f: {  	v25 =	vld [tilespmem:s29+$0x14A0]  }
0x170: {  	v7 =	vadd.f32 $0.0e+00, v7;
	(v2sf) =	vpush v3, $0xB;
	v18 =	vld [tilespmem:s29+$0x14B0]  }
0x171: {  	v61 =	vld [tilespmem:$0x1FFC0]  }
0x172: {  	v57 =	vadd.f32 v53, v7;
	v53 =	vbroadcast v2, $0x4;
	v52 =	vld [tilespmem:$0x1FFD0]  }
0x173: {  	v55, _, _ =	vpop (xrf2);
	[tilespmem:$0x1FFE0] =	vst v24;
	v24 =	vld [tilespmem:s25+$0xC00]  }
0x174: {  	v46 =	vsub.f32 v55, v53;
	v53 =	vld [tilespmem:$0x1FFE0];
	s30 =	spop (v2sf)  }
0x175: {  	(v2sf) =	vpush v4, $0xC;
	v32 =	vld [tilespmem:s30+$0xD00]  }
0x176: {  	v33 =	vld [tilespmem:s30+$0xD10]  }
0x177: {  	v34 =	vld [tilespmem:s30+$0xD20]  }
0x178: {  	s31 =	spop (v2sf);
	v31 =	vld [tilespmem:s30+$0xD30]  }
0x179: {  	(v2sf) =	vpush v3, $0xC;
	v38 =	vld [tilespmem:s31+$0x1500]  }
0x17a: {  	v40 =	vld [tilespmem:s31+$0x1510]  }
0x17b: {  	v0 =	vadd.f32 v0, v43;
	v39 =	vld [tilespmem:s31+$0x1520]  }
0x17c: {  	v35 =	vld [tilespmem:s31+$0x1530];
	s21 =	spop (v2sf)  }
0x17d: {  	v0 =	vadd.f32 v14, v0;
	(v2sf) =	vpush v4, $0xD;
	v8 =	vld [tilespmem:s21+$0xD80]  }
0x17e: {  	v19 =	vld [tilespmem:s21+$0xD90]  }
0x17f: {  	(xrf2) =	vadd.scan.msk.f32 $0xffff, v0;
	s22 =	spop (v2sf);
	(v2sf) =	vpush v3, $0xD;
	v14 =	vld [tilespmem:s21+$0xDA0]  }
0x180: {  	v62 =	vmul.f32 v30, v29;
	v29 =	vld [tilespmem:s21+$0xDB0]  }
0x181: {  	v0 =	vadd.f32 v58, v57;
	v43 =	vld [tilespmem:s22+$0x1580]  }
0x182: {  	v44 =	vld [tilespmem:s22+$0x1590]  }
0x183: {  	v0 =	vadd.f32 v62, v0;
	v42 =	vld [tilespmem:s22+$0x15A0]  }
0x184: {  	v45 =	vld [tilespmem:s22+$0x15B0];
	s23 =	spop (v2sf)  }
0x185: {  	(xrf2) =	vadd.scan.msk.f32 $0xffff, v0;
	(v2sf) =	vpush v4, $0xE;
	v7 =	vld [tilespmem:s23+$0xE00]  }
0x186: {  	v0 =	vld [tilespmem:s23+$0xE10]  }
0x187: {  	v20 =	vbroadcast v1, $0x4;
	v22 =	vmul.f32 v26, v22;
	v26 =	vld [tilespmem:s23+$0xE20]  }
0x188: {  	v58 =	vbroadcast v2, $0x5;
	v57 =	vmul.f32 v46, v46;
	s24 =	spop (v2sf);
	v51 =	vld [tilespmem:s23+$0xE30]  }
0x189: {  	v59, _, _ =	vpop (xrf2);
	(v2sf) =	vpush v3, $0xE;
	v49 =	vld [tilespmem:s24+$0x1600]  }
0x18a: {  	v62 =	vsub.f32 v59, v58;
	v20 =	vmul.f32 v57, v20;
	v36 =	vld [tilespmem:s24+$0x1610]  }
0x18b: {  	v54 =	vbroadcast v1, $0x5;
	v55 =	vbroadcast v2, $0x6;
	v22 =	vadd.f32 $0.0e+00, v22;
	v47 =	vld [tilespmem:s24+$0x1620]  }
0x18c: {  	v63 =	vmul.f32 v62, v62;
	v62 =	vbroadcast v1, $0x6;
	v15 =	vadd.f32 v20, v15;
	v37 =	vld [tilespmem:s24+$0x1630];
	s25 =	spop (v2sf)  }
0x18d: {  	v6 =	vmul.f32 v6, v56;
	v50 =	vmul.f32 v61, v60;
	(v2sf) =	vpush v4, $0xF;
	v4 =	vld [tilespmem:s25+$0xE80]  }
0x18e: {  	v5 =	vmul.f32 v11, v5;
	v10 =	vmul.f32 v12, v10;
	s26 =	spop (v2sf);
	(v2sf) =	vpush v3, $0xF;
	v11 =	vld [tilespmem:s25+$0xE90]  }
0x18f: {  	v22 =	vadd.f32 v50, v22;
	v20, _, _ =	vpop (xrf2);
	v24 =	vmul.f32 v27, v24;
	v30 =	vmul.f32 v53, v52;
	v12 =	vld [tilespmem:s25+$0xEA0]  }
0x190: {  	v56 =	vbroadcast v2, $0x7;
	v9 =	vmul.f32 v13, v9;
	v20 =	vsub.f32 v20, v55;
	v13 =	vld [tilespmem:s25+$0xEB0]  }
0x191: {  	v58 =	vmul.f32 v28, v21;
	v24 =	vadd.f32 $0.0e+00, v24;
	v22 =	vadd.f32 v30, v22;
	v46 =	vld [tilespmem:s26+$0x1680]  }
0x192: {  	v61 =	vmul.f32 v23, v16;
	v18 =	vmul.f32 v18, v41;
	v57 =	vld [tilespmem:s26+$0x1690]  }
0x193: {  	v59 =	vmul.f32 v20, v20;
	v5 =	vadd.f32 v5, v24;
	v6 =	vadd.f32 v6, v22;
	v22 =	vld [tilespmem:s26+$0x16A0]  }
0x194: {  	v60 =	vadd.f32 $0.0e+00, v58;
	v20 =	vmul.f32 v38, v32;
	v23 =	vmul.f32 v40, v33;
	v21 =	vld [tilespmem:s26+$0x16B0];
	s28 =	spop (v2sf)  }
0x195: {  	v32 =	vmul.f32 v25, v17;
	v50 =	vmul.f32 v35, v31;
	v5 =	vadd.f32 v10, v5;
	v10 =	vld [tilespmem:s28+$0xF00]  }
0x196: {  	v35 =	vbroadcast v1, $0x8;
	v20 =	vadd.f32 $0.0e+00, v20;
	v8 =	vmul.f32 v43, v8;
	v33 =	vld [tilespmem:s28+$0xF10]  }
0x197: {  	v43 =	vmul.f32 v44, v19;
	v52 =	vmul.f32 v42, v14;
	v44 =	vld [tilespmem:s28+$0xF20]  }
0x198: {  	v58 =	vmul.f32 v45, v29;
	(xrf2) =	vadd.scan.msk.f32 $0xffff, v6;
	v6 =	vadd.f32 v61, v60;
	v38 =	vadd.f32 v23, v20;
	s29 =	spop (v2sf);
	v53 =	vld [tilespmem:s28+$0xF30]  }
0x199: {  	v20 =	vmul.f32 v39, v34;
	v40 =	vadd.f32 $0.0e+00, v8;
	v3 =	vmul.f32 v63, v54;
	v63 =	vld [tilespmem:s29+$0x1700]  }
0x19a: {  	v42 =	vbroadcast v1, $0x9;
	v5 =	vadd.f32 v9, v5;
	v39 =	vadd.f32 v32, v6;
	v23 =	vld [tilespmem:s29+$0x1710]  }
0x19b: {  	v45 =	vbroadcast v1, $0xA;
	v16 =	vadd.f32 v20, v38;
	v6 =	vadd.f32 v43, v40;
	v20 =	vld [tilespmem:s29+$0x1720]  }
0x19c: {  	(xrf2) =	vadd.scan.msk.f32 $0xffff, v5;
	v38 =	vbroadcast v2, $0xA;
	v5 =	vadd.f32 v18, v39;
	v7 =	vmul.f32 v49, v7;
	s30 =	spop (v2sf);
	v54 =	vld [tilespmem:s29+$0x1730]  }
0x19d: {  	v16 =	vadd.f32 v50, v16;
	v6 =	vadd.f32 v52, v6;
	v0 =	vmul.f32 v36, v0;
	v55 =	vld [tilespmem:s30+$0xF80];
	s31 =	spop (v2sf)  }
0x19e: {  	v4 =	vmul.f32 v46, v4;
	v7 =	vadd.f32 $0.0e+00, v7;
	v11 =	vmul.f32 v57, v11;
	v57 =	vld [tilespmem:s31+$0x1780]  }
0x19f: {  	(xrf2) =	vadd.scan.msk.f32 $0xffff, v5;
	v3 =	vadd.f32 v3, v15;
	v15 =	vmul.f32 v59, v62;
	v26 =	vmul.f32 v47, v26;
	v60 =	vld [tilespmem:s30+$0xF90]  }
0x1a0: {  	(xrf2) =	vadd.scan.msk.f32 $0xffff, v16;
	v24 =	vmul.f32 v37, v51;
	v4 =	vadd.f32 $0.0e+00, v4;
	v0 =	vadd.f32 v0, v7;
	v62 =	vld [tilespmem:s31+$0x1790]  }
0x1a1: {  	v6 =	vadd.f32 v58, v6;
	v61 =	vmul.f32 v22, v12;
	v27 =	vld [tilespmem:s31+$0x17A0];
	v10 =	vmul.f32 v63, v10  }
0x1a2: {  	v13 =	vmul.f32 v21, v13;
	v4 =	vadd.f32 v11, v4;
	v0 =	vadd.f32 v26, v0;
	v63 =	vld [tilespmem:s30+$0xFA0]  }
0x1a3: {  	v29 =	vld [tilespmem:s30+$0xFB0];
	v17 =	vmul.f32 v23, v33;
	v10 =	vadd.f32 $0.0e+00, v10;
	v8 =	vmul.f32 v57, v55  }
0x1a4: {  	v4 =	vadd.f32 v61, v4;
	v0 =	vadd.f32 v24, v0;
	v31 =	vld [tilespmem:s31+$0x17B0];
	v9 =	vmul.f32 v20, v44  }
0x1a5: {  	(xrf2) =	vadd.scan.msk.f32 $0xffff, v6;
	v11 =	vmul.f32 v62, v60;
	v30 =	vadd.f32 v17, v10;
	v8 =	vadd.f32 $0.0e+00, v8  }
0x1a6: {  	v36 =	vbroadcast v2, $0x9;
	v4 =	vadd.f32 v13, v4;
	v32 =	vmul.f32 v54, v53  }
0x1a7: {  	v59, _, _ =	vpop (xrf2);
	(xrf2) =	vadd.scan.msk.f32 $0xffff, v0;
	v5 =	vmul.f32 v27, v63;
	v6 =	vadd.f32 v9, v30;
	v8 =	vadd.f32 v11, v8  }
0x1a8: {  	v3 =	vadd.f32 v15, v3;
	v21, _, _ =	vpop (xrf2);
	v7 =	vsub.f32 v59, v56;
	v26 =	vbroadcast v2, $0x8;
	(xrf2) =	vadd.scan.msk.f32 $0xffff, v4  }
0x1a9: {  	v37, _, _ =	vpop (xrf2);
	v10 =	vmul.f32 v31, v29;
	v0 =	vadd.f32 v32, v6;
	v5 =	vadd.f32 v5, v8  }
0x1aa: {  	v39, _, _ =	vpop (xrf2);
	v7 =	vmul.f32 v7, v7;
	v19 =	vsub.f32 v21, v26;
	v33 =	vbroadcast v1, $0x7  }
0x1ab: {  	v43 =	vbroadcast v2, $0xB;
	v41 =	vsub.f32 v39, v38;
	(xrf2) =	vadd.scan.msk.f32 $0xffff, v0;
	v5 =	vadd.f32 v10, v5  }
0x1ac: {  	v34 =	vmul.f32 v19, v19;
	v7 =	vmul.f32 v7, v33;
	v6 =	vsub.f32 v37, v36  }
0x1ad: {  	v51 =	vbroadcast v2, $0xD;
	v4 =	vmul.f32 v41, v41;
	(xrf2) =	vadd.scan.msk.f32 $0xffff, v5  }
0x1ae: {  	v40 =	vmul.f32 v34, v35;
	v3 =	vadd.f32 v7, v3;
	v6 =	vmul.f32 v6, v6  }
0x1af: {  	v46 =	vbroadcast v2, $0xC;
	v4 =	vmul.f32 v4, v45;
	v44, _, _ =	vpop (xrf2)  }
0x1b0: {  	v48 =	vsub.f32 v44, v43;
	v0 =	vadd.f32 v40, v3;
	v49 =	vmul.f32 v6, v42  }
0x1b1: {  	v53 =	vbroadcast v1, $0xB;
	v54 =	vbroadcast v1, $0xC;
	v47, _, _ =	vpop (xrf2)  }
0x1b2: {  	v50 =	vsub.f32 v47, v46;
	v52, _, _ =	vpop (xrf2);
	v3 =	vmul.f32 v48, v48;
	v0 =	vadd.f32 v49, v0  }
0x1b3: {  	v55 =	vbroadcast v2, $0xE;
	v60 =	vbroadcast v1, $0xD;
	v7 =	vsub.f32 v52, v51  }
0x1b4: {  	v6 =	vmul.f32 v50, v50;
	v3 =	vmul.f32 v3, v53;
	v0 =	vadd.f32 v4, v0  }
0x1b5: {  	v2 =	vbroadcast v2, $0xF;
	v58 =	vmul.f32 v7, v7;
	v56, _, _ =	vpop (xrf2)  }
0x1b6: {  	v57 =	vmul.f32 v6, v54;
	v0 =	vadd.f32 v3, v0;
	v59 =	vsub.f32 v56, v55  }
0x1b7: {  	v61 =	vbroadcast v1, $0xE;
	v3 =	vmul.f32 v58, v60;
	v62, _, _ =	vpop (xrf2)  }
0x1b8: {  	v0 =	vadd.f32 v57, v0;
	v6 =	vmul.f32 v59, v59;
	v2 =	vsub.f32 v62, v2  }
0x1b9: {  	p0 =	sne.s32 s19, $0x7C0;
	v1 =	vbroadcast v1, $0xF  }
.Ltmp0:
0x1ba: {  	v0 =	vadd.f32 v3, v0;
	v63 =	vmul.f32 v6, v61;
	v2 =	vmul.f32 v2, v2;
	(pc) =	sbr.rel @p0 .LBB2_2-.Ltmp0, $3  }
0x1bb: {  	_ = 	snop  }
0x1bc: {  	v0 =	vadd.f32 v63, v0;
	v1 =	vmul.f32 v2, v1;
	_ =	sdelay $0x1  }
0x1bd: {  	s19 =	sadd.s32 $0x40, s19;
	v22 =	vadd.f32 v1, v0  }
0x1be: {  	s18 =	sadd.s32 $0x1, s18  }
0x1bf: {  	v0 =	vsel vm0, $0x0, v22;
	p0 =	sne.s32 s18, s10  }
.Ltmp1:
0x1c0: {  	[tilespmem:$0x1800] =	vst v0;
	(pc) =	sbr.rel @p0 .LBB2_1-.Ltmp1, $4  }
0x1c1: {  	[hbm4b:s9+s1] =	stream.linear.scatter [tilespmem:s16], [sflag:$0x3], $0x80, $0x38;
	[tilespmem:$0x1880] =	vst v63  }
0x1c2: {  	_ =	swait.ge [sflag:s17], $0x80  }
0x1c3: {  	[sflag:s17] =	ssyncset.done $0x0  }
0x1c4: {  	[sflag:s17] =	ssyncadd.s32 $0xFFFFFF80  }
0x1c5: {  	_ =	sfence.sel $0x180000  }
0x1c6: {  	[bflag:$0x0] =	sbarrier.arrive $0xFFFF  }
0x1c7: {  	p0 =	sne.s32 s4, $0x0;
	_ =	strace $0x90000047  }
0x1c8: {  	s0 =	sadd.s32 @!p0 $0x100000, s0;
	[bflag:$0x2] =	sbarrier.arrive $0xFFFF  }
0x1c9: {  	[sflag:s0] =	ssyncadd.tile.s32 @!p0 $0x1;
	_ =	shalt  }
.Lfunc_end2:
_tile_overlayer_lowered:
.L_overlay_start_2:
0x1ca: {  	(tag) =	ssettag $0x2  }
0x1cb: {  	s0 =	rddreg [dreg:$0x0];
	s2 =	stileid.u32  }
0x1cc: {  	s1 =	rddreg [dreg:$0x1];
	p0 =	sne.s32 s2, $0x0  }
0x1cd: {  	s3 =	rddreg [dreg:$0x2];
	[bflag:$0x3] =	sbarrier.arrive $0xFFFF;
	s2 =	simm.s32 @!p0 $0x1C03  }
0x1ce: {  	[timem:s3], [sflag:s2] =	dma.local @!p0 [hbm:s0], s1  }
0x1cf: {  	s0 =	simm.s32 @!p0 $0x3  }
0x1d0: {  	_ =	swait.ge @!p0 [sflag:s0], s1  }
0x1d1: {  	s1 =	ssub.s32 @!p0 $0x0, s1;
	[sflag:s0] =	ssyncset.done @!p0 $0x0  }
0x1d2: {  	[sflag:s0] =	ssyncadd.s32 @!p0 s1  }
0x1d3: {  	[bflag:$0x3] =	sbarrier.arrive $0xFFFF  }
0x1d4: {  	_ =	shalt  }

</sc_bundles>
